<compile_context>
chip_gen: v7x
topology: tpu7x:2x2x1
jax: 0.10.2.dev20260603
libtpu: 0.0.44.dev20260713+nightly
codegen_flags: <defaults>
</compile_context>

<pallas_src>
import jax
import jax.numpy as jnp
from jax import lax
from jax.experimental import pallas as pl
from jax.experimental.pallas import tpu as pltpu
from jax.experimental.pallas import tpu_sc as plsc

_B = 4096
_H = 50
_D = 128
_NCLS = 1000

_NC, _NS = 2, 16
_NW = _NC * _NS
_EPT = _B // _NW
_RPT = _EPT * _H
_ECH = 2
_RCH = _ECH * _H
_NSTEP = _EPT // _ECH
_CG = _D // 16


_NBUF = 4
_UNROLL = 5


def _pool_body(idx_hbm, table_hbm, out_hbm, idx_v, *rest):
    bufs = rest[:_NBUF]
    out_v = rest[_NBUF]
    sems = rest[_NBUF + 1:]
    c = lax.axis_index("c")
    s = lax.axis_index("s")
    pltpu.sync_copy(idx_hbm.at[c, s], idx_v)

    def fire(t, k):
        pltpu.async_copy(table_hbm.at[idx_v.at[t]], bufs[k], sems[k])

    def drain(t, k):
        pltpu.make_async_copy(table_hbm.at[idx_v.at[t]], bufs[k],
                              sems[k]).wait()

    def reduce_chunk(t, buf):
        for e in range(_ECH):
            def rowadd(j, acc):
                base = e * _H + j * _UNROLL
                for u in range(_UNROLL):
                    acc = tuple(
                        acc[cc] + buf[base + u, cc * 16:(cc + 1) * 16]
                        for cc in range(_CG))
                return acc
            acc = lax.fori_loop(
                0, _H // _UNROLL, rowadd,
                tuple(jnp.zeros((16,), jnp.float32) for _ in range(_CG)))
            row = t * _ECH + e
            for cc in range(_CG):
                out_v[row, cc * 16:(cc + 1) * 16] = acc[cc]

    for k in range(_NBUF - 1):
        fire(k, k)

    def step4(i, _):
        t0 = _NBUF * i
        for k in range(_NBUF):
            t = t0 + k
            drain(t, k)

            @pl.when(t + _NBUF - 1 < _NSTEP)
            def _():
                fire(t + _NBUF - 1, (k + _NBUF - 1) % _NBUF)
            reduce_chunk(t, bufs[k])
        return _
    lax.fori_loop(0, _NSTEP // _NBUF, step4, None)

    pltpu.sync_copy(out_v, out_hbm.at[pl.ds((c * _NS + s) * _EPT, _EPT)])


def _pooled_sum(idx, table):
    mesh = plsc.VectorSubcoreMesh(core_axis_name="c", subcore_axis_name="s")
    kfn = pl.kernel(
        _pool_body,
        out_type=jax.ShapeDtypeStruct((_B, _D), jnp.float32),
        mesh=mesh,
        scratch_types=(
            [pltpu.VMEM((_NSTEP, _RCH), jnp.int32)]
            + [pltpu.VMEM((_RCH, _D), jnp.float32)
               for _ in range(_NBUF)]
            + [pltpu.VMEM((_EPT, _D), jnp.float32)]
            + [pltpu.SemaphoreType.DMA for _ in range(_NBUF)]
        ),
    )
    return kfn(idx, table)


def _head_body(x_ref, w_ref, b_ref, o_ref):
    x = x_ref[...] * (1.0 / _H)
    o_ref[...] = lax.dot_general(
        w_ref[...], x, (((1,), (1,)), ((), ())),
        preferred_element_type=jnp.float32) + b_ref[...]


def _head(pooled_sum, w, b2):
    m_blk = 2048
    return pl.pallas_call(
        _head_body,
        grid=(_B // m_blk,),
        in_specs=[
            pl.BlockSpec((m_blk, _D), lambda i: (i, 0)),
            pl.BlockSpec((_NCLS, _D), lambda i: (0, 0)),
            pl.BlockSpec((_NCLS, 1), lambda i: (0, 0)),
        ],
        out_specs=pl.BlockSpec((_NCLS, m_blk), lambda i: (0, i)),
        out_shape=jax.ShapeDtypeStruct((_NCLS, _B), jnp.float32),
    )(pooled_sum, w, b2)


def kernel(inputs, table, W, b):
    idx = inputs.astype(jnp.int32).reshape(_NC, _NS, _NSTEP, _RCH)
    pooled = _pooled_sum(idx, table)
    return _head(pooled, W, b.reshape(_NCLS, 1)).T

# --- scband reference (transcript-rebuilt; emitter-appended) ---
"""Pipeline reference for scband-zero-layer-mlp-73830487818932 (READ-ONLY COPY).

The authoritative reference and input builder live on the scoring server;
editing this copy changes nothing except your own understanding.
"""

import jax, jax.numpy as jnp
import numpy as np

VOCAB = 100000
EMBED_DIM = 128
NUM_CLASSES = 1000
BATCH = 4096
HIST = 50

def setup_inputs(seed: int = 0) -> dict:
    key = jax.random.key(seed)
    k_idx, k_tab, k_w, k_b = jax.random.split(key, 4)
    inputs = jax.random.randint(k_idx, (BATCH, HIST), 0, VOCAB, dtype=jnp.int64 if jax.config.jax_enable_x64 else jnp.int32)
    table = jax.random.normal(k_tab, (VOCAB, EMBED_DIM), dtype=jnp.float32)
    W = jax.random.normal(k_w, (NUM_CLASSES, EMBED_DIM), dtype=jnp.float32) * (1.0 / np.sqrt(EMBED_DIM))
    b = jax.random.normal(k_b, (NUM_CLASSES,), dtype=jnp.float32) * 0.01
    return {"inputs": inputs, "table": table, "W": W, "b": b}

def reference(inputs, table, W, b):
    # embedding lookup: [B, L, D]
    embeddings = jnp.take(table, inputs, axis=0)
    # mean over sequence dim: [B, D]
    average_embeddings = jnp.mean(embeddings, axis=1)
    # linear head: [B, num_classes]
    final_out = average_embeddings @ W.T + b
    return final_out

if __name__ == "__main__":
    import jax
    _d = setup_inputs()
    print(jax.jit(kernel)(*tuple(_d.values())))

</pallas_src>

<mosaic_0001>
#map = affine_map<(d0, d1) -> (0, 0, 0, 0)>
#map1 = affine_map<(d0, d1) -> (0, 0)>
module attributes {stable_mosaic.version = 14 : i64} {
  func.func @_pool_body(%arg0: i32, %arg1: i32, %arg2: memref<2x16x64x100xi32, #tpu.memory_space<hbm>>, %arg3: memref<100000x128xf32, #tpu.memory_space<hbm>>, %arg4: memref<4096x128xf32, #tpu.memory_space<hbm>>, %arg5: memref<64x100xi32, #tpu.memory_space<vmem>>, %arg6: memref<100x128xf32, #tpu.memory_space<vmem>>, %arg7: memref<100x128xf32, #tpu.memory_space<vmem>>, %arg8: memref<100x128xf32, #tpu.memory_space<vmem>>, %arg9: memref<100x128xf32, #tpu.memory_space<vmem>>, %arg10: memref<128x128xf32, #tpu.memory_space<vmem>>, %arg11: memref<!tpu.dma_semaphore, #tpu.memory_space<semaphore_mem>>, %arg12: memref<!tpu.dma_semaphore, #tpu.memory_space<semaphore_mem>>, %arg13: memref<!tpu.dma_semaphore, #tpu.memory_space<semaphore_mem>>, %arg14: memref<!tpu.dma_semaphore, #tpu.memory_space<semaphore_mem>>) attributes {dimension_semantics = [#tpu.dimension_semantics<core_parallel>, #tpu.dimension_semantics<subcore_parallel>], iteration_bounds = array<i64: 2, 16>, scalar_prefetch = 0 : i64, scratch_operands = 10 : i64, tpu.core_type = #tpu.core_type<sc_vector_subcore>, window_params = [{transform_indices = #map}, {transform_indices = #map1}, {transform_indices = #map1}]} {
    "tpu.region"() ({
      %run_scoped3A = tpu.sem_alloc : memref<!tpu.dma_semaphore, #tpu.memory_space<semaphore_mem>>
      %dma_start3A_27 = arith.constant 0 : i32
      %dma_start3A_28 = arith.constant 0 : i32
      %dma_start3A_29 = tpu.memref_slice %arg2[%arg0, %arg1, %dma_start3A_27, %dma_start3A_28] : memref<2x16x64x100xi32, #tpu.memory_space<hbm>> -> memref<1x1x64x100xi32, #tpu.memory_space<hbm>>
      %dma_start3A_30 = tpu.memref_squeeze %dma_start3A_29 : memref<1x1x64x100xi32, #tpu.memory_space<hbm>> -> memref<64x100xi32, #tpu.memory_space<hbm>>
      %dma_start3A_31 = arith.constant 0 : i32
      %dma_start3A_32 = arith.constant 0 : i32
      %dma_start3A_33 = tpu.memref_slice %arg2[%arg0, %arg1, %dma_start3A_31, %dma_start3A_32] : memref<2x16x64x100xi32, #tpu.memory_space<hbm>> -> memref<1x1x64x100xi32, #tpu.memory_space<hbm>>
      %dma_start3A_34 = tpu.memref_squeeze %dma_start3A_33 : memref<1x1x64x100xi32, #tpu.memory_space<hbm>> -> memref<64x100xi32, #tpu.memory_space<hbm>>
      tpu.enqueue_dma source(%dma_start3A_34 : memref<64x100xi32, #tpu.memory_space<hbm>>) target(%arg5 : memref<64x100xi32, #tpu.memory_space<vmem>>) target_semaphore(%run_scoped3A : memref<!tpu.dma_semaphore, #tpu.memory_space<semaphore_mem>>)
      %dma_wait3A = arith.constant 0 : i32
      %dma_wait3A_35 = arith.constant 0 : i32
      %dma_wait3A_36 = tpu.memref_slice %arg2[%arg0, %arg1, %dma_wait3A, %dma_wait3A_35] : memref<2x16x64x100xi32, #tpu.memory_space<hbm>> -> memref<1x1x64x100xi32, #tpu.memory_space<hbm>>
      %dma_wait3A_37 = tpu.memref_squeeze %dma_wait3A_36 : memref<1x1x64x100xi32, #tpu.memory_space<hbm>> -> memref<64x100xi32, #tpu.memory_space<hbm>>
      %dma_wait3A_38 = arith.constant 0 : i32
      %dma_wait3A_39 = arith.constant 0 : i32
      %dma_wait3A_40 = tpu.memref_slice %arg2[%arg0, %arg1, %dma_wait3A_38, %dma_wait3A_39] : memref<2x16x64x100xi32, #tpu.memory_space<hbm>> -> memref<1x1x64x100xi32, #tpu.memory_space<hbm>>
      %dma_wait3A_41 = tpu.memref_squeeze %dma_wait3A_40 : memref<1x1x64x100xi32, #tpu.memory_space<hbm>> -> memref<64x100xi32, #tpu.memory_space<hbm>>
      tpu.wait_dma2 semaphore(%run_scoped3A : memref<!tpu.dma_semaphore, #tpu.memory_space<semaphore_mem>>) src(%dma_wait3A_41 : memref<64x100xi32, #tpu.memory_space<hbm>>) dst(%arg5 : memref<64x100xi32, #tpu.memory_space<vmem>>)
      tpu.yield
    }) : () -> ()
    %dma_start3A = arith.constant 0 : i32
    %dma_start3A_0 = arith.constant 0 : i32
    %dma_start3A_1 = tpu.memref_slice %arg5[%dma_start3A, %dma_start3A_0] : memref<64x100xi32, #tpu.memory_space<vmem>> -> memref<1x100xi32, #tpu.memory_space<vmem>>
    %dma_start3A_2 = tpu.memref_squeeze %dma_start3A_1 : memref<1x100xi32, #tpu.memory_space<vmem>> -> memref<100xi32, #tpu.memory_space<vmem>>
    %dma_start3A_3 = arith.constant 0 : i32
    %dma_start3A_4 = arith.constant 0 : i32
    %dma_start3A_5 = tpu.memref_slice %arg3[%dma_start3A_3, %dma_start3A_4] : memref<100000x128xf32, #tpu.memory_space<hbm>> -> memref<100000x128xf32, #tpu.memory_space<hbm>>
    tpu.enqueue_indirect_dma source(%dma_start3A_5 : memref<100000x128xf32, #tpu.memory_space<hbm>>) target(%arg6 : memref<100x128xf32, #tpu.memory_space<vmem>>) offsets(%dma_start3A_2 : memref<100xi32, #tpu.memory_space<vmem>>) semaphore(%arg11 : memref<!tpu.dma_semaphore, #tpu.memory_space<semaphore_mem>>)
    %dma_start3A_6 = arith.constant 1 : i32
    %dma_start3A_7 = arith.constant 0 : i32
    %dma_start3A_8 = tpu.memref_slice %arg5[%dma_start3A_6, %dma_start3A_7] : memref<64x100xi32, #tpu.memory_space<vmem>> -> memref<1x100xi32, #tpu.memory_space<vmem>>
    %dma_start3A_9 = tpu.memref_squeeze %dma_start3A_8 : memref<1x100xi32, #tpu.memory_space<vmem>> -> memref<100xi32, #tpu.memory_space<vmem>>
    %dma_start3A_10 = arith.constant 0 : i32
    %dma_start3A_11 = arith.constant 0 : i32
    %dma_start3A_12 = tpu.memref_slice %arg3[%dma_start3A_10, %dma_start3A_11] : memref<100000x128xf32, #tpu.memory_space<hbm>> -> memref<100000x128xf32, #tpu.memory_space<hbm>>
    tpu.enqueue_indirect_dma source(%dma_start3A_12 : memref<100000x128xf32, #tpu.memory_space<hbm>>) target(%arg7 : memref<100x128xf32, #tpu.memory_space<vmem>>) offsets(%dma_start3A_9 : memref<100xi32, #tpu.memory_space<vmem>>) semaphore(%arg12 : memref<!tpu.dma_semaphore, #tpu.memory_space<semaphore_mem>>)
    %dma_start3A_13 = arith.constant 2 : i32
    %dma_start3A_14 = arith.constant 0 : i32
    %dma_start3A_15 = tpu.memref_slice %arg5[%dma_start3A_13, %dma_start3A_14] : memref<64x100xi32, #tpu.memory_space<vmem>> -> memref<1x100xi32, #tpu.memory_space<vmem>>
    %dma_start3A_16 = tpu.memref_squeeze %dma_start3A_15 : memref<1x100xi32, #tpu.memory_space<vmem>> -> memref<100xi32, #tpu.memory_space<vmem>>
    %dma_start3A_17 = arith.constant 0 : i32
    %dma_start3A_18 = arith.constant 0 : i32
    %dma_start3A_19 = tpu.memref_slice %arg3[%dma_start3A_17, %dma_start3A_18] : memref<100000x128xf32, #tpu.memory_space<hbm>> -> memref<100000x128xf32, #tpu.memory_space<hbm>>
    tpu.enqueue_indirect_dma source(%dma_start3A_19 : memref<100000x128xf32, #tpu.memory_space<hbm>>) target(%arg8 : memref<100x128xf32, #tpu.memory_space<vmem>>) offsets(%dma_start3A_16 : memref<100xi32, #tpu.memory_space<vmem>>) semaphore(%arg13 : memref<!tpu.dma_semaphore, #tpu.memory_space<semaphore_mem>>)
    %scan3A = arith.constant 0 : i32
    %scan3A_20 = arith.constant 16 : i32
    %scan3A_21 = arith.addi %scan3A, %scan3A_20 : i32
    %scan3A_22 = arith.constant 1 : i32
    scf.for %scan3A_27 = %scan3A to %scan3A_21 step %scan3A_22  : i32 {
      %mul3A_28 = arith.constant 4 : i32
      %mul3A_29 = arith.muli %mul3A_28, %scan3A_27 : i32
      %add3A_30 = arith.constant 0 : i32
      %add3A_31 = arith.addi %mul3A_29, %add3A_30 : i32
      %dma_wait3A = arith.constant 0 : i32
      %dma_wait3A_32 = tpu.memref_slice %arg5[%add3A_31, %dma_wait3A] : memref<64x100xi32, #tpu.memory_space<vmem>> -> memref<1x100xi32, #tpu.memory_space<vmem>>
      %dma_wait3A_33 = tpu.memref_squeeze %dma_wait3A_32 : memref<1x100xi32, #tpu.memory_space<vmem>> -> memref<100xi32, #tpu.memory_space<vmem>>
      %dma_wait3A_34 = arith.constant 0 : i32
      %dma_wait3A_35 = arith.constant 0 : i32
      %dma_wait3A_36 = tpu.memref_slice %arg3[%dma_wait3A_34, %dma_wait3A_35] : memref<100000x128xf32, #tpu.memory_space<hbm>> -> memref<100000x128xf32, #tpu.memory_space<hbm>>
      tpu.wait_indirect_dma semaphore(%arg11 : memref<!tpu.dma_semaphore, #tpu.memory_space<semaphore_mem>>) src(%dma_wait3A_36 : memref<100000x128xf32, #tpu.memory_space<hbm>>) dst(%arg6 : memref<100x128xf32, #tpu.memory_space<vmem>>)
      %add3A_37 = arith.constant 4 : i32
      %add3A_38 = arith.addi %add3A_31, %add3A_37 : i32
      %sub3A = arith.constant 1 : i32
      %sub3A_39 = arith.subi %add3A_38, %sub3A : i32
      %lt3A = arith.constant 64 : i32
      %lt3A_40 = arith.cmpi slt, %sub3A_39, %lt3A : i32
      %convert_element_type3A = arith.extui %lt3A_40 : i1 to i32
      %cond3A = arith.constant 0 : i32
      %cond3A_41 = arith.cmpi ne, %convert_element_type3A, %cond3A : i32
      scf.if %cond3A_41 {
        %add3A_619 = arith.constant 4 : i32
        %add3A_620 = arith.addi %add3A_31, %add3A_619 : i32
        %sub3A_621 = arith.constant 1 : i32
        %sub3A_622 = arith.subi %add3A_620, %sub3A_621 : i32
        %dma_start3A_623 = arith.constant 0 : i32
        %dma_start3A_624 = tpu.memref_slice %arg5[%sub3A_622, %dma_start3A_623] : memref<64x100xi32, #tpu.memory_space<vmem>> -> memref<1x100xi32, #tpu.memory_space<vmem>>
        %dma_start3A_625 = tpu.memref_squeeze %dma_start3A_624 : memref<1x100xi32, #tpu.memory_space<vmem>> -> memref<100xi32, #tpu.memory_space<vmem>>
        %dma_start3A_626 = arith.constant 0 : i32
        %dma_start3A_627 = arith.constant 0 : i32
        %dma_start3A_628 = tpu.memref_slice %arg3[%dma_start3A_626, %dma_start3A_627] : memref<100000x128xf32, #tpu.memory_space<hbm>> -> memref<100000x128xf32, #tpu.memory_space<hbm>>
        tpu.enqueue_indirect_dma source(%dma_start3A_628 : memref<100000x128xf32, #tpu.memory_space<hbm>>) target(%arg9 : memref<100x128xf32, #tpu.memory_space<vmem>>) offsets(%dma_start3A_625 : memref<100xi32, #tpu.memory_space<vmem>>) semaphore(%arg14 : memref<!tpu.dma_semaphore, #tpu.memory_space<semaphore_mem>>)
      } else {
      }
      %broadcast_in_dim3A = arith.constant 0.000000e+00 : f32
      %broadcast_in_dim3A_42 = vector.broadcast %broadcast_in_dim3A : f32 to vector<16xf32>
      %broadcast_in_dim3A_43 = arith.constant 0.000000e+00 : f32
      %broadcast_in_dim3A_44 = vector.broadcast %broadcast_in_dim3A_43 : f32 to vector<16xf32>
      %broadcast_in_dim3A_45 = arith.constant 0.000000e+00 : f32
      %broadcast_in_dim3A_46 = vector.broadcast %broadcast_in_dim3A_45 : f32 to vector<16xf32>
      %broadcast_in_dim3A_47 = arith.constant 0.000000e+00 : f32
      %broadcast_in_dim3A_48 = vector.broadcast %broadcast_in_dim3A_47 : f32 to vector<16xf32>
      %broadcast_in_dim3A_49 = arith.constant 0.000000e+00 : f32
      %broadcast_in_dim3A_50 = vector.broadcast %broadcast_in_dim3A_49 : f32 to vector<16xf32>
      %broadcast_in_dim3A_51 = arith.constant 0.000000e+00 : f32
      %broadcast_in_dim3A_52 = vector.broadcast %broadcast_in_dim3A_51 : f32 to vector<16xf32>
      %broadcast_in_dim3A_53 = arith.constant 0.000000e+00 : f32
      %broadcast_in_dim3A_54 = vector.broadcast %broadcast_in_dim3A_53 : f32 to vector<16xf32>
      %broadcast_in_dim3A_55 = arith.constant 0.000000e+00 : f32
      %broadcast_in_dim3A_56 = vector.broadcast %broadcast_in_dim3A_55 : f32 to vector<16xf32>
      %scan3A_57 = arith.constant 0 : i32
      %scan3A_58 = arith.constant 10 : i32
      %scan3A_59 = arith.addi %scan3A_57, %scan3A_58 : i32
      %scan3A_60 = arith.constant 1 : i32
      %scan3A_61:8 = scf.for %scan3A_619 = %scan3A_57 to %scan3A_59 step %scan3A_60 iter_args(%scan3A_620 = %broadcast_in_dim3A_42, %scan3A_621 = %broadcast_in_dim3A_44, %scan3A_622 = %broadcast_in_dim3A_46, %scan3A_623 = %broadcast_in_dim3A_48, %scan3A_624 = %broadcast_in_dim3A_50, %scan3A_625 = %broadcast_in_dim3A_52, %scan3A_626 = %broadcast_in_dim3A_54, %scan3A_627 = %broadcast_in_dim3A_56) -> (vector<16xf32>, vector<16xf32>, vector<16xf32>, vector<16xf32>, vector<16xf32>, vector<16xf32>, vector<16xf32>, vector<16xf32>)  : i32 {
        %mul3A_628 = arith.constant 5 : i32
        %mul3A_629 = arith.muli %scan3A_619, %mul3A_628 : i32
        %add3A_630 = arith.constant 0 : i32
        %add3A_631 = arith.addi %add3A_630, %mul3A_629 : i32
        %add3A_632 = arith.constant 0 : i32
        %add3A_633 = arith.addi %add3A_631, %add3A_632 : i32
        %get3A = arith.index_cast %add3A_633 : i32 to index
        %get3A_634 = arith.constant 0 : index
        %get3A_635 = tpu.vector_load %arg6[%get3A, %get3A_634] {strides = array<i32>} : memref<100x128xf32, #tpu.memory_space<vmem>>, vector<1x16xf32>,
        %get3A_636 = vector.shape_cast %get3A_635 : vector<1x16xf32> to vector<16xf32>
        %add3A_637 = arith.addf %scan3A_620, %get3A_636 : vector<16xf32>
        %add3A_638 = arith.constant 0 : i32
        %add3A_639 = arith.addi %add3A_631, %add3A_638 : i32
        %get3A_640 = arith.index_cast %add3A_639 : i32 to index
        %get3A_641 = arith.constant 16 : index
        %get3A_642 = tpu.vector_load %arg6[%get3A_640, %get3A_641] {strides = array<i32>} : memref<100x128xf32, #tpu.memory_space<vmem>>, vector<1x16xf32>,
        %get3A_643 = vector.shape_cast %get3A_642 : vector<1x16xf32> to vector<16xf32>
        %add3A_644 = arith.addf %scan3A_621, %get3A_643 : vector<16xf32>
        %add3A_645 = arith.constant 0 : i32
        %add3A_646 = arith.addi %add3A_631, %add3A_645 : i32
        %get3A_647 = arith.index_cast %add3A_646 : i32 to index
        %get3A_648 = arith.constant 32 : index
        %get3A_649 = tpu.vector_load %arg6[%get3A_647, %get3A_648] {strides = array<i32>} : memref<100x128xf32, #tpu.memory_space<vmem>>, vector<1x16xf32>,
        %get3A_650 = vector.shape_cast %get3A_649 : vector<1x16xf32> to vector<16xf32>
        %add3A_651 = arith.addf %scan3A_622, %get3A_650 : vector<16xf32>
        %add3A_652 = arith.constant 0 : i32
        %add3A_653 = arith.addi %add3A_631, %add3A_652 : i32
        %get3A_654 = arith.index_cast %add3A_653 : i32 to index
        %get3A_655 = arith.constant 48 : index
        %get3A_656 = tpu.vector_load %arg6[%get3A_654, %get3A_655] {strides = array<i32>} : memref<100x128xf32, #tpu.memory_space<vmem>>, vector<1x16xf32>,
        %get3A_657 = vector.shape_cast %get3A_656 : vector<1x16xf32> to vector<16xf32>
        %add3A_658 = arith.addf %scan3A_623, %get3A_657 : vector<16xf32>
        %add3A_659 = arith.constant 0 : i32
        %add3A_660 = arith.addi %add3A_631, %add3A_659 : i32
        %get3A_661 = arith.index_cast %add3A_660 : i32 to index
        %get3A_662 = arith.constant 64 : index
        %get3A_663 = tpu.vector_load %arg6[%get3A_661, %get3A_662] {strides = array<i32>} : memref<100x128xf32, #tpu.memory_space<vmem>>, vector<1x16xf32>,
        %get3A_664 = vector.shape_cast %get3A_663 : vector<1x16xf32> to vector<16xf32>
        %add3A_665 = arith.addf %scan3A_624, %get3A_664 : vector<16xf32>
        %add3A_666 = arith.constant 0 : i32
        %add3A_667 = arith.addi %add3A_631, %add3A_666 : i32
        %get3A_668 = arith.index_cast %add3A_667 : i32 to index
        %get3A_669 = arith.constant 80 : index
        %get3A_670 = tpu.vector_load %arg6[%get3A_668, %get3A_669] {strides = array<i32>} : memref<100x128xf32, #tpu.memory_space<vmem>>, vector<1x16xf32>,
        %get3A_671 = vector.shape_cast %get3A_670 : vector<1x16xf32> to vector<16xf32>
        %add3A_672 = arith.addf %scan3A_625, %get3A_671 : vector<16xf32>
        %add3A_673 = arith.constant 0 : i32
        %add3A_674 = arith.addi %add3A_631, %add3A_673 : i32
        %get3A_675 = arith.index_cast %add3A_674 : i32 to index
        %get3A_676 = arith.constant 96 : index
        %get3A_677 = tpu.vector_load %arg6[%get3A_675, %get3A_676] {strides = array<i32>} : memref<100x128xf32, #tpu.memory_space<vmem>>, vector<1x16xf32>,
        %get3A_678 = vector.shape_cast %get3A_677 : vector<1x16xf32> to vector<16xf32>
        %add3A_679 = arith.addf %scan3A_626, %get3A_678 : vector<16xf32>
        %add3A_680 = arith.constant 0 : i32
        %add3A_681 = arith.addi %add3A_631, %add3A_680 : i32
        %get3A_682 = arith.index_cast %add3A_681 : i32 to index
        %get3A_683 = arith.constant 112 : index
        %get3A_684 = tpu.vector_load %arg6[%get3A_682, %get3A_683] {strides = array<i32>} : memref<100x128xf32, #tpu.memory_space<vmem>>, vector<1x16xf32>,
        %get3A_685 = vector.shape_cast %get3A_684 : vector<1x16xf32> to vector<16xf32>
        %add3A_686 = arith.addf %scan3A_627, %get3A_685 : vector<16xf32>
        %add3A_687 = arith.constant 1 : i32
        %add3A_688 = arith.addi %add3A_631, %add3A_687 : i32
        %get3A_689 = arith.index_cast %add3A_688 : i32 to index
        %get3A_690 = arith.constant 0 : index
        %get3A_691 = tpu.vector_load %arg6[%get3A_689, %get3A_690] {strides = array<i32>} : memref<100x128xf32, #tpu.memory_space<vmem>>, vector<1x16xf32>,
        %get3A_692 = vector.shape_cast %get3A_691 : vector<1x16xf32> to vector<16xf32>
        %add3A_693 = arith.addf %add3A_637, %get3A_692 : vector<16xf32>
        %add3A_694 = arith.constant 1 : i32
        %add3A_695 = arith.addi %add3A_631, %add3A_694 : i32
        %get3A_696 = arith.index_cast %add3A_695 : i32 to index
        %get3A_697 = arith.constant 16 : index
        %get3A_698 = tpu.vector_load %arg6[%get3A_696, %get3A_697] {strides = array<i32>} : memref<100x128xf32, #tpu.memory_space<vmem>>, vector<1x16xf32>,
        %get3A_699 = vector.shape_cast %get3A_698 : vector<1x16xf32> to vector<16xf32>
        %add3A_700 = arith.addf %add3A_644, %get3A_699 : vector<16xf32>
        %add3A_701 = arith.constant 1 : i32
        %add3A_702 = arith.addi %add3A_631, %add3A_701 : i32
        %get3A_703 = arith.index_cast %add3A_702 : i32 to index
        %get3A_704 = arith.constant 32 : index
        %get3A_705 = tpu.vector_load %arg6[%get3A_703, %get3A_704] {strides = array<i32>} : memref<100x128xf32, #tpu.memory_space<vmem>>, vector<1x16xf32>,
        %get3A_706 = vector.shape_cast %get3A_705 : vector<1x16xf32> to vector<16xf32>
        %add3A_707 = arith.addf %add3A_651, %get3A_706 : vector<16xf32>
        %add3A_708 = arith.constant 1 : i32
        %add3A_709 = arith.addi %add3A_631, %add3A_708 : i32
        %get3A_710 = arith.index_cast %add3A_709 : i32 to index
        %get3A_711 = arith.constant 48 : index
        %get3A_712 = tpu.vector_load %arg6[%get3A_710, %get3A_711] {strides = array<i32>} : memref<100x128xf32, #tpu.memory_space<vmem>>, vector<1x16xf32>,
        %get3A_713 = vector.shape_cast %get3A_712 : vector<1x16xf32> to vector<16xf32>
        %add3A_714 = arith.addf %add3A_658, %get3A_713 : vector<16xf32>
        %add3A_715 = arith.constant 1 : i32
        %add3A_716 = arith.addi %add3A_631, %add3A_715 : i32
        %get3A_717 = arith.index_cast %add3A_716 : i32 to index
        %get3A_718 = arith.constant 64 : index
        %get3A_719 = tpu.vector_load %arg6[%get3A_717, %get3A_718] {strides = array<i32>} : memref<100x128xf32, #tpu.memory_space<vmem>>, vector<1x16xf32>,
        %get3A_720 = vector.shape_cast %get3A_719 : vector<1x16xf32> to vector<16xf32>
        %add3A_721 = arith.addf %add3A_665, %get3A_720 : vector<16xf32>
        %add3A_722 = arith.constant 1 : i32
        %add3A_723 = arith.addi %add3A_631, %add3A_722 : i32
        %get3A_724 = arith.index_cast %add3A_723 : i32 to index
        %get3A_725 = arith.constant 80 : index
        %get3A_726 = tpu.vector_load %arg6[%get3A_724, %get3A_725] {strides = array<i32>} : memref<100x128xf32, #tpu.memory_space<vmem>>, vector<1x16xf32>,
        %get3A_727 = vector.shape_cast %get3A_726 : vector<1x16xf32> to vector<16xf32>
        %add3A_728 = arith.addf %add3A_672, %get3A_727 : vector<16xf32>
        %add3A_729 = arith.constant 1 : i32
        %add3A_730 = arith.addi %add3A_631, %add3A_729 : i32
        %get3A_731 = arith.index_cast %add3A_730 : i32 to index
        %get3A_732 = arith.constant 96 : index
        %get3A_733 = tpu.vector_load %arg6[%get3A_731, %get3A_732] {strides = array<i32>} : memref<100x128xf32, #tpu.memory_space<vmem>>, vector<1x16xf32>,
        %get3A_734 = vector.shape_cast %get3A_733 : vector<1x16xf32> to vector<16xf32>
        %add3A_735 = arith.addf %add3A_679, %get3A_734 : vector<16xf32>
        %add3A_736 = arith.constant 1 : i32
        %add3A_737 = arith.addi %add3A_631, %add3A_736 : i32
        %get3A_738 = arith.index_cast %add3A_737 : i32 to index
        %get3A_739 = arith.constant 112 : index
        %get3A_740 = tpu.vector_load %arg6[%get3A_738, %get3A_739] {strides = array<i32>} : memref<100x128xf32, #tpu.memory_space<vmem>>, vector<1x16xf32>,
        %get3A_741 = vector.shape_cast %get3A_740 : vector<1x16xf32> to vector<16xf32>
        %add3A_742 = arith.addf %add3A_686, %get3A_741 : vector<16xf32>
        %add3A_743 = arith.constant 2 : i32
        %add3A_744 = arith.addi %add3A_631, %add3A_743 : i32
        %get3A_745 = arith.index_cast %add3A_744 : i32 to index
        %get3A_746 = arith.constant 0 : index
        %get3A_747 = tpu.vector_load %arg6[%get3A_745, %get3A_746] {strides = array<i32>} : memref<100x128xf32, #tpu.memory_space<vmem>>, vector<1x16xf32>,
        %get3A_748 = vector.shape_cast %get3A_747 : vector<1x16xf32> to vector<16xf32>
        %add3A_749 = arith.addf %add3A_693, %get3A_748 : vector<16xf32>
        %add3A_750 = arith.constant 2 : i32
        %add3A_751 = arith.addi %add3A_631, %add3A_750 : i32
        %get3A_752 = arith.index_cast %add3A_751 : i32 to index
        %get3A_753 = arith.constant 16 : index
        %get3A_754 = tpu.vector_load %arg6[%get3A_752, %get3A_753] {strides = array<i32>} : memref<100x128xf32, #tpu.memory_space<vmem>>, vector<1x16xf32>,
        %get3A_755 = vector.shape_cast %get3A_754 : vector<1x16xf32> to vector<16xf32>
        %add3A_756 = arith.addf %add3A_700, %get3A_755 : vector<16xf32>
        %add3A_757 = arith.constant 2 : i32
        %add3A_758 = arith.addi %add3A_631, %add3A_757 : i32
        %get3A_759 = arith.index_cast %add3A_758 : i32 to index
        %get3A_760 = arith.constant 32 : index
        %get3A_761 = tpu.vector_load %arg6[%get3A_759, %get3A_760] {strides = array<i32>} : memref<100x128xf32, #tpu.memory_space<vmem>>, vector<1x16xf32>,
        %get3A_762 = vector.shape_cast %get3A_761 : vector<1x16xf32> to vector<16xf32>
        %add3A_763 = arith.addf %add3A_707, %get3A_762 : vector<16xf32>
        %add3A_764 = arith.constant 2 : i32
        %add3A_765 = arith.addi %add3A_631, %add3A_764 : i32
        %get3A_766 = arith.index_cast %add3A_765 : i32 to index
        %get3A_767 = arith.constant 48 : index
        %get3A_768 = tpu.vector_load %arg6[%get3A_766, %get3A_767] {strides = array<i32>} : memref<100x128xf32, #tpu.memory_space<vmem>>, vector<1x16xf32>,
        %get3A_769 = vector.shape_cast %get3A_768 : vector<1x16xf32> to vector<16xf32>
        %add3A_770 = arith.addf %add3A_714, %get3A_769 : vector<16xf32>
        %add3A_771 = arith.constant 2 : i32
        %add3A_772 = arith.addi %add3A_631, %add3A_771 : i32
        %get3A_773 = arith.index_cast %add3A_772 : i32 to index
        %get3A_774 = arith.constant 64 : index
        %get3A_775 = tpu.vector_load %arg6[%get3A_773, %get3A_774] {strides = array<i32>} : memref<100x128xf32, #tpu.memory_space<vmem>>, vector<1x16xf32>,
        %get3A_776 = vector.shape_cast %get3A_775 : vector<1x16xf32> to vector<16xf32>
        %add3A_777 = arith.addf %add3A_721, %get3A_776 : vector<16xf32>
        %add3A_778 = arith.constant 2 : i32
        %add3A_779 = arith.addi %add3A_631, %add3A_778 : i32
        %get3A_780 = arith.index_cast %add3A_779 : i32 to index
        %get3A_781 = arith.constant 80 : index
        %get3A_782 = tpu.vector_load %arg6[%get3A_780, %get3A_781] {strides = array<i32>} : memref<100x128xf32, #tpu.memory_space<vmem>>, vector<1x16xf32>,
        %get3A_783 = vector.shape_cast %get3A_782 : vector<1x16xf32> to vector<16xf32>
        %add3A_784 = arith.addf %add3A_728, %get3A_783 : vector<16xf32>
        %add3A_785 = arith.constant 2 : i32
        %add3A_786 = arith.addi %add3A_631, %add3A_785 : i32
        %get3A_787 = arith.index_cast %add3A_786 : i32 to index
        %get3A_788 = arith.constant 96 : index
        %get3A_789 = tpu.vector_load %arg6[%get3A_787, %get3A_788] {strides = array<i32>} : memref<100x128xf32, #tpu.memory_space<vmem>>, vector<1x16xf32>,
        %get3A_790 = vector.shape_cast %get3A_789 : vector<1x16xf32> to vector<16xf32>
        %add3A_791 = arith.addf %add3A_735, %get3A_790 : vector<16xf32>
        %add3A_792 = arith.constant 2 : i32
        %add3A_793 = arith.addi %add3A_631, %add3A_792 : i32
        %get3A_794 = arith.index_cast %add3A_793 : i32 to index
        %get3A_795 = arith.constant 112 : index
        %get3A_796 = tpu.vector_load %arg6[%get3A_794, %get3A_795] {strides = array<i32>} : memref<100x128xf32, #tpu.memory_space<vmem>>, vector<1x16xf32>,
        %get3A_797 = vector.shape_cast %get3A_796 : vector<1x16xf32> to vector<16xf32>
        %add3A_798 = arith.addf %add3A_742, %get3A_797 : vector<16xf32>
        %add3A_799 = arith.constant 3 : i32
        %add3A_800 = arith.addi %add3A_631, %add3A_799 : i32
        %get3A_801 = arith.index_cast %add3A_800 : i32 to index
        %get3A_802 = arith.constant 0 : index
        %get3A_803 = tpu.vector_load %arg6[%get3A_801, %get3A_802] {strides = array<i32>} : memref<100x128xf32, #tpu.memory_space<vmem>>, vector<1x16xf32>,
        %get3A_804 = vector.shape_cast %get3A_803 : vector<1x16xf32> to vector<16xf32>
        %add3A_805 = arith.addf %add3A_749, %get3A_804 : vector<16xf32>
        %add3A_806 = arith.constant 3 : i32
        %add3A_807 = arith.addi %add3A_631, %add3A_806 : i32
        %get3A_808 = arith.index_cast %add3A_807 : i32 to index
        %get3A_809 = arith.constant 16 : index
        %get3A_810 = tpu.vector_load %arg6[%get3A_808, %get3A_809] {strides = array<i32>} : memref<100x128xf32, #tpu.memory_space<vmem>>, vector<1x16xf32>,
        %get3A_811 = vector.shape_cast %get3A_810 : vector<1x16xf32> to vector<16xf32>
        %add3A_812 = arith.addf %add3A_756, %get3A_811 : vector<16xf32>
        %add3A_813 = arith.constant 3 : i32
        %add3A_814 = arith.addi %add3A_631, %add3A_813 : i32
        %get3A_815 = arith.index_cast %add3A_814 : i32 to index
        %get3A_816 = arith.constant 32 : index
        %get3A_817 = tpu.vector_load %arg6[%get3A_815, %get3A_816] {strides = array<i32>} : memref<100x128xf32, #tpu.memory_space<vmem>>, vector<1x16xf32>,
        %get3A_818 = vector.shape_cast %get3A_817 : vector<1x16xf32> to vector<16xf32>
        %add3A_819 = arith.addf %add3A_763, %get3A_818 : vector<16xf32>
        %add3A_820 = arith.constant 3 : i32
        %add3A_821 = arith.addi %add3A_631, %add3A_820 : i32
        %get3A_822 = arith.index_cast %add3A_821 : i32 to index
        %get3A_823 = arith.constant 48 : index
        %get3A_824 = tpu.vector_load %arg6[%get3A_822, %get3A_823] {strides = array<i32>} : memref<100x128xf32, #tpu.memory_space<vmem>>, vector<1x16xf32>,
        %get3A_825 = vector.shape_cast %get3A_824 : vector<1x16xf32> to vector<16xf32>
        %add3A_826 = arith.addf %add3A_770, %get3A_825 : vector<16xf32>
        %add3A_827 = arith.constant 3 : i32
        %add3A_828 = arith.addi %add3A_631, %add3A_827 : i32
        %get3A_829 = arith.index_cast %add3A_828 : i32 to index
        %get3A_830 = arith.constant 64 : index
        %get3A_831 = tpu.vector_load %arg6[%get3A_829, %get3A_830] {strides = array<i32>} : memref<100x128xf32, #tpu.memory_space<vmem>>, vector<1x16xf32>,
        %get3A_832 = vector.shape_cast %get3A_831 : vector<1x16xf32> to vector<16xf32>
        %add3A_833 = arith.addf %add3A_777, %get3A_832 : vector<16xf32>
        %add3A_834 = arith.constant 3 : i32
        %add3A_835 = arith.addi %add3A_631, %add3A_834 : i32
        %get3A_836 = arith.index_cast %add3A_835 : i32 to index
        %get3A_837 = arith.constant 80 : index
        %get3A_838 = tpu.vector_load %arg6[%get3A_836, %get3A_837] {strides = array<i32>} : memref<100x128xf32, #tpu.memory_space<vmem>>, vector<1x16xf32>,
        %get3A_839 = vector.shape_cast %get3A_838 : vector<1x16xf32> to vector<16xf32>
        %add3A_840 = arith.addf %add3A_784, %get3A_839 : vector<16xf32>
        %add3A_841 = arith.constant 3 : i32
        %add3A_842 = arith.addi %add3A_631, %add3A_841 : i32
        %get3A_843 = arith.index_cast %add3A_842 : i32 to index
        %get3A_844 = arith.constant 96 : index
        %get3A_845 = tpu.vector_load %arg6[%get3A_843, %get3A_844] {strides = array<i32>} : memref<100x128xf32, #tpu.memory_space<vmem>>, vector<1x16xf32>,
        %get3A_846 = vector.shape_cast %get3A_845 : vector<1x16xf32> to vector<16xf32>
        %add3A_847 = arith.addf %add3A_791, %get3A_846 : vector<16xf32>
        %add3A_848 = arith.constant 3 : i32
        %add3A_849 = arith.addi %add3A_631, %add3A_848 : i32
        %get3A_850 = arith.index_cast %add3A_849 : i32 to index
        %get3A_851 = arith.constant 112 : index
        %get3A_852 = tpu.vector_load %arg6[%get3A_850, %get3A_851] {strides = array<i32>} : memref<100x128xf32, #tpu.memory_space<vmem>>, vector<1x16xf32>,
        %get3A_853 = vector.shape_cast %get3A_852 : vector<1x16xf32> to vector<16xf32>
        %add3A_854 = arith.addf %add3A_798, %get3A_853 : vector<16xf32>
        %add3A_855 = arith.constant 4 : i32
        %add3A_856 = arith.addi %add3A_631, %add3A_855 : i32
        %get3A_857 = arith.index_cast %add3A_856 : i32 to index
        %get3A_858 = arith.constant 0 : index
        %get3A_859 = tpu.vector_load %arg6[%get3A_857, %get3A_858] {strides = array<i32>} : memref<100x128xf32, #tpu.memory_space<vmem>>, vector<1x16xf32>,
        %get3A_860 = vector.shape_cast %get3A_859 : vector<1x16xf32> to vector<16xf32>
        %add3A_861 = arith.addf %add3A_805, %get3A_860 : vector<16xf32>
        %add3A_862 = arith.constant 4 : i32
        %add3A_863 = arith.addi %add3A_631, %add3A_862 : i32
        %get3A_864 = arith.index_cast %add3A_863 : i32 to index
        %get3A_865 = arith.constant 16 : index
        %get3A_866 = tpu.vector_load %arg6[%get3A_864, %get3A_865] {strides = array<i32>} : memref<100x128xf32, #tpu.memory_space<vmem>>, vector<1x16xf32>,
        %get3A_867 = vector.shape_cast %get3A_866 : vector<1x16xf32> to vector<16xf32>
        %add3A_868 = arith.addf %add3A_812, %get3A_867 : vector<16xf32>
        %add3A_869 = arith.constant 4 : i32
        %add3A_870 = arith.addi %add3A_631, %add3A_869 : i32
        %get3A_871 = arith.index_cast %add3A_870 : i32 to index
        %get3A_872 = arith.constant 32 : index
        %get3A_873 = tpu.vector_load %arg6[%get3A_871, %get3A_872] {strides = array<i32>} : memref<100x128xf32, #tpu.memory_space<vmem>>, vector<1x16xf32>,
        %get3A_874 = vector.shape_cast %get3A_873 : vector<1x16xf32> to vector<16xf32>
        %add3A_875 = arith.addf %add3A_819, %get3A_874 : vector<16xf32>
        %add3A_876 = arith.constant 4 : i32
        %add3A_877 = arith.addi %add3A_631, %add3A_876 : i32
        %get3A_878 = arith.index_cast %add3A_877 : i32 to index
        %get3A_879 = arith.constant 48 : index
        %get3A_880 = tpu.vector_load %arg6[%get3A_878, %get3A_879] {strides = array<i32>} : memref<100x128xf32, #tpu.memory_space<vmem>>, vector<1x16xf32>,
        %get3A_881 = vector.shape_cast %get3A_880 : vector<1x16xf32> to vector<16xf32>
        %add3A_882 = arith.addf %add3A_826, %get3A_881 : vector<16xf32>
        %add3A_883 = arith.constant 4 : i32
        %add3A_884 = arith.addi %add3A_631, %add3A_883 : i32
        %get3A_885 = arith.index_cast %add3A_884 : i32 to index
        %get3A_886 = arith.constant 64 : index
        %get3A_887 = tpu.vector_load %arg6[%get3A_885, %get3A_886] {strides = array<i32>} : memref<100x128xf32, #tpu.memory_space<vmem>>, vector<1x16xf32>,
        %get3A_888 = vector.shape_cast %get3A_887 : vector<1x16xf32> to vector<16xf32>
        %add3A_889 = arith.addf %add3A_833, %get3A_888 : vector<16xf32>
        %add3A_890 = arith.constant 4 : i32
        %add3A_891 = arith.addi %add3A_631, %add3A_890 : i32
        %get3A_892 = arith.index_cast %add3A_891 : i32 to index
        %get3A_893 = arith.constant 80 : index
        %get3A_894 = tpu.vector_load %arg6[%get3A_892, %get3A_893] {strides = array<i32>} : memref<100x128xf32, #tpu.memory_space<vmem>>, vector<1x16xf32>,
        %get3A_895 = vector.shape_cast %get3A_894 : vector<1x16xf32> to vector<16xf32>
        %add3A_896 = arith.addf %add3A_840, %get3A_895 : vector<16xf32>
        %add3A_897 = arith.constant 4 : i32
        %add3A_898 = arith.addi %add3A_631, %add3A_897 : i32
        %get3A_899 = arith.index_cast %add3A_898 : i32 to index
        %get3A_900 = arith.constant 96 : index
        %get3A_901 = tpu.vector_load %arg6[%get3A_899, %get3A_900] {strides = array<i32>} : memref<100x128xf32, #tpu.memory_space<vmem>>, vector<1x16xf32>,
        %get3A_902 = vector.shape_cast %get3A_901 : vector<1x16xf32> to vector<16xf32>
        %add3A_903 = arith.addf %add3A_847, %get3A_902 : vector<16xf32>
        %add3A_904 = arith.constant 4 : i32
        %add3A_905 = arith.addi %add3A_631, %add3A_904 : i32
        %get3A_906 = arith.index_cast %add3A_905 : i32 to index
        %get3A_907 = arith.constant 112 : index
        %get3A_908 = tpu.vector_load %arg6[%get3A_906, %get3A_907] {strides = array<i32>} : memref<100x128xf32, #tpu.memory_space<vmem>>, vector<1x16xf32>,
        %get3A_909 = vector.shape_cast %get3A_908 : vector<1x16xf32> to vector<16xf32>
        %add3A_910 = arith.addf %add3A_854, %get3A_909 : vector<16xf32>
        scf.yield %add3A_861, %add3A_868, %add3A_875, %add3A_882, %add3A_889, %add3A_896, %add3A_903, %add3A_910 : vector<16xf32>, vector<16xf32>, vector<16xf32>, vector<16xf32>, vector<16xf32>, vector<16xf32>, vector<16xf32>, vector<16xf32>
      }
      %scan3A_62 = arith.constant 10 : i32
      %mul3A_63 = arith.constant 2 : i32
      %mul3A_64 = arith.muli %add3A_31, %mul3A_63 : i32
      %add3A_65 = arith.constant 0 : i32
      %add3A_66 = arith.addi %mul3A_64, %add3A_65 : i32
      %swap3A = arith.index_cast %add3A_66 : i32 to index
      %swap3A_67 = arith.constant 0 : index
      %swap3A_68 = tpu.vector_load %arg10[%swap3A, %swap3A_67] {strides = array<i32>} : memref<128x128xf32, #tpu.memory_space<vmem>>, vector<1x16xf32>,
      %swap3A_69 = vector.shape_cast %swap3A_68 : vector<1x16xf32> to vector<16xf32>
      %swap3A_70 = vector.shape_cast %scan3A_61#0 : vector<16xf32> to vector<1x16xf32>
      tpu.vector_store %arg10[%swap3A, %swap3A_67], %swap3A_70 {strides = array<i32>} : memref<128x128xf32, #tpu.memory_space<vmem>>, vector<1x16xf32>,
      %swap3A_71 = arith.index_cast %add3A_66 : i32 to index
      %swap3A_72 = arith.constant 16 : index
      %swap3A_73 = tpu.vector_load %arg10[%swap3A_71, %swap3A_72] {strides = array<i32>} : memref<128x128xf32, #tpu.memory_space<vmem>>, vector<1x16xf32>,
      %swap3A_74 = vector.shape_cast %swap3A_73 : vector<1x16xf32> to vector<16xf32>
      %swap3A_75 = vector.shape_cast %scan3A_61#1 : vector<16xf32> to vector<1x16xf32>
      tpu.vector_store %arg10[%swap3A_71, %swap3A_72], %swap3A_75 {strides = array<i32>} : memref<128x128xf32, #tpu.memory_space<vmem>>, vector<1x16xf32>,
      %swap3A_76 = arith.index_cast %add3A_66 : i32 to index
      %swap3A_77 = arith.constant 32 : index
      %swap3A_78 = tpu.vector_load %arg10[%swap3A_76, %swap3A_77] {strides = array<i32>} : memref<128x128xf32, #tpu.memory_space<vmem>>, vector<1x16xf32>,
      %swap3A_79 = vector.shape_cast %swap3A_78 : vector<1x16xf32> to vector<16xf32>
      %swap3A_80 = vector.shape_cast %scan3A_61#2 : vector<16xf32> to vector<1x16xf32>
      tpu.vector_store %arg10[%swap3A_76, %swap3A_77], %swap3A_80 {strides = array<i32>} : memref<128x128xf32, #tpu.memory_space<vmem>>, vector<1x16xf32>,
      %swap3A_81 = arith.index_cast %add3A_66 : i32 to index
      %swap3A_82 = arith.constant 48 : index
      %swap3A_83 = tpu.vector_load %arg10[%swap3A_81, %swap3A_82] {strides = array<i32>} : memref<128x128xf32, #tpu.memory_space<vmem>>, vector<1x16xf32>,
      %swap3A_84 = vector.shape_cast %swap3A_83 : vector<1x16xf32> to vector<16xf32>
      %swap3A_85 = vector.shape_cast %scan3A_61#3 : vector<16xf32> to vector<1x16xf32>
      tpu.vector_store %arg10[%swap3A_81, %swap3A_82], %swap3A_85 {strides = array<i32>} : memref<128x128xf32, #tpu.memory_space<vmem>>, vector<1x16xf32>,
      %swap3A_86 = arith.index_cast %add3A_66 : i32 to index
      %swap3A_87 = arith.constant 64 : index
      %swap3A_88 = tpu.vector_load %arg10[%swap3A_86, %swap3A_87] {strides = array<i32>} : memref<128x128xf32, #tpu.memory_space<vmem>>, vector<1x16xf32>,
      %swap3A_89 = vector.shape_cast %swap3A_88 : vector<1x16xf32> to vector<16xf32>
      %swap3A_90 = vector.shape_cast %scan3A_61#4 : vector<16xf32> to vector<1x16xf32>
      tpu.vector_store %arg10[%swap3A_86, %swap3A_87], %swap3A_90 {strides = array<i32>} : memref<128x128xf32, #tpu.memory_space<vmem>>, vector<1x16xf32>,
      %swap3A_91 = arith.index_cast %add3A_66 : i32 to index
      %swap3A_92 = arith.constant 80 : index
      %swap3A_93 = tpu.vector_load %arg10[%swap3A_91, %swap3A_92] {strides = array<i32>} : memref<128x128xf32, #tpu.memory_space<vmem>>, vector<1x16xf32>,
      %swap3A_94 = vector.shape_cast %swap3A_93 : vector<1x16xf32> to vector<16xf32>
      %swap3A_95 = vector.shape_cast %scan3A_61#5 : vector<16xf32> to vector<1x16xf32>
      tpu.vector_store %arg10[%swap3A_91, %swap3A_92], %swap3A_95 {strides = array<i32>} : memref<128x128xf32, #tpu.memory_space<vmem>>, vector<1x16xf32>,
      %swap3A_96 = arith.index_cast %add3A_66 : i32 to index
      %swap3A_97 = arith.constant 96 : index
      %swap3A_98 = tpu.vector_load %arg10[%swap3A_96, %swap3A_97] {strides = array<i32>} : memref<128x128xf32, #tpu.memory_space<vmem>>, vector<1x16xf32>,
      %swap3A_99 = vector.shape_cast %swap3A_98 : vector<1x16xf32> to vector<16xf32>
      %swap3A_100 = vector.shape_cast %scan3A_61#6 : vector<16xf32> to vector<1x16xf32>
      tpu.vector_store %arg10[%swap3A_96, %swap3A_97], %swap3A_100 {strides = array<i32>} : memref<128x128xf32, #tpu.memory_space<vmem>>, vector<1x16xf32>,
      %swap3A_101 = arith.index_cast %add3A_66 : i32 to index
      %swap3A_102 = arith.constant 112 : index
      %swap3A_103 = tpu.vector_load %arg10[%swap3A_101, %swap3A_102] {strides = array<i32>} : memref<128x128xf32, #tpu.memory_space<vmem>>, vector<1x16xf32>,
      %swap3A_104 = vector.shape_cast %swap3A_103 : vector<1x16xf32> to vector<16xf32>
      %swap3A_105 = vector.shape_cast %scan3A_61#7 : vector<16xf32> to vector<1x16xf32>
      tpu.vector_store %arg10[%swap3A_101, %swap3A_102], %swap3A_105 {strides = array<i32>} : memref<128x128xf32, #tpu.memory_space<vmem>>, vector<1x16xf32>,
      %broadcast_in_dim3A_106 = arith.constant 0.000000e+00 : f32
      %broadcast_in_dim3A_107 = vector.broadcast %broadcast_in_dim3A_106 : f32 to vector<16xf32>
      %broadcast_in_dim3A_108 = arith.constant 0.000000e+00 : f32
      %broadcast_in_dim3A_109 = vector.broadcast %broadcast_in_dim3A_108 : f32 to vector<16xf32>
      %broadcast_in_dim3A_110 = arith.constant 0.000000e+00 : f32
      %broadcast_in_dim3A_111 = vector.broadcast %broadcast_in_dim3A_110 : f32 to vector<16xf32>
      %broadcast_in_dim3A_112 = arith.constant 0.000000e+00 : f32
      %broadcast_in_dim3A_113 = vector.broadcast %broadcast_in_dim3A_112 : f32 to vector<16xf32>
      %broadcast_in_dim3A_114 = arith.constant 0.000000e+00 : f32
      %broadcast_in_dim3A_115 = vector.broadcast %broadcast_in_dim3A_114 : f32 to vector<16xf32>
      %broadcast_in_dim3A_116 = arith.constant 0.000000e+00 : f32
      %broadcast_in_dim3A_117 = vector.broadcast %broadcast_in_dim3A_116 : f32 to vector<16xf32>
      %broadcast_in_dim3A_118 = arith.constant 0.000000e+00 : f32
      %broadcast_in_dim3A_119 = vector.broadcast %broadcast_in_dim3A_118 : f32 to vector<16xf32>
      %broadcast_in_dim3A_120 = arith.constant 0.000000e+00 : f32
      %broadcast_in_dim3A_121 = vector.broadcast %broadcast_in_dim3A_120 : f32 to vector<16xf32>
      %scan3A_122 = arith.constant 0 : i32
      %scan3A_123 = arith.constant 10 : i32
      %scan3A_124 = arith.addi %scan3A_122, %scan3A_123 : i32
      %scan3A_125 = arith.constant 1 : i32
      %scan3A_126:8 = scf.for %scan3A_619 = %scan3A_122 to %scan3A_124 step %scan3A_125 iter_args(%scan3A_620 = %broadcast_in_dim3A_107, %scan3A_621 = %broadcast_in_dim3A_109, %scan3A_622 = %broadcast_in_dim3A_111, %scan3A_623 = %broadcast_in_dim3A_113, %scan3A_624 = %broadcast_in_dim3A_115, %scan3A_625 = %broadcast_in_dim3A_117, %scan3A_626 = %broadcast_in_dim3A_119, %scan3A_627 = %broadcast_in_dim3A_121) -> (vector<16xf32>, vector<16xf32>, vector<16xf32>, vector<16xf32>, vector<16xf32>, vector<16xf32>, vector<16xf32>, vector<16xf32>)  : i32 {
        %mul3A_628 = arith.constant 5 : i32
        %mul3A_629 = arith.muli %scan3A_619, %mul3A_628 : i32
        %add3A_630 = arith.constant 50 : i32
        %add3A_631 = arith.addi %add3A_630, %mul3A_629 : i32
        %add3A_632 = arith.constant 0 : i32
        %add3A_633 = arith.addi %add3A_631, %add3A_632 : i32
        %get3A = arith.index_cast %add3A_633 : i32 to index
        %get3A_634 = arith.constant 0 : index
        %get3A_635 = tpu.vector_load %arg6[%get3A, %get3A_634] {strides = array<i32>} : memref<100x128xf32, #tpu.memory_space<vmem>>, vector<1x16xf32>,
        %get3A_636 = vector.shape_cast %get3A_635 : vector<1x16xf32> to vector<16xf32>
        %add3A_637 = arith.addf %scan3A_620, %get3A_636 : vector<16xf32>
        %add3A_638 = arith.constant 0 : i32
        %add3A_639 = arith.addi %add3A_631, %add3A_638 : i32
        %get3A_640 = arith.index_cast %add3A_639 : i32 to index
        %get3A_641 = arith.constant 16 : index
        %get3A_642 = tpu.vector_load %arg6[%get3A_640, %get3A_641] {strides = array<i32>} : memref<100x128xf32, #tpu.memory_space<vmem>>, vector<1x16xf32>,
        %get3A_643 = vector.shape_cast %get3A_642 : vector<1x16xf32> to vector<16xf32>
        %add3A_644 = arith.addf %scan3A_621, %get3A_643 : vector<16xf32>
        %add3A_645 = arith.constant 0 : i32
        %add3A_646 = arith.addi %add3A_631, %add3A_645 : i32
        %get3A_647 = arith.index_cast %add3A_646 : i32 to index
        %get3A_648 = arith.constant 32 : index
        %get3A_649 = tpu.vector_load %arg6[%get3A_647, %get3A_648] {strides = array<i32>} : memref<100x128xf32, #tpu.memory_space<vmem>>, vector<1x16xf32>,
        %get3A_650 = vector.shape_cast %get3A_649 : vector<1x16xf32> to vector<16xf32>
        %add3A_651 = arith.addf %scan3A_622, %get3A_650 : vector<16xf32>
        %add3A_652 = arith.constant 0 : i32
        %add3A_653 = arith.addi %add3A_631, %add3A_652 : i32
        %get3A_654 = arith.index_cast %add3A_653 : i32 to index
        %get3A_655 = arith.constant 48 : index
        %get3A_656 = tpu.vector_load %arg6[%get3A_654, %get3A_655] {strides = array<i32>} : memref<100x128xf32, #tpu.memory_space<vmem>>, vector<1x16xf32>,
        %get3A_657 = vector.shape_cast %get3A_656 : vector<1x16xf32> to vector<16xf32>
        %add3A_658 = arith.addf %scan3A_623, %get3A_657 : vector<16xf32>
        %add3A_659 = arith.constant 0 : i32
        %add3A_660 = arith.addi %add3A_631, %add3A_659 : i32
        %get3A_661 = arith.index_cast %add3A_660 : i32 to index
        %get3A_662 = arith.constant 64 : index
        %get3A_663 = tpu.vector_load %arg6[%get3A_661, %get3A_662] {strides = array<i32>} : memref<100x128xf32, #tpu.memory_space<vmem>>, vector<1x16xf32>,
        %get3A_664 = vector.shape_cast %get3A_663 : vector<1x16xf32> to vector<16xf32>
        %add3A_665 = arith.addf %scan3A_624, %get3A_664 : vector<16xf32>
        %add3A_666 = arith.constant 0 : i32
        %add3A_667 = arith.addi %add3A_631, %add3A_666 : i32
        %get3A_668 = arith.index_cast %add3A_667 : i32 to index
        %get3A_669 = arith.constant 80 : index
        %get3A_670 = tpu.vector_load %arg6[%get3A_668, %get3A_669] {strides = array<i32>} : memref<100x128xf32, #tpu.memory_space<vmem>>, vector<1x16xf32>,
        %get3A_671 = vector.shape_cast %get3A_670 : vector<1x16xf32> to vector<16xf32>
        %add3A_672 = arith.addf %scan3A_625, %get3A_671 : vector<16xf32>
        %add3A_673 = arith.constant 0 : i32
        %add3A_674 = arith.addi %add3A_631, %add3A_673 : i32
        %get3A_675 = arith.index_cast %add3A_674 : i32 to index
        %get3A_676 = arith.constant 96 : index
        %get3A_677 = tpu.vector_load %arg6[%get3A_675, %get3A_676] {strides = array<i32>} : memref<100x128xf32, #tpu.memory_space<vmem>>, vector<1x16xf32>,
        %get3A_678 = vector.shape_cast %get3A_677 : vector<1x16xf32> to vector<16xf32>
        %add3A_679 = arith.addf %scan3A_626, %get3A_678 : vector<16xf32>
        %add3A_680 = arith.constant 0 : i32
        %add3A_681 = arith.addi %add3A_631, %add3A_680 : i32
        %get3A_682 = arith.index_cast %add3A_681 : i32 to index
        %get3A_683 = arith.constant 112 : index
        %get3A_684 = tpu.vector_load %arg6[%get3A_682, %get3A_683] {strides = array<i32>} : memref<100x128xf32, #tpu.memory_space<vmem>>, vector<1x16xf32>,
        %get3A_685 = vector.shape_cast %get3A_684 : vector<1x16xf32> to vector<16xf32>
        %add3A_686 = arith.addf %scan3A_627, %get3A_685 : vector<16xf32>
        %add3A_687 = arith.constant 1 : i32
        %add3A_688 = arith.addi %add3A_631, %add3A_687 : i32
        %get3A_689 = arith.index_cast %add3A_688 : i32 to index
        %get3A_690 = arith.constant 0 : index
        %get3A_691 = tpu.vector_load %arg6[%get3A_689, %get3A_690] {strides = array<i32>} : memref<100x128xf32, #tpu.memory_space<vmem>>, vector<1x16xf32>,
        %get3A_692 = vector.shape_cast %get3A_691 : vector<1x16xf32> to vector<16xf32>
        %add3A_693 = arith.addf %add3A_637, %get3A_692 : vector<16xf32>
        %add3A_694 = arith.constant 1 : i32
        %add3A_695 = arith.addi %add3A_631, %add3A_694 : i32
        %get3A_696 = arith.index_cast %add3A_695 : i32 to index
        %get3A_697 = arith.constant 16 : index
        %get3A_698 = tpu.vector_load %arg6[%get3A_696, %get3A_697] {strides = array<i32>} : memref<100x128xf32, #tpu.memory_space<vmem>>, vector<1x16xf32>,
        %get3A_699 = vector.shape_cast %get3A_698 : vector<1x16xf32> to vector<16xf32>
        %add3A_700 = arith.addf %add3A_644, %get3A_699 : vector<16xf32>
        %add3A_701 = arith.constant 1 : i32
        %add3A_702 = arith.addi %add3A_631, %add3A_701 : i32
        %get3A_703 = arith.index_cast %add3A_702 : i32 to index
        %get3A_704 = arith.constant 32 : index
        %get3A_705 = tpu.vector_load %arg6[%get3A_703, %get3A_704] {strides = array<i32>} : memref<100x128xf32, #tpu.memory_space<vmem>>, vector<1x16xf32>,
        %get3A_706 = vector.shape_cast %get3A_705 : vector<1x16xf32> to vector<16xf32>
        %add3A_707 = arith.addf %add3A_651, %get3A_706 : vector<16xf32>
        %add3A_708 = arith.constant 1 : i32
        %add3A_709 = arith.addi %add3A_631, %add3A_708 : i32
        %get3A_710 = arith.index_cast %add3A_709 : i32 to index
        %get3A_711 = arith.constant 48 : index
        %get3A_712 = tpu.vector_load %arg6[%get3A_710, %get3A_711] {strides = array<i32>} : memref<100x128xf32, #tpu.memory_space<vmem>>, vector<1x16xf32>,
        %get3A_713 = vector.shape_cast %get3A_712 : vector<1x16xf32> to vector<16xf32>
        %add3A_714 = arith.addf %add3A_658, %get3A_713 : vector<16xf32>
        %add3A_715 = arith.constant 1 : i32
        %add3A_716 = arith.addi %add3A_631, %add3A_715 : i32
        %get3A_717 = arith.index_cast %add3A_716 : i32 to index
        %get3A_718 = arith.constant 64 : index
        %get3A_719 = tpu.vector_load %arg6[%get3A_717, %get3A_718] {strides = array<i32>} : memref<100x128xf32, #tpu.memory_space<vmem>>, vector<1x16xf32>,
        %get3A_720 = vector.shape_cast %get3A_719 : vector<1x16xf32> to vector<16xf32>
        %add3A_721 = arith.addf %add3A_665, %get3A_720 : vector<16xf32>
        %add3A_722 = arith.constant 1 : i32
        %add3A_723 = arith.addi %add3A_631, %add3A_722 : i32
        %get3A_724 = arith.index_cast %add3A_723 : i32 to index
        %get3A_725 = arith.constant 80 : index
        %get3A_726 = tpu.vector_load %arg6[%get3A_724, %get3A_725] {strides = array<i32>} : memref<100x128xf32, #tpu.memory_space<vmem>>, vector<1x16xf32>,
        %get3A_727 = vector.shape_cast %get3A_726 : vector<1x16xf32> to vector<16xf32>
        %add3A_728 = arith.addf %add3A_672, %get3A_727 : vector<16xf32>
        %add3A_729 = arith.constant 1 : i32
        %add3A_730 = arith.addi %add3A_631, %add3A_729 : i32
        %get3A_731 = arith.index_cast %add3A_730 : i32 to index
        %get3A_732 = arith.constant 96 : index
        %get3A_733 = tpu.vector_load %arg6[%get3A_731, %get3A_732] {strides = array<i32>} : memref<100x128xf32, #tpu.memory_space<vmem>>, vector<1x16xf32>,
        %get3A_734 = vector.shape_cast %get3A_733 : vector<1x16xf32> to vector<16xf32>
        %add3A_735 = arith.addf %add3A_679, %get3A_734 : vector<16xf32>
        %add3A_736 = arith.constant 1 : i32
        %add3A_737 = arith.addi %add3A_631, %add3A_736 : i32
        %get3A_738 = arith.index_cast %add3A_737 : i32 to index
        %get3A_739 = arith.constant 112 : index
        %get3A_740 = tpu.vector_load %arg6[%get3A_738, %get3A_739] {strides = array<i32>} : memref<100x128xf32, #tpu.memory_space<vmem>>, vector<1x16xf32>,
        %get3A_741 = vector.shape_cast %get3A_740 : vector<1x16xf32> to vector<16xf32>
        %add3A_742 = arith.addf %add3A_686, %get3A_741 : vector<16xf32>
        %add3A_743 = arith.constant 2 : i32
        %add3A_744 = arith.addi %add3A_631, %add3A_743 : i32
        %get3A_745 = arith.index_cast %add3A_744 : i32 to index
        %get3A_746 = arith.constant 0 : index
        %get3A_747 = tpu.vector_load %arg6[%get3A_745, %get3A_746] {strides = array<i32>} : memref<100x128xf32, #tpu.memory_space<vmem>>, vector<1x16xf32>,
        %get3A_748 = vector.shape_cast %get3A_747 : vector<1x16xf32> to vector<16xf32>
        %add3A_749 = arith.addf %add3A_693, %get3A_748 : vector<16xf32>
        %add3A_750 = arith.constant 2 : i32
        %add3A_751 = arith.addi %add3A_631, %add3A_750 : i32
        %get3A_752 = arith.index_cast %add3A_751 : i32 to index
        %get3A_753 = arith.constant 16 : index
        %get3A_754 = tpu.vector_load %arg6[%get3A_752, %get3A_753] {strides = array<i32>} : memref<100x128xf32, #tpu.memory_space<vmem>>, vector<1x16xf32>,
        %get3A_755 = vector.shape_cast %get3A_754 : vector<1x16xf32> to vector<16xf32>
        %add3A_756 = arith.addf %add3A_700, %get3A_755 : vector<16xf32>
        %add3A_757 = arith.constant 2 : i32
        %add3A_758 = arith.addi %add3A_631, %add3A_757 : i32
        %get3A_759 = arith.index_cast %add3A_758 : i32 to index
        %get3A_760 = arith.constant 32 : index
        %get3A_761 = tpu.vector_load %arg6[%get3A_759, %get3A_760] {strides = array<i32>} : memref<100x128xf32, #tpu.memory_space<vmem>>, vector<1x16xf32>,
        %get3A_762 = vector.shape_cast %get3A_761 : vector<1x16xf32> to vector<16xf32>
        %add3A_763 = arith.addf %add3A_707, %get3A_762 : vector<16xf32>
        %add3A_764 = arith.constant 2 : i32
        %add3A_765 = arith.addi %add3A_631, %add3A_764 : i32
        %get3A_766 = arith.index_cast %add3A_765 : i32 to index
        %get3A_767 = arith.constant 48 : index
        %get3A_768 = tpu.vector_load %arg6[%get3A_766, %get3A_767] {strides = array<i32>} : memref<100x128xf32, #tpu.memory_space<vmem>>, vector<1x16xf32>,
        %get3A_769 = vector.shape_cast %get3A_768 : vector<1x16xf32> to vector<16xf32>
        %add3A_770 = arith.addf %add3A_714, %get3A_769 : vector<16xf32>
        %add3A_771 = arith.constant 2 : i32
        %add3A_772 = arith.addi %add3A_631, %add3A_771 : i32
        %get3A_773 = arith.index_cast %add3A_772 : i32 to index
        %get3A_774 = arith.constant 64 : index
        %get3A_775 = tpu.vector_load %arg6[%get3A_773, %get3A_774] {strides = array<i32>} : memref<100x128xf32, #tpu.memory_space<vmem>>, vector<1x16xf32>,
        %get3A_776 = vector.shape_cast %get3A_775 : vector<1x16xf32> to vector<16xf32>
        %add3A_777 = arith.addf %add3A_721, %get3A_776 : vector<16xf32>
        %add3A_778 = arith.constant 2 : i32
        %add3A_779 = arith.addi %add3A_631, %add3A_778 : i32
        %get3A_780 = arith.index_cast %add3A_779 : i32 to index
        %get3A_781 = arith.constant 80 : index
        %get3A_782 = tpu.vector_load %arg6[%get3A_780, %get3A_781] {strides = array<i32>} : memref<100x128xf32, #tpu.memory_space<vmem>>, vector<1x16xf32>,
        %get3A_783 = vector.shape_cast %get3A_782 : vector<1x16xf32> to vector<16xf32>
        %add3A_784 = arith.addf %add3A_728, %get3A_783 : vector<16xf32>
        %add3A_785 = arith.constant 2 : i32
        %add3A_786 = arith.addi %add3A_631, %add3A_785 : i32
        %get3A_787 = arith.index_cast %add3A_786 : i32 to index
        %get3A_788 = arith.constant 96 : index
        %get3A_789 = tpu.vector_load %arg6[%get3A_787, %get3A_788] {strides = array<i32>} : memref<100x128xf32, #tpu.memory_space<vmem>>, vector<1x16xf32>,
        %get3A_790 = vector.shape_cast %get3A_789 : vector<1x16xf32> to vector<16xf32>
        %add3A_791 = arith.addf %add3A_735, %get3A_790 : vector<16xf32>
        %add3A_792 = arith.constant 2 : i32
        %add3A_793 = arith.addi %add3A_631, %add3A_792 : i32
        %get3A_794 = arith.index_cast %add3A_793 : i32 to index
        %get3A_795 = arith.constant 112 : index
        %get3A_796 = tpu.vector_load %arg6[%get3A_794, %get3A_795] {strides = array<i32>} : memref<100x128xf32, #tpu.memory_space<vmem>>, vector<1x16xf32>,
        %get3A_797 = vector.shape_cast %get3A_796 : vector<1x16xf32> to vector<16xf32>
        %add3A_798 = arith.addf %add3A_742, %get3A_797 : vector<16xf32>
        %add3A_799 = arith.constant 3 : i32
        %add3A_800 = arith.addi %add3A_631, %add3A_799 : i32
        %get3A_801 = arith.index_cast %add3A_800 : i32 to index
        %get3A_802 = arith.constant 0 : index
        %get3A_803 = tpu.vector_load %arg6[%get3A_801, %get3A_802] {strides = array<i32>} : memref<100x128xf32, #tpu.memory_space<vmem>>, vector<1x16xf32>,
        %get3A_804 = vector.shape_cast %get3A_803 : vector<1x16xf32> to vector<16xf32>
        %add3A_805 = arith.addf %add3A_749, %get3A_804 : vector<16xf32>
        %add3A_806 = arith.constant 3 : i32
        %add3A_807 = arith.addi %add3A_631, %add3A_806 : i32
        %get3A_808 = arith.index_cast %add3A_807 : i32 to index
        %get3A_809 = arith.constant 16 : index
        %get3A_810 = tpu.vector_load %arg6[%get3A_808, %get3A_809] {strides = array<i32>} : memref<100x128xf32, #tpu.memory_space<vmem>>, vector<1x16xf32>,
        %get3A_811 = vector.shape_cast %get3A_810 : vector<1x16xf32> to vector<16xf32>
        %add3A_812 = arith.addf %add3A_756, %get3A_811 : vector<16xf32>
        %add3A_813 = arith.constant 3 : i32
        %add3A_814 = arith.addi %add3A_631, %add3A_813 : i32
        %get3A_815 = arith.index_cast %add3A_814 : i32 to index
        %get3A_816 = arith.constant 32 : index
        %get3A_817 = tpu.vector_load %arg6[%get3A_815, %get3A_816] {strides = array<i32>} : memref<100x128xf32, #tpu.memory_space<vmem>>, vector<1x16xf32>,
        %get3A_818 = vector.shape_cast %get3A_817 : vector<1x16xf32> to vector<16xf32>
        %add3A_819 = arith.addf %add3A_763, %get3A_818 : vector<16xf32>
        %add3A_820 = arith.constant 3 : i32
        %add3A_821 = arith.addi %add3A_631, %add3A_820 : i32
        %get3A_822 = arith.index_cast %add3A_821 : i32 to index
        %get3A_823 = arith.constant 48 : index
        %get3A_824 = tpu.vector_load %arg6[%get3A_822, %get3A_823] {strides = array<i32>} : memref<100x128xf32, #tpu.memory_space<vmem>>, vector<1x16xf32>,
        %get3A_825 = vector.shape_cast %get3A_824 : vector<1x16xf32> to vector<16xf32>
        %add3A_826 = arith.addf %add3A_770, %get3A_825 : vector<16xf32>
        %add3A_827 = arith.constant 3 : i32
        %add3A_828 = arith.addi %add3A_631, %add3A_827 : i32
        %get3A_829 = arith.index_cast %add3A_828 : i32 to index
        %get3A_830 = arith.constant 64 : index
        %get3A_831 = tpu.vector_load %arg6[%get3A_829, %get3A_830] {strides = array<i32>} : memref<100x128xf32, #tpu.memory_space<vmem>>, vector<1x16xf32>,
        %get3A_832 = vector.shape_cast %get3A_831 : vector<1x16xf32> to vector<16xf32>
        %add3A_833 = arith.addf %add3A_777, %get3A_832 : vector<16xf32>
        %add3A_834 = arith.constant 3 : i32
        %add3A_835 = arith.addi %add3A_631, %add3A_834 : i32
        %get3A_836 = arith.index_cast %add3A_835 : i32 to index
        %get3A_837 = arith.constant 80 : index
        %get3A_838 = tpu.vector_load %arg6[%get3A_836, %get3A_837] {strides = array<i32>} : memref<100x128xf32, #tpu.memory_space<vmem>>, vector<1x16xf32>,
        %get3A_839 = vector.shape_cast %get3A_838 : vector<1x16xf32> to vector<16xf32>
        %add3A_840 = arith.addf %add3A_784, %get3A_839 : vector<16xf32>
        %add3A_841 = arith.constant 3 : i32
        %add3A_842 = arith.addi %add3A_631, %add3A_841 : i32
        %get3A_843 = arith.index_cast %add3A_842 : i32 to index
        %get3A_844 = arith.constant 96 : index
        %get3A_845 = tpu.vector_load %arg6[%get3A_843, %get3A_844] {strides = array<i32>} : memref<100x128xf32, #tpu.memory_space<vmem>>, vector<1x16xf32>,
        %get3A_846 = vector.shape_cast %get3A_845 : vector<1x16xf32> to vector<16xf32>
        %add3A_847 = arith.addf %add3A_791, %get3A_846 : vector<16xf32>
        %add3A_848 = arith.constant 3 : i32
        %add3A_849 = arith.addi %add3A_631, %add3A_848 : i32
        %get3A_850 = arith.index_cast %add3A_849 : i32 to index
        %get3A_851 = arith.constant 112 : index
        %get3A_852 = tpu.vector_load %arg6[%get3A_850, %get3A_851] {strides = array<i32>} : memref<100x128xf32, #tpu.memory_space<vmem>>, vector<1x16xf32>,
        %get3A_853 = vector.shape_cast %get3A_852 : vector<1x16xf32> to vector<16xf32>
        %add3A_854 = arith.addf %add3A_798, %get3A_853 : vector<16xf32>
        %add3A_855 = arith.constant 4 : i32
        %add3A_856 = arith.addi %add3A_631, %add3A_855 : i32
        %get3A_857 = arith.index_cast %add3A_856 : i32 to index
        %get3A_858 = arith.constant 0 : index
        %get3A_859 = tpu.vector_load %arg6[%get3A_857, %get3A_858] {strides = array<i32>} : memref<100x128xf32, #tpu.memory_space<vmem>>, vector<1x16xf32>,
        %get3A_860 = vector.shape_cast %get3A_859 : vector<1x16xf32> to vector<16xf32>
        %add3A_861 = arith.addf %add3A_805, %get3A_860 : vector<16xf32>
        %add3A_862 = arith.constant 4 : i32
        %add3A_863 = arith.addi %add3A_631, %add3A_862 : i32
        %get3A_864 = arith.index_cast %add3A_863 : i32 to index
        %get3A_865 = arith.constant 16 : index
        %get3A_866 = tpu.vector_load %arg6[%get3A_864, %get3A_865] {strides = array<i32>} : memref<100x128xf32, #tpu.memory_space<vmem>>, vector<1x16xf32>,
        %get3A_867 = vector.shape_cast %get3A_866 : vector<1x16xf32> to vector<16xf32>
        %add3A_868 = arith.addf %add3A_812, %get3A_867 : vector<16xf32>
        %add3A_869 = arith.constant 4 : i32
        %add3A_870 = arith.addi %add3A_631, %add3A_869 : i32
        %get3A_871 = arith.index_cast %add3A_870 : i32 to index
        %get3A_872 = arith.constant 32 : index
        %get3A_873 = tpu.vector_load %arg6[%get3A_871, %get3A_872] {strides = array<i32>} : memref<100x128xf32, #tpu.memory_space<vmem>>, vector<1x16xf32>,
        %get3A_874 = vector.shape_cast %get3A_873 : vector<1x16xf32> to vector<16xf32>
        %add3A_875 = arith.addf %add3A_819, %get3A_874 : vector<16xf32>
        %add3A_876 = arith.constant 4 : i32
        %add3A_877 = arith.addi %add3A_631, %add3A_876 : i32
        %get3A_878 = arith.index_cast %add3A_877 : i32 to index
        %get3A_879 = arith.constant 48 : index
        %get3A_880 = tpu.vector_load %arg6[%get3A_878, %get3A_879] {strides = array<i32>} : memref<100x128xf32, #tpu.memory_space<vmem>>, vector<1x16xf32>,
        %get3A_881 = vector.shape_cast %get3A_880 : vector<1x16xf32> to vector<16xf32>
        %add3A_882 = arith.addf %add3A_826, %get3A_881 : vector<16xf32>
        %add3A_883 = arith.constant 4 : i32
        %add3A_884 = arith.addi %add3A_631, %add3A_883 : i32
        %get3A_885 = arith.index_cast %add3A_884 : i32 to index
        %get3A_886 = arith.constant 64 : index
        %get3A_887 = tpu.vector_load %arg6[%get3A_885, %get3A_886] {strides = array<i32>} : memref<100x128xf32, #tpu.memory_space<vmem>>, vector<1x16xf32>,
        %get3A_888 = vector.shape_cast %get3A_887 : vector<1x16xf32> to vector<16xf32>
        %add3A_889 = arith.addf %add3A_833, %get3A_888 : vector<16xf32>
        %add3A_890 = arith.constant 4 : i32
        %add3A_891 = arith.addi %add3A_631, %add3A_890 : i32
        %get3A_892 = arith.index_cast %add3A_891 : i32 to index
        %get3A_893 = arith.constant 80 : index
        %get3A_894 = tpu.vector_load %arg6[%get3A_892, %get3A_893] {strides = array<i32>} : memref<100x128xf32, #tpu.memory_space<vmem>>, vector<1x16xf32>,
        %get3A_895 = vector.shape_cast %get3A_894 : vector<1x16xf32> to vector<16xf32>
        %add3A_896 = arith.addf %add3A_840, %get3A_895 : vector<16xf32>
        %add3A_897 = arith.constant 4 : i32
        %add3A_898 = arith.addi %add3A_631, %add3A_897 : i32
        %get3A_899 = arith.index_cast %add3A_898 : i32 to index
        %get3A_900 = arith.constant 96 : index
        %get3A_901 = tpu.vector_load %arg6[%get3A_899, %get3A_900] {strides = array<i32>} : memref<100x128xf32, #tpu.memory_space<vmem>>, vector<1x16xf32>,
        %get3A_902 = vector.shape_cast %get3A_901 : vector<1x16xf32> to vector<16xf32>
        %add3A_903 = arith.addf %add3A_847, %get3A_902 : vector<16xf32>
        %add3A_904 = arith.constant 4 : i32
        %add3A_905 = arith.addi %add3A_631, %add3A_904 : i32
        %get3A_906 = arith.index_cast %add3A_905 : i32 to index
        %get3A_907 = arith.constant 112 : index
        %get3A_908 = tpu.vector_load %arg6[%get3A_906, %get3A_907] {strides = array<i32>} : memref<100x128xf32, #tpu.memory_space<vmem>>, vector<1x16xf32>,
        %get3A_909 = vector.shape_cast %get3A_908 : vector<1x16xf32> to vector<16xf32>
        %add3A_910 = arith.addf %add3A_854, %get3A_909 : vector<16xf32>
        scf.yield %add3A_861, %add3A_868, %add3A_875, %add3A_882, %add3A_889, %add3A_896, %add3A_903, %add3A_910 : vector<16xf32>, vector<16xf32>, vector<16xf32>, vector<16xf32>, vector<16xf32>, vector<16xf32>, vector<16xf32>, vector<16xf32>
      }
      %scan3A_127 = arith.constant 10 : i32
      %mul3A_128 = arith.constant 2 : i32
      %mul3A_129 = arith.muli %add3A_31, %mul3A_128 : i32
      %add3A_130 = arith.constant 1 : i32
      %add3A_131 = arith.addi %mul3A_129, %add3A_130 : i32
      %swap3A_132 = arith.index_cast %add3A_131 : i32 to index
      %swap3A_133 = arith.constant 0 : index
      %swap3A_134 = tpu.vector_load %arg10[%swap3A_132, %swap3A_133] {strides = array<i32>} : memref<128x128xf32, #tpu.memory_space<vmem>>, vector<1x16xf32>,
      %swap3A_135 = vector.shape_cast %swap3A_134 : vector<1x16xf32> to vector<16xf32>
      %swap3A_136 = vector.shape_cast %scan3A_126#0 : vector<16xf32> to vector<1x16xf32>
      tpu.vector_store %arg10[%swap3A_132, %swap3A_133], %swap3A_136 {strides = array<i32>} : memref<128x128xf32, #tpu.memory_space<vmem>>, vector<1x16xf32>,
      %swap3A_137 = arith.index_cast %add3A_131 : i32 to index
      %swap3A_138 = arith.constant 16 : index
      %swap3A_139 = tpu.vector_load %arg10[%swap3A_137, %swap3A_138] {strides = array<i32>} : memref<128x128xf32, #tpu.memory_space<vmem>>, vector<1x16xf32>,
      %swap3A_140 = vector.shape_cast %swap3A_139 : vector<1x16xf32> to vector<16xf32>
      %swap3A_141 = vector.shape_cast %scan3A_126#1 : vector<16xf32> to vector<1x16xf32>
      tpu.vector_store %arg10[%swap3A_137, %swap3A_138], %swap3A_141 {strides = array<i32>} : memref<128x128xf32, #tpu.memory_space<vmem>>, vector<1x16xf32>,
      %swap3A_142 = arith.index_cast %add3A_131 : i32 to index
      %swap3A_143 = arith.constant 32 : index
      %swap3A_144 = tpu.vector_load %arg10[%swap3A_142, %swap3A_143] {strides = array<i32>} : memref<128x128xf32, #tpu.memory_space<vmem>>, vector<1x16xf32>,
      %swap3A_145 = vector.shape_cast %swap3A_144 : vector<1x16xf32> to vector<16xf32>
      %swap3A_146 = vector.shape_cast %scan3A_126#2 : vector<16xf32> to vector<1x16xf32>
      tpu.vector_store %arg10[%swap3A_142, %swap3A_143], %swap3A_146 {strides = array<i32>} : memref<128x128xf32, #tpu.memory_space<vmem>>, vector<1x16xf32>,
      %swap3A_147 = arith.index_cast %add3A_131 : i32 to index
      %swap3A_148 = arith.constant 48 : index
      %swap3A_149 = tpu.vector_load %arg10[%swap3A_147, %swap3A_148] {strides = array<i32>} : memref<128x128xf32, #tpu.memory_space<vmem>>, vector<1x16xf32>,
      %swap3A_150 = vector.shape_cast %swap3A_149 : vector<1x16xf32> to vector<16xf32>
      %swap3A_151 = vector.shape_cast %scan3A_126#3 : vector<16xf32> to vector<1x16xf32>
      tpu.vector_store %arg10[%swap3A_147, %swap3A_148], %swap3A_151 {strides = array<i32>} : memref<128x128xf32, #tpu.memory_space<vmem>>, vector<1x16xf32>,
      %swap3A_152 = arith.index_cast %add3A_131 : i32 to index
      %swap3A_153 = arith.constant 64 : index
      %swap3A_154 = tpu.vector_load %arg10[%swap3A_152, %swap3A_153] {strides = array<i32>} : memref<128x128xf32, #tpu.memory_space<vmem>>, vector<1x16xf32>,
      %swap3A_155 = vector.shape_cast %swap3A_154 : vector<1x16xf32> to vector<16xf32>
      %swap3A_156 = vector.shape_cast %scan3A_126#4 : vector<16xf32> to vector<1x16xf32>
      tpu.vector_store %arg10[%swap3A_152, %swap3A_153], %swap3A_156 {strides = array<i32>} : memref<128x128xf32, #tpu.memory_space<vmem>>, vector<1x16xf32>,
      %swap3A_157 = arith.index_cast %add3A_131 : i32 to index
      %swap3A_158 = arith.constant 80 : index
      %swap3A_159 = tpu.vector_load %arg10[%swap3A_157, %swap3A_158] {strides = array<i32>} : memref<128x128xf32, #tpu.memory_space<vmem>>, vector<1x16xf32>,
      %swap3A_160 = vector.shape_cast %swap3A_159 : vector<1x16xf32> to vector<16xf32>
      %swap3A_161 = vector.shape_cast %scan3A_126#5 : vector<16xf32> to vector<1x16xf32>
      tpu.vector_store %arg10[%swap3A_157, %swap3A_158], %swap3A_161 {strides = array<i32>} : memref<128x128xf32, #tpu.memory_space<vmem>>, vector<1x16xf32>,
      %swap3A_162 = arith.index_cast %add3A_131 : i32 to index
      %swap3A_163 = arith.constant 96 : index
      %swap3A_164 = tpu.vector_load %arg10[%swap3A_162, %swap3A_163] {strides = array<i32>} : memref<128x128xf32, #tpu.memory_space<vmem>>, vector<1x16xf32>,
      %swap3A_165 = vector.shape_cast %swap3A_164 : vector<1x16xf32> to vector<16xf32>
      %swap3A_166 = vector.shape_cast %scan3A_126#6 : vector<16xf32> to vector<1x16xf32>
      tpu.vector_store %arg10[%swap3A_162, %swap3A_163], %swap3A_166 {strides = array<i32>} : memref<128x128xf32, #tpu.memory_space<vmem>>, vector<1x16xf32>,
      %swap3A_167 = arith.index_cast %add3A_131 : i32 to index
      %swap3A_168 = arith.constant 112 : index
      %swap3A_169 = tpu.vector_load %arg10[%swap3A_167, %swap3A_168] {strides = array<i32>} : memref<128x128xf32, #tpu.memory_space<vmem>>, vector<1x16xf32>,
      %swap3A_170 = vector.shape_cast %swap3A_169 : vector<1x16xf32> to vector<16xf32>
      %swap3A_171 = vector.shape_cast %scan3A_126#7 : vector<16xf32> to vector<1x16xf32>
      tpu.vector_store %arg10[%swap3A_167, %swap3A_168], %swap3A_171 {strides = array<i32>} : memref<128x128xf32, #tpu.memory_space<vmem>>, vector<1x16xf32>,
      %add3A_172 = arith.constant 1 : i32
      %add3A_173 = arith.addi %mul3A_29, %add3A_172 : i32
      %dma_wait3A_174 = arith.constant 0 : i32
      %dma_wait3A_175 = tpu.memref_slice %arg5[%add3A_173, %dma_wait3A_174] : memref<64x100xi32, #tpu.memory_space<vmem>> -> memref<1x100xi32, #tpu.memory_space<vmem>>
      %dma_wait3A_176 = tpu.memref_squeeze %dma_wait3A_175 : memref<1x100xi32, #tpu.memory_space<vmem>> -> memref<100xi32, #tpu.memory_space<vmem>>
      %dma_wait3A_177 = arith.constant 0 : i32
      %dma_wait3A_178 = arith.constant 0 : i32
      %dma_wait3A_179 = tpu.memref_slice %arg3[%dma_wait3A_177, %dma_wait3A_178] : memref<100000x128xf32, #tpu.memory_space<hbm>> -> memref<100000x128xf32, #tpu.memory_space<hbm>>
      tpu.wait_indirect_dma semaphore(%arg12 : memref<!tpu.dma_semaphore, #tpu.memory_space<semaphore_mem>>) src(%dma_wait3A_179 : memref<100000x128xf32, #tpu.memory_space<hbm>>) dst(%arg7 : memref<100x128xf32, #tpu.memory_space<vmem>>)
      %add3A_180 = arith.constant 4 : i32
      %add3A_181 = arith.addi %add3A_173, %add3A_180 : i32
      %sub3A_182 = arith.constant 1 : i32
      %sub3A_183 = arith.subi %add3A_181, %sub3A_182 : i32
      %lt3A_184 = arith.constant 64 : i32
      %lt3A_185 = arith.cmpi slt, %sub3A_183, %lt3A_184 : i32
      %convert_element_type3A_186 = arith.extui %lt3A_185 : i1 to i32
      %cond3A_187 = arith.constant 0 : i32
      %cond3A_188 = arith.cmpi ne, %convert_element_type3A_186, %cond3A_187 : i32
      scf.if %cond3A_188 {
        %add3A_619 = arith.constant 4 : i32
        %add3A_620 = arith.addi %add3A_173, %add3A_619 : i32
        %sub3A_621 = arith.constant 1 : i32
        %sub3A_622 = arith.subi %add3A_620, %sub3A_621 : i32
        %dma_start3A_623 = arith.constant 0 : i32
        %dma_start3A_624 = tpu.memref_slice %arg5[%sub3A_622, %dma_start3A_623] : memref<64x100xi32, #tpu.memory_space<vmem>> -> memref<1x100xi32, #tpu.memory_space<vmem>>
        %dma_start3A_625 = tpu.memref_squeeze %dma_start3A_624 : memref<1x100xi32, #tpu.memory_space<vmem>> -> memref<100xi32, #tpu.memory_space<vmem>>
        %dma_start3A_626 = arith.constant 0 : i32
        %dma_start3A_627 = arith.constant 0 : i32
        %dma_start3A_628 = tpu.memref_slice %arg3[%dma_start3A_626, %dma_start3A_627] : memref<100000x128xf32, #tpu.memory_space<hbm>> -> memref<100000x128xf32, #tpu.memory_space<hbm>>
        tpu.enqueue_indirect_dma source(%dma_start3A_628 : memref<100000x128xf32, #tpu.memory_space<hbm>>) target(%arg6 : memref<100x128xf32, #tpu.memory_space<vmem>>) offsets(%dma_start3A_625 : memref<100xi32, #tpu.memory_space<vmem>>) semaphore(%arg11 : memref<!tpu.dma_semaphore, #tpu.memory_space<semaphore_mem>>)
      } else {
      }
      %broadcast_in_dim3A_189 = arith.constant 0.000000e+00 : f32
      %broadcast_in_dim3A_190 = vector.broadcast %broadcast_in_dim3A_189 : f32 to vector<16xf32>
      %broadcast_in_dim3A_191 = arith.constant 0.000000e+00 : f32
      %broadcast_in_dim3A_192 = vector.broadcast %broadcast_in_dim3A_191 : f32 to vector<16xf32>
      %broadcast_in_dim3A_193 = arith.constant 0.000000e+00 : f32
      %broadcast_in_dim3A_194 = vector.broadcast %broadcast_in_dim3A_193 : f32 to vector<16xf32>
      %broadcast_in_dim3A_195 = arith.constant 0.000000e+00 : f32
      %broadcast_in_dim3A_196 = vector.broadcast %broadcast_in_dim3A_195 : f32 to vector<16xf32>
      %broadcast_in_dim3A_197 = arith.constant 0.000000e+00 : f32
      %broadcast_in_dim3A_198 = vector.broadcast %broadcast_in_dim3A_197 : f32 to vector<16xf32>
      %broadcast_in_dim3A_199 = arith.constant 0.000000e+00 : f32
      %broadcast_in_dim3A_200 = vector.broadcast %broadcast_in_dim3A_199 : f32 to vector<16xf32>
      %broadcast_in_dim3A_201 = arith.constant 0.000000e+00 : f32
      %broadcast_in_dim3A_202 = vector.broadcast %broadcast_in_dim3A_201 : f32 to vector<16xf32>
      %broadcast_in_dim3A_203 = arith.constant 0.000000e+00 : f32
      %broadcast_in_dim3A_204 = vector.broadcast %broadcast_in_dim3A_203 : f32 to vector<16xf32>
      %scan3A_205 = arith.constant 0 : i32
      %scan3A_206 = arith.constant 10 : i32
      %scan3A_207 = arith.addi %scan3A_205, %scan3A_206 : i32
      %scan3A_208 = arith.constant 1 : i32
      %scan3A_209:8 = scf.for %scan3A_619 = %scan3A_205 to %scan3A_207 step %scan3A_208 iter_args(%scan3A_620 = %broadcast_in_dim3A_190, %scan3A_621 = %broadcast_in_dim3A_192, %scan3A_622 = %broadcast_in_dim3A_194, %scan3A_623 = %broadcast_in_dim3A_196, %scan3A_624 = %broadcast_in_dim3A_198, %scan3A_625 = %broadcast_in_dim3A_200, %scan3A_626 = %broadcast_in_dim3A_202, %scan3A_627 = %broadcast_in_dim3A_204) -> (vector<16xf32>, vector<16xf32>, vector<16xf32>, vector<16xf32>, vector<16xf32>, vector<16xf32>, vector<16xf32>, vector<16xf32>)  : i32 {
        %mul3A_628 = arith.constant 5 : i32
        %mul3A_629 = arith.muli %scan3A_619, %mul3A_628 : i32
        %add3A_630 = arith.constant 0 : i32
        %add3A_631 = arith.addi %add3A_630, %mul3A_629 : i32
        %add3A_632 = arith.constant 0 : i32
        %add3A_633 = arith.addi %add3A_631, %add3A_632 : i32
        %get3A = arith.index_cast %add3A_633 : i32 to index
        %get3A_634 = arith.constant 0 : index
        %get3A_635 = tpu.vector_load %arg7[%get3A, %get3A_634] {strides = array<i32>} : memref<100x128xf32, #tpu.memory_space<vmem>>, vector<1x16xf32>,
        %get3A_636 = vector.shape_cast %get3A_635 : vector<1x16xf32> to vector<16xf32>
        %add3A_637 = arith.addf %scan3A_620, %get3A_636 : vector<16xf32>
        %add3A_638 = arith.constant 0 : i32
        %add3A_639 = arith.addi %add3A_631, %add3A_638 : i32
        %get3A_640 = arith.index_cast %add3A_639 : i32 to index
        %get3A_641 = arith.constant 16 : index
        %get3A_642 = tpu.vector_load %arg7[%get3A_640, %get3A_641] {strides = array<i32>} : memref<100x128xf32, #tpu.memory_space<vmem>>, vector<1x16xf32>,
        %get3A_643 = vector.shape_cast %get3A_642 : vector<1x16xf32> to vector<16xf32>
        %add3A_644 = arith.addf %scan3A_621, %get3A_643 : vector<16xf32>
        %add3A_645 = arith.constant 0 : i32
        %add3A_646 = arith.addi %add3A_631, %add3A_645 : i32
        %get3A_647 = arith.index_cast %add3A_646 : i32 to index
        %get3A_648 = arith.constant 32 : index
        %get3A_649 = tpu.vector_load %arg7[%get3A_647, %get3A_648] {strides = array<i32>} : memref<100x128xf32, #tpu.memory_space<vmem>>, vector<1x16xf32>,
        %get3A_650 = vector.shape_cast %get3A_649 : vector<1x16xf32> to vector<16xf32>
        %add3A_651 = arith.addf %scan3A_622, %get3A_650 : vector<16xf32>
        %add3A_652 = arith.constant 0 : i32
        %add3A_653 = arith.addi %add3A_631, %add3A_652 : i32
        %get3A_654 = arith.index_cast %add3A_653 : i32 to index
        %get3A_655 = arith.constant 48 : index
        %get3A_656 = tpu.vector_load %arg7[%get3A_654, %get3A_655] {strides = array<i32>} : memref<100x128xf32, #tpu.memory_space<vmem>>, vector<1x16xf32>,
        %get3A_657 = vector.shape_cast %get3A_656 : vector<1x16xf32> to vector<16xf32>
        %add3A_658 = arith.addf %scan3A_623, %get3A_657 : vector<16xf32>
        %add3A_659 = arith.constant 0 : i32
        %add3A_660 = arith.addi %add3A_631, %add3A_659 : i32
        %get3A_661 = arith.index_cast %add3A_660 : i32 to index
        %get3A_662 = arith.constant 64 : index
        %get3A_663 = tpu.vector_load %arg7[%get3A_661, %get3A_662] {strides = array<i32>} : memref<100x128xf32, #tpu.memory_space<vmem>>, vector<1x16xf32>,
        %get3A_664 = vector.shape_cast %get3A_663 : vector<1x16xf32> to vector<16xf32>
        %add3A_665 = arith.addf %scan3A_624, %get3A_664 : vector<16xf32>
        %add3A_666 = arith.constant 0 : i32
        %add3A_667 = arith.addi %add3A_631, %add3A_666 : i32
        %get3A_668 = arith.index_cast %add3A_667 : i32 to index
        %get3A_669 = arith.constant 80 : index
        %get3A_670 = tpu.vector_load %arg7[%get3A_668, %get3A_669] {strides = array<i32>} : memref<100x128xf32, #tpu.memory_space<vmem>>, vector<1x16xf32>,
        %get3A_671 = vector.shape_cast %get3A_670 : vector<1x16xf32> to vector<16xf32>
        %add3A_672 = arith.addf %scan3A_625, %get3A_671 : vector<16xf32>
        %add3A_673 = arith.constant 0 : i32
        %add3A_674 = arith.addi %add3A_631, %add3A_673 : i32
        %get3A_675 = arith.index_cast %add3A_674 : i32 to index
        %get3A_676 = arith.constant 96 : index
        %get3A_677 = tpu.vector_load %arg7[%get3A_675, %get3A_676] {strides = array<i32>} : memref<100x128xf32, #tpu.memory_space<vmem>>, vector<1x16xf32>,
        %get3A_678 = vector.shape_cast %get3A_677 : vector<1x16xf32> to vector<16xf32>
        %add3A_679 = arith.addf %scan3A_626, %get3A_678 : vector<16xf32>
        %add3A_680 = arith.constant 0 : i32
        %add3A_681 = arith.addi %add3A_631, %add3A_680 : i32
        %get3A_682 = arith.index_cast %add3A_681 : i32 to index
        %get3A_683 = arith.constant 112 : index
        %get3A_684 = tpu.vector_load %arg7[%get3A_682, %get3A_683] {strides = array<i32>} : memref<100x128xf32, #tpu.memory_space<vmem>>, vector<1x16xf32>,
        %get3A_685 = vector.shape_cast %get3A_684 : vector<1x16xf32> to vector<16xf32>
        %add3A_686 = arith.addf %scan3A_627, %get3A_685 : vector<16xf32>
        %add3A_687 = arith.constant 1 : i32
        %add3A_688 = arith.addi %add3A_631, %add3A_687 : i32
        %get3A_689 = arith.index_cast %add3A_688 : i32 to index
        %get3A_690 = arith.constant 0 : index
        %get3A_691 = tpu.vector_load %arg7[%get3A_689, %get3A_690] {strides = array<i32>} : memref<100x128xf32, #tpu.memory_space<vmem>>, vector<1x16xf32>,
        %get3A_692 = vector.shape_cast %get3A_691 : vector<1x16xf32> to vector<16xf32>
        %add3A_693 = arith.addf %add3A_637, %get3A_692 : vector<16xf32>
        %add3A_694 = arith.constant 1 : i32
        %add3A_695 = arith.addi %add3A_631, %add3A_694 : i32
        %get3A_696 = arith.index_cast %add3A_695 : i32 to index
        %get3A_697 = arith.constant 16 : index
        %get3A_698 = tpu.vector_load %arg7[%get3A_696, %get3A_697] {strides = array<i32>} : memref<100x128xf32, #tpu.memory_space<vmem>>, vector<1x16xf32>,
        %get3A_699 = vector.shape_cast %get3A_698 : vector<1x16xf32> to vector<16xf32>
        %add3A_700 = arith.addf %add3A_644, %get3A_699 : vector<16xf32>
        %add3A_701 = arith.constant 1 : i32
        %add3A_702 = arith.addi %add3A_631, %add3A_701 : i32
        %get3A_703 = arith.index_cast %add3A_702 : i32 to index
        %get3A_704 = arith.constant 32 : index
        %get3A_705 = tpu.vector_load %arg7[%get3A_703, %get3A_704] {strides = array<i32>} : memref<100x128xf32, #tpu.memory_space<vmem>>, vector<1x16xf32>,
        %get3A_706 = vector.shape_cast %get3A_705 : vector<1x16xf32> to vector<16xf32>
        %add3A_707 = arith.addf %add3A_651, %get3A_706 : vector<16xf32>
        %add3A_708 = arith.constant 1 : i32
        %add3A_709 = arith.addi %add3A_631, %add3A_708 : i32
        %get3A_710 = arith.index_cast %add3A_709 : i32 to index
        %get3A_711 = arith.constant 48 : index
        %get3A_712 = tpu.vector_load %arg7[%get3A_710, %get3A_711] {strides = array<i32>} : memref<100x128xf32, #tpu.memory_space<vmem>>, vector<1x16xf32>,
        %get3A_713 = vector.shape_cast %get3A_712 : vector<1x16xf32> to vector<16xf32>
        %add3A_714 = arith.addf %add3A_658, %get3A_713 : vector<16xf32>
        %add3A_715 = arith.constant 1 : i32
        %add3A_716 = arith.addi %add3A_631, %add3A_715 : i32
        %get3A_717 = arith.index_cast %add3A_716 : i32 to index
        %get3A_718 = arith.constant 64 : index
        %get3A_719 = tpu.vector_load %arg7[%get3A_717, %get3A_718] {strides = array<i32>} : memref<100x128xf32, #tpu.memory_space<vmem>>, vector<1x16xf32>,
        %get3A_720 = vector.shape_cast %get3A_719 : vector<1x16xf32> to vector<16xf32>
        %add3A_721 = arith.addf %add3A_665, %get3A_720 : vector<16xf32>
        %add3A_722 = arith.constant 1 : i32
        %add3A_723 = arith.addi %add3A_631, %add3A_722 : i32
        %get3A_724 = arith.index_cast %add3A_723 : i32 to index
        %get3A_725 = arith.constant 80 : index
        %get3A_726 = tpu.vector_load %arg7[%get3A_724, %get3A_725] {strides = array<i32>} : memref<100x128xf32, #tpu.memory_space<vmem>>, vector<1x16xf32>,
        %get3A_727 = vector.shape_cast %get3A_726 : vector<1x16xf32> to vector<16xf32>
        %add3A_728 = arith.addf %add3A_672, %get3A_727 : vector<16xf32>
        %add3A_729 = arith.constant 1 : i32
        %add3A_730 = arith.addi %add3A_631, %add3A_729 : i32
        %get3A_731 = arith.index_cast %add3A_730 : i32 to index
        %get3A_732 = arith.constant 96 : index
        %get3A_733 = tpu.vector_load %arg7[%get3A_731, %get3A_732] {strides = array<i32>} : memref<100x128xf32, #tpu.memory_space<vmem>>, vector<1x16xf32>,
        %get3A_734 = vector.shape_cast %get3A_733 : vector<1x16xf32> to vector<16xf32>
        %add3A_735 = arith.addf %add3A_679, %get3A_734 : vector<16xf32>
        %add3A_736 = arith.constant 1 : i32
        %add3A_737 = arith.addi %add3A_631, %add3A_736 : i32
        %get3A_738 = arith.index_cast %add3A_737 : i32 to index
        %get3A_739 = arith.constant 112 : index
        %get3A_740 = tpu.vector_load %arg7[%get3A_738, %get3A_739] {strides = array<i32>} : memref<100x128xf32, #tpu.memory_space<vmem>>, vector<1x16xf32>,
        %get3A_741 = vector.shape_cast %get3A_740 : vector<1x16xf32> to vector<16xf32>
        %add3A_742 = arith.addf %add3A_686, %get3A_741 : vector<16xf32>
        %add3A_743 = arith.constant 2 : i32
        %add3A_744 = arith.addi %add3A_631, %add3A_743 : i32
        %get3A_745 = arith.index_cast %add3A_744 : i32 to index
        %get3A_746 = arith.constant 0 : index
        %get3A_747 = tpu.vector_load %arg7[%get3A_745, %get3A_746] {strides = array<i32>} : memref<100x128xf32, #tpu.memory_space<vmem>>, vector<1x16xf32>,
        %get3A_748 = vector.shape_cast %get3A_747 : vector<1x16xf32> to vector<16xf32>
        %add3A_749 = arith.addf %add3A_693, %get3A_748 : vector<16xf32>
        %add3A_750 = arith.constant 2 : i32
        %add3A_751 = arith.addi %add3A_631, %add3A_750 : i32
        %get3A_752 = arith.index_cast %add3A_751 : i32 to index
        %get3A_753 = arith.constant 16 : index
        %get3A_754 = tpu.vector_load %arg7[%get3A_752, %get3A_753] {strides = array<i32>} : memref<100x128xf32, #tpu.memory_space<vmem>>, vector<1x16xf32>,
        %get3A_755 = vector.shape_cast %get3A_754 : vector<1x16xf32> to vector<16xf32>
        %add3A_756 = arith.addf %add3A_700, %get3A_755 : vector<16xf32>
        %add3A_757 = arith.constant 2 : i32
        %add3A_758 = arith.addi %add3A_631, %add3A_757 : i32
        %get3A_759 = arith.index_cast %add3A_758 : i32 to index
        %get3A_760 = arith.constant 32 : index
        %get3A_761 = tpu.vector_load %arg7[%get3A_759, %get3A_760] {strides = array<i32>} : memref<100x128xf32, #tpu.memory_space<vmem>>, vector<1x16xf32>,
        %get3A_762 = vector.shape_cast %get3A_761 : vector<1x16xf32> to vector<16xf32>
        %add3A_763 = arith.addf %add3A_707, %get3A_762 : vector<16xf32>
        %add3A_764 = arith.constant 2 : i32
        %add3A_765 = arith.addi %add3A_631, %add3A_764 : i32
        %get3A_766 = arith.index_cast %add3A_765 : i32 to index
        %get3A_767 = arith.constant 48 : index
        %get3A_768 = tpu.vector_load %arg7[%get3A_766, %get3A_767] {strides = array<i32>} : memref<100x128xf32, #tpu.memory_space<vmem>>, vector<1x16xf32>,
        %get3A_769 = vector.shape_cast %get3A_768 : vector<1x16xf32> to vector<16xf32>
        %add3A_770 = arith.addf %add3A_714, %get3A_769 : vector<16xf32>
        %add3A_771 = arith.constant 2 : i32
        %add3A_772 = arith.addi %add3A_631, %add3A_771 : i32
        %get3A_773 = arith.index_cast %add3A_772 : i32 to index
        %get3A_774 = arith.constant 64 : index
        %get3A_775 = tpu.vector_load %arg7[%get3A_773, %get3A_774] {strides = array<i32>} : memref<100x128xf32, #tpu.memory_space<vmem>>, vector<1x16xf32>,
        %get3A_776 = vector.shape_cast %get3A_775 : vector<1x16xf32> to vector<16xf32>
        %add3A_777 = arith.addf %add3A_721, %get3A_776 : vector<16xf32>
        %add3A_778 = arith.constant 2 : i32
        %add3A_779 = arith.addi %add3A_631, %add3A_778 : i32
        %get3A_780 = arith.index_cast %add3A_779 : i32 to index
        %get3A_781 = arith.constant 80 : index
        %get3A_782 = tpu.vector_load %arg7[%get3A_780, %get3A_781] {strides = array<i32>} : memref<100x128xf32, #tpu.memory_space<vmem>>, vector<1x16xf32>,
        %get3A_783 = vector.shape_cast %get3A_782 : vector<1x16xf32> to vector<16xf32>
        %add3A_784 = arith.addf %add3A_728, %get3A_783 : vector<16xf32>
        %add3A_785 = arith.constant 2 : i32
        %add3A_786 = arith.addi %add3A_631, %add3A_785 : i32
        %get3A_787 = arith.index_cast %add3A_786 : i32 to index
        %get3A_788 = arith.constant 96 : index
        %get3A_789 = tpu.vector_load %arg7[%get3A_787, %get3A_788] {strides = array<i32>} : memref<100x128xf32, #tpu.memory_space<vmem>>, vector<1x16xf32>,
        %get3A_790 = vector.shape_cast %get3A_789 : vector<1x16xf32> to vector<16xf32>
        %add3A_791 = arith.addf %add3A_735, %get3A_790 : vector<16xf32>
        %add3A_792 = arith.constant 2 : i32
        %add3A_793 = arith.addi %add3A_631, %add3A_792 : i32
        %get3A_794 = arith.index_cast %add3A_793 : i32 to index
        %get3A_795 = arith.constant 112 : index
        %get3A_796 = tpu.vector_load %arg7[%get3A_794, %get3A_795] {strides = array<i32>} : memref<100x128xf32, #tpu.memory_space<vmem>>, vector<1x16xf32>,
        %get3A_797 = vector.shape_cast %get3A_796 : vector<1x16xf32> to vector<16xf32>
        %add3A_798 = arith.addf %add3A_742, %get3A_797 : vector<16xf32>
        %add3A_799 = arith.constant 3 : i32
        %add3A_800 = arith.addi %add3A_631, %add3A_799 : i32
        %get3A_801 = arith.index_cast %add3A_800 : i32 to index
        %get3A_802 = arith.constant 0 : index
        %get3A_803 = tpu.vector_load %arg7[%get3A_801, %get3A_802] {strides = array<i32>} : memref<100x128xf32, #tpu.memory_space<vmem>>, vector<1x16xf32>,
        %get3A_804 = vector.shape_cast %get3A_803 : vector<1x16xf32> to vector<16xf32>
        %add3A_805 = arith.addf %add3A_749, %get3A_804 : vector<16xf32>
        %add3A_806 = arith.constant 3 : i32
        %add3A_807 = arith.addi %add3A_631, %add3A_806 : i32
        %get3A_808 = arith.index_cast %add3A_807 : i32 to index
        %get3A_809 = arith.constant 16 : index
        %get3A_810 = tpu.vector_load %arg7[%get3A_808, %get3A_809] {strides = array<i32>} : memref<100x128xf32, #tpu.memory_space<vmem>>, vector<1x16xf32>,
        %get3A_811 = vector.shape_cast %get3A_810 : vector<1x16xf32> to vector<16xf32>
        %add3A_812 = arith.addf %add3A_756, %get3A_811 : vector<16xf32>
        %add3A_813 = arith.constant 3 : i32
        %add3A_814 = arith.addi %add3A_631, %add3A_813 : i32
        %get3A_815 = arith.index_cast %add3A_814 : i32 to index
        %get3A_816 = arith.constant 32 : index
        %get3A_817 = tpu.vector_load %arg7[%get3A_815, %get3A_816] {strides = array<i32>} : memref<100x128xf32, #tpu.memory_space<vmem>>, vector<1x16xf32>,
        %get3A_818 = vector.shape_cast %get3A_817 : vector<1x16xf32> to vector<16xf32>
        %add3A_819 = arith.addf %add3A_763, %get3A_818 : vector<16xf32>
        %add3A_820 = arith.constant 3 : i32
        %add3A_821 = arith.addi %add3A_631, %add3A_820 : i32
        %get3A_822 = arith.index_cast %add3A_821 : i32 to index
        %get3A_823 = arith.constant 48 : index
        %get3A_824 = tpu.vector_load %arg7[%get3A_822, %get3A_823] {strides = array<i32>} : memref<100x128xf32, #tpu.memory_space<vmem>>, vector<1x16xf32>,
        %get3A_825 = vector.shape_cast %get3A_824 : vector<1x16xf32> to vector<16xf32>
        %add3A_826 = arith.addf %add3A_770, %get3A_825 : vector<16xf32>
        %add3A_827 = arith.constant 3 : i32
        %add3A_828 = arith.addi %add3A_631, %add3A_827 : i32
        %get3A_829 = arith.index_cast %add3A_828 : i32 to index
        %get3A_830 = arith.constant 64 : index
        %get3A_831 = tpu.vector_load %arg7[%get3A_829, %get3A_830] {strides = array<i32>} : memref<100x128xf32, #tpu.memory_space<vmem>>, vector<1x16xf32>,
        %get3A_832 = vector.shape_cast %get3A_831 : vector<1x16xf32> to vector<16xf32>
        %add3A_833 = arith.addf %add3A_777, %get3A_832 : vector<16xf32>
        %add3A_834 = arith.constant 3 : i32
        %add3A_835 = arith.addi %add3A_631, %add3A_834 : i32
        %get3A_836 = arith.index_cast %add3A_835 : i32 to index
        %get3A_837 = arith.constant 80 : index
        %get3A_838 = tpu.vector_load %arg7[%get3A_836, %get3A_837] {strides = array<i32>} : memref<100x128xf32, #tpu.memory_space<vmem>>, vector<1x16xf32>,
        %get3A_839 = vector.shape_cast %get3A_838 : vector<1x16xf32> to vector<16xf32>
        %add3A_840 = arith.addf %add3A_784, %get3A_839 : vector<16xf32>
        %add3A_841 = arith.constant 3 : i32
        %add3A_842 = arith.addi %add3A_631, %add3A_841 : i32
        %get3A_843 = arith.index_cast %add3A_842 : i32 to index
        %get3A_844 = arith.constant 96 : index
        %get3A_845 = tpu.vector_load %arg7[%get3A_843, %get3A_844] {strides = array<i32>} : memref<100x128xf32, #tpu.memory_space<vmem>>, vector<1x16xf32>,
        %get3A_846 = vector.shape_cast %get3A_845 : vector<1x16xf32> to vector<16xf32>
        %add3A_847 = arith.addf %add3A_791, %get3A_846 : vector<16xf32>
        %add3A_848 = arith.constant 3 : i32
        %add3A_849 = arith.addi %add3A_631, %add3A_848 : i32
        %get3A_850 = arith.index_cast %add3A_849 : i32 to index
        %get3A_851 = arith.constant 112 : index
        %get3A_852 = tpu.vector_load %arg7[%get3A_850, %get3A_851] {strides = array<i32>} : memref<100x128xf32, #tpu.memory_space<vmem>>, vector<1x16xf32>,
        %get3A_853 = vector.shape_cast %get3A_852 : vector<1x16xf32> to vector<16xf32>
        %add3A_854 = arith.addf %add3A_798, %get3A_853 : vector<16xf32>
        %add3A_855 = arith.constant 4 : i32
        %add3A_856 = arith.addi %add3A_631, %add3A_855 : i32
        %get3A_857 = arith.index_cast %add3A_856 : i32 to index
        %get3A_858 = arith.constant 0 : index
        %get3A_859 = tpu.vector_load %arg7[%get3A_857, %get3A_858] {strides = array<i32>} : memref<100x128xf32, #tpu.memory_space<vmem>>, vector<1x16xf32>,
        %get3A_860 = vector.shape_cast %get3A_859 : vector<1x16xf32> to vector<16xf32>
        %add3A_861 = arith.addf %add3A_805, %get3A_860 : vector<16xf32>
        %add3A_862 = arith.constant 4 : i32
        %add3A_863 = arith.addi %add3A_631, %add3A_862 : i32
        %get3A_864 = arith.index_cast %add3A_863 : i32 to index
        %get3A_865 = arith.constant 16 : index
        %get3A_866 = tpu.vector_load %arg7[%get3A_864, %get3A_865] {strides = array<i32>} : memref<100x128xf32, #tpu.memory_space<vmem>>, vector<1x16xf32>,
        %get3A_867 = vector.shape_cast %get3A_866 : vector<1x16xf32> to vector<16xf32>
        %add3A_868 = arith.addf %add3A_812, %get3A_867 : vector<16xf32>
        %add3A_869 = arith.constant 4 : i32
        %add3A_870 = arith.addi %add3A_631, %add3A_869 : i32
        %get3A_871 = arith.index_cast %add3A_870 : i32 to index
        %get3A_872 = arith.constant 32 : index
        %get3A_873 = tpu.vector_load %arg7[%get3A_871, %get3A_872] {strides = array<i32>} : memref<100x128xf32, #tpu.memory_space<vmem>>, vector<1x16xf32>,
        %get3A_874 = vector.shape_cast %get3A_873 : vector<1x16xf32> to vector<16xf32>
        %add3A_875 = arith.addf %add3A_819, %get3A_874 : vector<16xf32>
        %add3A_876 = arith.constant 4 : i32
        %add3A_877 = arith.addi %add3A_631, %add3A_876 : i32
        %get3A_878 = arith.index_cast %add3A_877 : i32 to index
        %get3A_879 = arith.constant 48 : index
        %get3A_880 = tpu.vector_load %arg7[%get3A_878, %get3A_879] {strides = array<i32>} : memref<100x128xf32, #tpu.memory_space<vmem>>, vector<1x16xf32>,
        %get3A_881 = vector.shape_cast %get3A_880 : vector<1x16xf32> to vector<16xf32>
        %add3A_882 = arith.addf %add3A_826, %get3A_881 : vector<16xf32>
        %add3A_883 = arith.constant 4 : i32
        %add3A_884 = arith.addi %add3A_631, %add3A_883 : i32
        %get3A_885 = arith.index_cast %add3A_884 : i32 to index
        %get3A_886 = arith.constant 64 : index
        %get3A_887 = tpu.vector_load %arg7[%get3A_885, %get3A_886] {strides = array<i32>} : memref<100x128xf32, #tpu.memory_space<vmem>>, vector<1x16xf32>,
        %get3A_888 = vector.shape_cast %get3A_887 : vector<1x16xf32> to vector<16xf32>
        %add3A_889 = arith.addf %add3A_833, %get3A_888 : vector<16xf32>
        %add3A_890 = arith.constant 4 : i32
        %add3A_891 = arith.addi %add3A_631, %add3A_890 : i32
        %get3A_892 = arith.index_cast %add3A_891 : i32 to index
        %get3A_893 = arith.constant 80 : index
        %get3A_894 = tpu.vector_load %arg7[%get3A_892, %get3A_893] {strides = array<i32>} : memref<100x128xf32, #tpu.memory_space<vmem>>, vector<1x16xf32>,
        %get3A_895 = vector.shape_cast %get3A_894 : vector<1x16xf32> to vector<16xf32>
        %add3A_896 = arith.addf %add3A_840, %get3A_895 : vector<16xf32>
        %add3A_897 = arith.constant 4 : i32
        %add3A_898 = arith.addi %add3A_631, %add3A_897 : i32
        %get3A_899 = arith.index_cast %add3A_898 : i32 to index
        %get3A_900 = arith.constant 96 : index
        %get3A_901 = tpu.vector_load %arg7[%get3A_899, %get3A_900] {strides = array<i32>} : memref<100x128xf32, #tpu.memory_space<vmem>>, vector<1x16xf32>,
        %get3A_902 = vector.shape_cast %get3A_901 : vector<1x16xf32> to vector<16xf32>
        %add3A_903 = arith.addf %add3A_847, %get3A_902 : vector<16xf32>
        %add3A_904 = arith.constant 4 : i32
        %add3A_905 = arith.addi %add3A_631, %add3A_904 : i32
        %get3A_906 = arith.index_cast %add3A_905 : i32 to index
        %get3A_907 = arith.constant 112 : index
        %get3A_908 = tpu.vector_load %arg7[%get3A_906, %get3A_907] {strides = array<i32>} : memref<100x128xf32, #tpu.memory_space<vmem>>, vector<1x16xf32>,
        %get3A_909 = vector.shape_cast %get3A_908 : vector<1x16xf32> to vector<16xf32>
        %add3A_910 = arith.addf %add3A_854, %get3A_909 : vector<16xf32>
        scf.yield %add3A_861, %add3A_868, %add3A_875, %add3A_882, %add3A_889, %add3A_896, %add3A_903, %add3A_910 : vector<16xf32>, vector<16xf32>, vector<16xf32>, vector<16xf32>, vector<16xf32>, vector<16xf32>, vector<16xf32>, vector<16xf32>
      }
      %scan3A_210 = arith.constant 10 : i32
      %mul3A_211 = arith.constant 2 : i32
      %mul3A_212 = arith.muli %add3A_173, %mul3A_211 : i32
      %add3A_213 = arith.constant 0 : i32
      %add3A_214 = arith.addi %mul3A_212, %add3A_213 : i32
      %swap3A_215 = arith.index_cast %add3A_214 : i32 to index
      %swap3A_216 = arith.constant 0 : index
      %swap3A_217 = tpu.vector_load %arg10[%swap3A_215, %swap3A_216] {strides = array<i32>} : memref<128x128xf32, #tpu.memory_space<vmem>>, vector<1x16xf32>,
      %swap3A_218 = vector.shape_cast %swap3A_217 : vector<1x16xf32> to vector<16xf32>
      %swap3A_219 = vector.shape_cast %scan3A_209#0 : vector<16xf32> to vector<1x16xf32>
      tpu.vector_store %arg10[%swap3A_215, %swap3A_216], %swap3A_219 {strides = array<i32>} : memref<128x128xf32, #tpu.memory_space<vmem>>, vector<1x16xf32>,
      %swap3A_220 = arith.index_cast %add3A_214 : i32 to index
      %swap3A_221 = arith.constant 16 : index
      %swap3A_222 = tpu.vector_load %arg10[%swap3A_220, %swap3A_221] {strides = array<i32>} : memref<128x128xf32, #tpu.memory_space<vmem>>, vector<1x16xf32>,
      %swap3A_223 = vector.shape_cast %swap3A_222 : vector<1x16xf32> to vector<16xf32>
      %swap3A_224 = vector.shape_cast %scan3A_209#1 : vector<16xf32> to vector<1x16xf32>
      tpu.vector_store %arg10[%swap3A_220, %swap3A_221], %swap3A_224 {strides = array<i32>} : memref<128x128xf32, #tpu.memory_space<vmem>>, vector<1x16xf32>,
      %swap3A_225 = arith.index_cast %add3A_214 : i32 to index
      %swap3A_226 = arith.constant 32 : index
      %swap3A_227 = tpu.vector_load %arg10[%swap3A_225, %swap3A_226] {strides = array<i32>} : memref<128x128xf32, #tpu.memory_space<vmem>>, vector<1x16xf32>,
      %swap3A_228 = vector.shape_cast %swap3A_227 : vector<1x16xf32> to vector<16xf32>
      %swap3A_229 = vector.shape_cast %scan3A_209#2 : vector<16xf32> to vector<1x16xf32>
      tpu.vector_store %arg10[%swap3A_225, %swap3A_226], %swap3A_229 {strides = array<i32>} : memref<128x128xf32, #tpu.memory_space<vmem>>, vector<1x16xf32>,
      %swap3A_230 = arith.index_cast %add3A_214 : i32 to index
      %swap3A_231 = arith.constant 48 : index
      %swap3A_232 = tpu.vector_load %arg10[%swap3A_230, %swap3A_231] {strides = array<i32>} : memref<128x128xf32, #tpu.memory_space<vmem>>, vector<1x16xf32>,
      %swap3A_233 = vector.shape_cast %swap3A_232 : vector<1x16xf32> to vector<16xf32>
      %swap3A_234 = vector.shape_cast %scan3A_209#3 : vector<16xf32> to vector<1x16xf32>
      tpu.vector_store %arg10[%swap3A_230, %swap3A_231], %swap3A_234 {strides = array<i32>} : memref<128x128xf32, #tpu.memory_space<vmem>>, vector<1x16xf32>,
      %swap3A_235 = arith.index_cast %add3A_214 : i32 to index
      %swap3A_236 = arith.constant 64 : index
      %swap3A_237 = tpu.vector_load %arg10[%swap3A_235, %swap3A_236] {strides = array<i32>} : memref<128x128xf32, #tpu.memory_space<vmem>>, vector<1x16xf32>,
      %swap3A_238 = vector.shape_cast %swap3A_237 : vector<1x16xf32> to vector<16xf32>
      %swap3A_239 = vector.shape_cast %scan3A_209#4 : vector<16xf32> to vector<1x16xf32>
      tpu.vector_store %arg10[%swap3A_235, %swap3A_236], %swap3A_239 {strides = array<i32>} : memref<128x128xf32, #tpu.memory_space<vmem>>, vector<1x16xf32>,
      %swap3A_240 = arith.index_cast %add3A_214 : i32 to index
      %swap3A_241 = arith.constant 80 : index
      %swap3A_242 = tpu.vector_load %arg10[%swap3A_240, %swap3A_241] {strides = array<i32>} : memref<128x128xf32, #tpu.memory_space<vmem>>, vector<1x16xf32>,
      %swap3A_243 = vector.shape_cast %swap3A_242 : vector<1x16xf32> to vector<16xf32>
      %swap3A_244 = vector.shape_cast %scan3A_209#5 : vector<16xf32> to vector<1x16xf32>
      tpu.vector_store %arg10[%swap3A_240, %swap3A_241], %swap3A_244 {strides = array<i32>} : memref<128x128xf32, #tpu.memory_space<vmem>>, vector<1x16xf32>,
      %swap3A_245 = arith.index_cast %add3A_214 : i32 to index
      %swap3A_246 = arith.constant 96 : index
      %swap3A_247 = tpu.vector_load %arg10[%swap3A_245, %swap3A_246] {strides = array<i32>} : memref<128x128xf32, #tpu.memory_space<vmem>>, vector<1x16xf32>,
      %swap3A_248 = vector.shape_cast %swap3A_247 : vector<1x16xf32> to vector<16xf32>
      %swap3A_249 = vector.shape_cast %scan3A_209#6 : vector<16xf32> to vector<1x16xf32>
      tpu.vector_store %arg10[%swap3A_245, %swap3A_246], %swap3A_249 {strides = array<i32>} : memref<128x128xf32, #tpu.memory_space<vmem>>, vector<1x16xf32>,
      %swap3A_250 = arith.index_cast %add3A_214 : i32 to index
      %swap3A_251 = arith.constant 112 : index
      %swap3A_252 = tpu.vector_load %arg10[%swap3A_250, %swap3A_251] {strides = array<i32>} : memref<128x128xf32, #tpu.memory_space<vmem>>, vector<1x16xf32>,
      %swap3A_253 = vector.shape_cast %swap3A_252 : vector<1x16xf32> to vector<16xf32>
      %swap3A_254 = vector.shape_cast %scan3A_209#7 : vector<16xf32> to vector<1x16xf32>
      tpu.vector_store %arg10[%swap3A_250, %swap3A_251], %swap3A_254 {strides = array<i32>} : memref<128x128xf32, #tpu.memory_space<vmem>>, vector<1x16xf32>,
      %broadcast_in_dim3A_255 = arith.constant 0.000000e+00 : f32
      %broadcast_in_dim3A_256 = vector.broadcast %broadcast_in_dim3A_255 : f32 to vector<16xf32>
      %broadcast_in_dim3A_257 = arith.constant 0.000000e+00 : f32
      %broadcast_in_dim3A_258 = vector.broadcast %broadcast_in_dim3A_257 : f32 to vector<16xf32>
      %broadcast_in_dim3A_259 = arith.constant 0.000000e+00 : f32
      %broadcast_in_dim3A_260 = vector.broadcast %broadcast_in_dim3A_259 : f32 to vector<16xf32>
      %broadcast_in_dim3A_261 = arith.constant 0.000000e+00 : f32
      %broadcast_in_dim3A_262 = vector.broadcast %broadcast_in_dim3A_261 : f32 to vector<16xf32>
      %broadcast_in_dim3A_263 = arith.constant 0.000000e+00 : f32
      %broadcast_in_dim3A_264 = vector.broadcast %broadcast_in_dim3A_263 : f32 to vector<16xf32>
      %broadcast_in_dim3A_265 = arith.constant 0.000000e+00 : f32
      %broadcast_in_dim3A_266 = vector.broadcast %broadcast_in_dim3A_265 : f32 to vector<16xf32>
      %broadcast_in_dim3A_267 = arith.constant 0.000000e+00 : f32
      %broadcast_in_dim3A_268 = vector.broadcast %broadcast_in_dim3A_267 : f32 to vector<16xf32>
      %broadcast_in_dim3A_269 = arith.constant 0.000000e+00 : f32
      %broadcast_in_dim3A_270 = vector.broadcast %broadcast_in_dim3A_269 : f32 to vector<16xf32>
      %scan3A_271 = arith.constant 0 : i32
      %scan3A_272 = arith.constant 10 : i32
      %scan3A_273 = arith.addi %scan3A_271, %scan3A_272 : i32
      %scan3A_274 = arith.constant 1 : i32
      %scan3A_275:8 = scf.for %scan3A_619 = %scan3A_271 to %scan3A_273 step %scan3A_274 iter_args(%scan3A_620 = %broadcast_in_dim3A_256, %scan3A_621 = %broadcast_in_dim3A_258, %scan3A_622 = %broadcast_in_dim3A_260, %scan3A_623 = %broadcast_in_dim3A_262, %scan3A_624 = %broadcast_in_dim3A_264, %scan3A_625 = %broadcast_in_dim3A_266, %scan3A_626 = %broadcast_in_dim3A_268, %scan3A_627 = %broadcast_in_dim3A_270) -> (vector<16xf32>, vector<16xf32>, vector<16xf32>, vector<16xf32>, vector<16xf32>, vector<16xf32>, vector<16xf32>, vector<16xf32>)  : i32 {
        %mul3A_628 = arith.constant 5 : i32
        %mul3A_629 = arith.muli %scan3A_619, %mul3A_628 : i32
        %add3A_630 = arith.constant 50 : i32
        %add3A_631 = arith.addi %add3A_630, %mul3A_629 : i32
        %add3A_632 = arith.constant 0 : i32
        %add3A_633 = arith.addi %add3A_631, %add3A_632 : i32
        %get3A = arith.index_cast %add3A_633 : i32 to index
        %get3A_634 = arith.constant 0 : index
        %get3A_635 = tpu.vector_load %arg7[%get3A, %get3A_634] {strides = array<i32>} : memref<100x128xf32, #tpu.memory_space<vmem>>, vector<1x16xf32>,
        %get3A_636 = vector.shape_cast %get3A_635 : vector<1x16xf32> to vector<16xf32>
        %add3A_637 = arith.addf %scan3A_620, %get3A_636 : vector<16xf32>
        %add3A_638 = arith.constant 0 : i32
        %add3A_639 = arith.addi %add3A_631, %add3A_638 : i32
        %get3A_640 = arith.index_cast %add3A_639 : i32 to index
        %get3A_641 = arith.constant 16 : index
        %get3A_642 = tpu.vector_load %arg7[%get3A_640, %get3A_641] {strides = array<i32>} : memref<100x128xf32, #tpu.memory_space<vmem>>, vector<1x16xf32>,
        %get3A_643 = vector.shape_cast %get3A_642 : vector<1x16xf32> to vector<16xf32>
        %add3A_644 = arith.addf %scan3A_621, %get3A_643 : vector<16xf32>
        %add3A_645 = arith.constant 0 : i32
        %add3A_646 = arith.addi %add3A_631, %add3A_645 : i32
        %get3A_647 = arith.index_cast %add3A_646 : i32 to index
        %get3A_648 = arith.constant 32 : index
        %get3A_649 = tpu.vector_load %arg7[%get3A_647, %get3A_648] {strides = array<i32>} : memref<100x128xf32, #tpu.memory_space<vmem>>, vector<1x16xf32>,
        %get3A_650 = vector.shape_cast %get3A_649 : vector<1x16xf32> to vector<16xf32>
        %add3A_651 = arith.addf %scan3A_622, %get3A_650 : vector<16xf32>
        %add3A_652 = arith.constant 0 : i32
        %add3A_653 = arith.addi %add3A_631, %add3A_652 : i32
        %get3A_654 = arith.index_cast %add3A_653 : i32 to index
        %get3A_655 = arith.constant 48 : index
        %get3A_656 = tpu.vector_load %arg7[%get3A_654, %get3A_655] {strides = array<i32>} : memref<100x128xf32, #tpu.memory_space<vmem>>, vector<1x16xf32>,
        %get3A_657 = vector.shape_cast %get3A_656 : vector<1x16xf32> to vector<16xf32>
        %add3A_658 = arith.addf %scan3A_623, %get3A_657 : vector<16xf32>
        %add3A_659 = arith.constant 0 : i32
        %add3A_660 = arith.addi %add3A_631, %add3A_659 : i32
        %get3A_661 = arith.index_cast %add3A_660 : i32 to index
        %get3A_662 = arith.constant 64 : index
        %get3A_663 = tpu.vector_load %arg7[%get3A_661, %get3A_662] {strides = array<i32>} : memref<100x128xf32, #tpu.memory_space<vmem>>, vector<1x16xf32>,
        %get3A_664 = vector.shape_cast %get3A_663 : vector<1x16xf32> to vector<16xf32>
        %add3A_665 = arith.addf %scan3A_624, %get3A_664 : vector<16xf32>
        %add3A_666 = arith.constant 0 : i32
        %add3A_667 = arith.addi %add3A_631, %add3A_666 : i32
        %get3A_668 = arith.index_cast %add3A_667 : i32 to index
        %get3A_669 = arith.constant 80 : index
        %get3A_670 = tpu.vector_load %arg7[%get3A_668, %get3A_669] {strides = array<i32>} : memref<100x128xf32, #tpu.memory_space<vmem>>, vector<1x16xf32>,
        %get3A_671 = vector.shape_cast %get3A_670 : vector<1x16xf32> to vector<16xf32>
        %add3A_672 = arith.addf %scan3A_625, %get3A_671 : vector<16xf32>
        %add3A_673 = arith.constant 0 : i32
        %add3A_674 = arith.addi %add3A_631, %add3A_673 : i32
        %get3A_675 = arith.index_cast %add3A_674 : i32 to index
        %get3A_676 = arith.constant 96 : index
        %get3A_677 = tpu.vector_load %arg7[%get3A_675, %get3A_676] {strides = array<i32>} : memref<100x128xf32, #tpu.memory_space<vmem>>, vector<1x16xf32>,
        %get3A_678 = vector.shape_cast %get3A_677 : vector<1x16xf32> to vector<16xf32>
        %add3A_679 = arith.addf %scan3A_626, %get3A_678 : vector<16xf32>
        %add3A_680 = arith.constant 0 : i32
        %add3A_681 = arith.addi %add3A_631, %add3A_680 : i32
        %get3A_682 = arith.index_cast %add3A_681 : i32 to index
        %get3A_683 = arith.constant 112 : index
        %get3A_684 = tpu.vector_load %arg7[%get3A_682, %get3A_683] {strides = array<i32>} : memref<100x128xf32, #tpu.memory_space<vmem>>, vector<1x16xf32>,
        %get3A_685 = vector.shape_cast %get3A_684 : vector<1x16xf32> to vector<16xf32>
        %add3A_686 = arith.addf %scan3A_627, %get3A_685 : vector<16xf32>
        %add3A_687 = arith.constant 1 : i32
        %add3A_688 = arith.addi %add3A_631, %add3A_687 : i32
        %get3A_689 = arith.index_cast %add3A_688 : i32 to index
        %get3A_690 = arith.constant 0 : index
        %get3A_691 = tpu.vector_load %arg7[%get3A_689, %get3A_690] {strides = array<i32>} : memref<100x128xf32, #tpu.memory_space<vmem>>, vector<1x16xf32>,
        %get3A_692 = vector.shape_cast %get3A_691 : vector<1x16xf32> to vector<16xf32>
        %add3A_693 = arith.addf %add3A_637, %get3A_692 : vector<16xf32>
        %add3A_694 = arith.constant 1 : i32
        %add3A_695 = arith.addi %add3A_631, %add3A_694 : i32
        %get3A_696 = arith.index_cast %add3A_695 : i32 to index
        %get3A_697 = arith.constant 16 : index
        %get3A_698 = tpu.vector_load %arg7[%get3A_696, %get3A_697] {strides = array<i32>} : memref<100x128xf32, #tpu.memory_space<vmem>>, vector<1x16xf32>,
        %get3A_699 = vector.shape_cast %get3A_698 : vector<1x16xf32> to vector<16xf32>
        %add3A_700 = arith.addf %add3A_644, %get3A_699 : vector<16xf32>
        %add3A_701 = arith.constant 1 : i32
        %add3A_702 = arith.addi %add3A_631, %add3A_701 : i32
        %get3A_703 = arith.index_cast %add3A_702 : i32 to index
        %get3A_704 = arith.constant 32 : index
        %get3A_705 = tpu.vector_load %arg7[%get3A_703, %get3A_704] {strides = array<i32>} : memref<100x128xf32, #tpu.memory_space<vmem>>, vector<1x16xf32>,
        %get3A_706 = vector.shape_cast %get3A_705 : vector<1x16xf32> to vector<16xf32>
        %add3A_707 = arith.addf %add3A_651, %get3A_706 : vector<16xf32>
        %add3A_708 = arith.constant 1 : i32
        %add3A_709 = arith.addi %add3A_631, %add3A_708 : i32
        %get3A_710 = arith.index_cast %add3A_709 : i32 to index
        %get3A_711 = arith.constant 48 : index
        %get3A_712 = tpu.vector_load %arg7[%get3A_710, %get3A_711] {strides = array<i32>} : memref<100x128xf32, #tpu.memory_space<vmem>>, vector<1x16xf32>,
        %get3A_713 = vector.shape_cast %get3A_712 : vector<1x16xf32> to vector<16xf32>
        %add3A_714 = arith.addf %add3A_658, %get3A_713 : vector<16xf32>
        %add3A_715 = arith.constant 1 : i32
        %add3A_716 = arith.addi %add3A_631, %add3A_715 : i32
        %get3A_717 = arith.index_cast %add3A_716 : i32 to index
        %get3A_718 = arith.constant 64 : index
        %get3A_719 = tpu.vector_load %arg7[%get3A_717, %get3A_718] {strides = array<i32>} : memref<100x128xf32, #tpu.memory_space<vmem>>, vector<1x16xf32>,
        %get3A_720 = vector.shape_cast %get3A_719 : vector<1x16xf32> to vector<16xf32>
        %add3A_721 = arith.addf %add3A_665, %get3A_720 : vector<16xf32>
        %add3A_722 = arith.constant 1 : i32
        %add3A_723 = arith.addi %add3A_631, %add3A_722 : i32
        %get3A_724 = arith.index_cast %add3A_723 : i32 to index
        %get3A_725 = arith.constant 80 : index
        %get3A_726 = tpu.vector_load %arg7[%get3A_724, %get3A_725] {strides = array<i32>} : memref<100x128xf32, #tpu.memory_space<vmem>>, vector<1x16xf32>,
        %get3A_727 = vector.shape_cast %get3A_726 : vector<1x16xf32> to vector<16xf32>
        %add3A_728 = arith.addf %add3A_672, %get3A_727 : vector<16xf32>
        %add3A_729 = arith.constant 1 : i32
        %add3A_730 = arith.addi %add3A_631, %add3A_729 : i32
        %get3A_731 = arith.index_cast %add3A_730 : i32 to index
        %get3A_732 = arith.constant 96 : index
        %get3A_733 = tpu.vector_load %arg7[%get3A_731, %get3A_732] {strides = array<i32>} : memref<100x128xf32, #tpu.memory_space<vmem>>, vector<1x16xf32>,
        %get3A_734 = vector.shape_cast %get3A_733 : vector<1x16xf32> to vector<16xf32>
        %add3A_735 = arith.addf %add3A_679, %get3A_734 : vector<16xf32>
        %add3A_736 = arith.constant 1 : i32
        %add3A_737 = arith.addi %add3A_631, %add3A_736 : i32
        %get3A_738 = arith.index_cast %add3A_737 : i32 to index
        %get3A_739 = arith.constant 112 : index
        %get3A_740 = tpu.vector_load %arg7[%get3A_738, %get3A_739] {strides = array<i32>} : memref<100x128xf32, #tpu.memory_space<vmem>>, vector<1x16xf32>,
        %get3A_741 = vector.shape_cast %get3A_740 : vector<1x16xf32> to vector<16xf32>
        %add3A_742 = arith.addf %add3A_686, %get3A_741 : vector<16xf32>
        %add3A_743 = arith.constant 2 : i32
        %add3A_744 = arith.addi %add3A_631, %add3A_743 : i32
        %get3A_745 = arith.index_cast %add3A_744 : i32 to index
        %get3A_746 = arith.constant 0 : index
        %get3A_747 = tpu.vector_load %arg7[%get3A_745, %get3A_746] {strides = array<i32>} : memref<100x128xf32, #tpu.memory_space<vmem>>, vector<1x16xf32>,
        %get3A_748 = vector.shape_cast %get3A_747 : vector<1x16xf32> to vector<16xf32>
        %add3A_749 = arith.addf %add3A_693, %get3A_748 : vector<16xf32>
        %add3A_750 = arith.constant 2 : i32
        %add3A_751 = arith.addi %add3A_631, %add3A_750 : i32
        %get3A_752 = arith.index_cast %add3A_751 : i32 to index
        %get3A_753 = arith.constant 16 : index
        %get3A_754 = tpu.vector_load %arg7[%get3A_752, %get3A_753] {strides = array<i32>} : memref<100x128xf32, #tpu.memory_space<vmem>>, vector<1x16xf32>,
        %get3A_755 = vector.shape_cast %get3A_754 : vector<1x16xf32> to vector<16xf32>
        %add3A_756 = arith.addf %add3A_700, %get3A_755 : vector<16xf32>
        %add3A_757 = arith.constant 2 : i32
        %add3A_758 = arith.addi %add3A_631, %add3A_757 : i32
        %get3A_759 = arith.index_cast %add3A_758 : i32 to index
        %get3A_760 = arith.constant 32 : index
        %get3A_761 = tpu.vector_load %arg7[%get3A_759, %get3A_760] {strides = array<i32>} : memref<100x128xf32, #tpu.memory_space<vmem>>, vector<1x16xf32>,
        %get3A_762 = vector.shape_cast %get3A_761 : vector<1x16xf32> to vector<16xf32>
        %add3A_763 = arith.addf %add3A_707, %get3A_762 : vector<16xf32>
        %add3A_764 = arith.constant 2 : i32
        %add3A_765 = arith.addi %add3A_631, %add3A_764 : i32
        %get3A_766 = arith.index_cast %add3A_765 : i32 to index
        %get3A_767 = arith.constant 48 : index
        %get3A_768 = tpu.vector_load %arg7[%get3A_766, %get3A_767] {strides = array<i32>} : memref<100x128xf32, #tpu.memory_space<vmem>>, vector<1x16xf32>,
        %get3A_769 = vector.shape_cast %get3A_768 : vector<1x16xf32> to vector<16xf32>
        %add3A_770 = arith.addf %add3A_714, %get3A_769 : vector<16xf32>
        %add3A_771 = arith.constant 2 : i32
        %add3A_772 = arith.addi %add3A_631, %add3A_771 : i32
        %get3A_773 = arith.index_cast %add3A_772 : i32 to index
        %get3A_774 = arith.constant 64 : index
        %get3A_775 = tpu.vector_load %arg7[%get3A_773, %get3A_774] {strides = array<i32>} : memref<100x128xf32, #tpu.memory_space<vmem>>, vector<1x16xf32>,
        %get3A_776 = vector.shape_cast %get3A_775 : vector<1x16xf32> to vector<16xf32>
        %add3A_777 = arith.addf %add3A_721, %get3A_776 : vector<16xf32>
        %add3A_778 = arith.constant 2 : i32
        %add3A_779 = arith.addi %add3A_631, %add3A_778 : i32
        %get3A_780 = arith.index_cast %add3A_779 : i32 to index
        %get3A_781 = arith.constant 80 : index
        %get3A_782 = tpu.vector_load %arg7[%get3A_780, %get3A_781] {strides = array<i32>} : memref<100x128xf32, #tpu.memory_space<vmem>>, vector<1x16xf32>,
        %get3A_783 = vector.shape_cast %get3A_782 : vector<1x16xf32> to vector<16xf32>
        %add3A_784 = arith.addf %add3A_728, %get3A_783 : vector<16xf32>
        %add3A_785 = arith.constant 2 : i32
        %add3A_786 = arith.addi %add3A_631, %add3A_785 : i32
        %get3A_787 = arith.index_cast %add3A_786 : i32 to index
        %get3A_788 = arith.constant 96 : index
        %get3A_789 = tpu.vector_load %arg7[%get3A_787, %get3A_788] {strides = array<i32>} : memref<100x128xf32, #tpu.memory_space<vmem>>, vector<1x16xf32>,
        %get3A_790 = vector.shape_cast %get3A_789 : vector<1x16xf32> to vector<16xf32>
        %add3A_791 = arith.addf %add3A_735, %get3A_790 : vector<16xf32>
        %add3A_792 = arith.constant 2 : i32
        %add3A_793 = arith.addi %add3A_631, %add3A_792 : i32
        %get3A_794 = arith.index_cast %add3A_793 : i32 to index
        %get3A_795 = arith.constant 112 : index
        %get3A_796 = tpu.vector_load %arg7[%get3A_794, %get3A_795] {strides = array<i32>} : memref<100x128xf32, #tpu.memory_space<vmem>>, vector<1x16xf32>,
        %get3A_797 = vector.shape_cast %get3A_796 : vector<1x16xf32> to vector<16xf32>
        %add3A_798 = arith.addf %add3A_742, %get3A_797 : vector<16xf32>
        %add3A_799 = arith.constant 3 : i32
        %add3A_800 = arith.addi %add3A_631, %add3A_799 : i32
        %get3A_801 = arith.index_cast %add3A_800 : i32 to index
        %get3A_802 = arith.constant 0 : index
        %get3A_803 = tpu.vector_load %arg7[%get3A_801, %get3A_802] {strides = array<i32>} : memref<100x128xf32, #tpu.memory_space<vmem>>, vector<1x16xf32>,
        %get3A_804 = vector.shape_cast %get3A_803 : vector<1x16xf32> to vector<16xf32>
        %add3A_805 = arith.addf %add3A_749, %get3A_804 : vector<16xf32>
        %add3A_806 = arith.constant 3 : i32
        %add3A_807 = arith.addi %add3A_631, %add3A_806 : i32
        %get3A_808 = arith.index_cast %add3A_807 : i32 to index
        %get3A_809 = arith.constant 16 : index
        %get3A_810 = tpu.vector_load %arg7[%get3A_808, %get3A_809] {strides = array<i32>} : memref<100x128xf32, #tpu.memory_space<vmem>>, vector<1x16xf32>,
        %get3A_811 = vector.shape_cast %get3A_810 : vector<1x16xf32> to vector<16xf32>
        %add3A_812 = arith.addf %add3A_756, %get3A_811 : vector<16xf32>
        %add3A_813 = arith.constant 3 : i32
        %add3A_814 = arith.addi %add3A_631, %add3A_813 : i32
        %get3A_815 = arith.index_cast %add3A_814 : i32 to index
        %get3A_816 = arith.constant 32 : index
        %get3A_817 = tpu.vector_load %arg7[%get3A_815, %get3A_816] {strides = array<i32>} : memref<100x128xf32, #tpu.memory_space<vmem>>, vector<1x16xf32>,
        %get3A_818 = vector.shape_cast %get3A_817 : vector<1x16xf32> to vector<16xf32>
        %add3A_819 = arith.addf %add3A_763, %get3A_818 : vector<16xf32>
        %add3A_820 = arith.constant 3 : i32
        %add3A_821 = arith.addi %add3A_631, %add3A_820 : i32
        %get3A_822 = arith.index_cast %add3A_821 : i32 to index
        %get3A_823 = arith.constant 48 : index
        %get3A_824 = tpu.vector_load %arg7[%get3A_822, %get3A_823] {strides = array<i32>} : memref<100x128xf32, #tpu.memory_space<vmem>>, vector<1x16xf32>,
        %get3A_825 = vector.shape_cast %get3A_824 : vector<1x16xf32> to vector<16xf32>
        %add3A_826 = arith.addf %add3A_770, %get3A_825 : vector<16xf32>
        %add3A_827 = arith.constant 3 : i32
        %add3A_828 = arith.addi %add3A_631, %add3A_827 : i32
        %get3A_829 = arith.index_cast %add3A_828 : i32 to index
        %get3A_830 = arith.constant 64 : index
        %get3A_831 = tpu.vector_load %arg7[%get3A_829, %get3A_830] {strides = array<i32>} : memref<100x128xf32, #tpu.memory_space<vmem>>, vector<1x16xf32>,
        %get3A_832 = vector.shape_cast %get3A_831 : vector<1x16xf32> to vector<16xf32>
        %add3A_833 = arith.addf %add3A_777, %get3A_832 : vector<16xf32>
        %add3A_834 = arith.constant 3 : i32
        %add3A_835 = arith.addi %add3A_631, %add3A_834 : i32
        %get3A_836 = arith.index_cast %add3A_835 : i32 to index
        %get3A_837 = arith.constant 80 : index
        %get3A_838 = tpu.vector_load %arg7[%get3A_836, %get3A_837] {strides = array<i32>} : memref<100x128xf32, #tpu.memory_space<vmem>>, vector<1x16xf32>,
        %get3A_839 = vector.shape_cast %get3A_838 : vector<1x16xf32> to vector<16xf32>
        %add3A_840 = arith.addf %add3A_784, %get3A_839 : vector<16xf32>
        %add3A_841 = arith.constant 3 : i32
        %add3A_842 = arith.addi %add3A_631, %add3A_841 : i32
        %get3A_843 = arith.index_cast %add3A_842 : i32 to index
        %get3A_844 = arith.constant 96 : index
        %get3A_845 = tpu.vector_load %arg7[%get3A_843, %get3A_844] {strides = array<i32>} : memref<100x128xf32, #tpu.memory_space<vmem>>, vector<1x16xf32>,
        %get3A_846 = vector.shape_cast %get3A_845 : vector<1x16xf32> to vector<16xf32>
        %add3A_847 = arith.addf %add3A_791, %get3A_846 : vector<16xf32>
        %add3A_848 = arith.constant 3 : i32
        %add3A_849 = arith.addi %add3A_631, %add3A_848 : i32
        %get3A_850 = arith.index_cast %add3A_849 : i32 to index
        %get3A_851 = arith.constant 112 : index
        %get3A_852 = tpu.vector_load %arg7[%get3A_850, %get3A_851] {strides = array<i32>} : memref<100x128xf32, #tpu.memory_space<vmem>>, vector<1x16xf32>,
        %get3A_853 = vector.shape_cast %get3A_852 : vector<1x16xf32> to vector<16xf32>
        %add3A_854 = arith.addf %add3A_798, %get3A_853 : vector<16xf32>
        %add3A_855 = arith.constant 4 : i32
        %add3A_856 = arith.addi %add3A_631, %add3A_855 : i32
        %get3A_857 = arith.index_cast %add3A_856 : i32 to index
        %get3A_858 = arith.constant 0 : index
        %get3A_859 = tpu.vector_load %arg7[%get3A_857, %get3A_858] {strides = array<i32>} : memref<100x128xf32, #tpu.memory_space<vmem>>, vector<1x16xf32>,
        %get3A_860 = vector.shape_cast %get3A_859 : vector<1x16xf32> to vector<16xf32>
        %add3A_861 = arith.addf %add3A_805, %get3A_860 : vector<16xf32>
        %add3A_862 = arith.constant 4 : i32
        %add3A_863 = arith.addi %add3A_631, %add3A_862 : i32
        %get3A_864 = arith.index_cast %add3A_863 : i32 to index
        %get3A_865 = arith.constant 16 : index
        %get3A_866 = tpu.vector_load %arg7[%get3A_864, %get3A_865] {strides = array<i32>} : memref<100x128xf32, #tpu.memory_space<vmem>>, vector<1x16xf32>,
        %get3A_867 = vector.shape_cast %get3A_866 : vector<1x16xf32> to vector<16xf32>
        %add3A_868 = arith.addf %add3A_812, %get3A_867 : vector<16xf32>
        %add3A_869 = arith.constant 4 : i32
        %add3A_870 = arith.addi %add3A_631, %add3A_869 : i32
        %get3A_871 = arith.index_cast %add3A_870 : i32 to index
        %get3A_872 = arith.constant 32 : index
        %get3A_873 = tpu.vector_load %arg7[%get3A_871, %get3A_872] {strides = array<i32>} : memref<100x128xf32, #tpu.memory_space<vmem>>, vector<1x16xf32>,
        %get3A_874 = vector.shape_cast %get3A_873 : vector<1x16xf32> to vector<16xf32>
        %add3A_875 = arith.addf %add3A_819, %get3A_874 : vector<16xf32>
        %add3A_876 = arith.constant 4 : i32
        %add3A_877 = arith.addi %add3A_631, %add3A_876 : i32
        %get3A_878 = arith.index_cast %add3A_877 : i32 to index
        %get3A_879 = arith.constant 48 : index
        %get3A_880 = tpu.vector_load %arg7[%get3A_878, %get3A_879] {strides = array<i32>} : memref<100x128xf32, #tpu.memory_space<vmem>>, vector<1x16xf32>,
        %get3A_881 = vector.shape_cast %get3A_880 : vector<1x16xf32> to vector<16xf32>
        %add3A_882 = arith.addf %add3A_826, %get3A_881 : vector<16xf32>
        %add3A_883 = arith.constant 4 : i32
        %add3A_884 = arith.addi %add3A_631, %add3A_883 : i32
        %get3A_885 = arith.index_cast %add3A_884 : i32 to index
        %get3A_886 = arith.constant 64 : index
        %get3A_887 = tpu.vector_load %arg7[%get3A_885, %get3A_886] {strides = array<i32>} : memref<100x128xf32, #tpu.memory_space<vmem>>, vector<1x16xf32>,
        %get3A_888 = vector.shape_cast %get3A_887 : vector<1x16xf32> to vector<16xf32>
        %add3A_889 = arith.addf %add3A_833, %get3A_888 : vector<16xf32>
        %add3A_890 = arith.constant 4 : i32
        %add3A_891 = arith.addi %add3A_631, %add3A_890 : i32
        %get3A_892 = arith.index_cast %add3A_891 : i32 to index
        %get3A_893 = arith.constant 80 : index
        %get3A_894 = tpu.vector_load %arg7[%get3A_892, %get3A_893] {strides = array<i32>} : memref<100x128xf32, #tpu.memory_space<vmem>>, vector<1x16xf32>,
        %get3A_895 = vector.shape_cast %get3A_894 : vector<1x16xf32> to vector<16xf32>
        %add3A_896 = arith.addf %add3A_840, %get3A_895 : vector<16xf32>
        %add3A_897 = arith.constant 4 : i32
        %add3A_898 = arith.addi %add3A_631, %add3A_897 : i32
        %get3A_899 = arith.index_cast %add3A_898 : i32 to index
        %get3A_900 = arith.constant 96 : index
        %get3A_901 = tpu.vector_load %arg7[%get3A_899, %get3A_900] {strides = array<i32>} : memref<100x128xf32, #tpu.memory_space<vmem>>, vector<1x16xf32>,
        %get3A_902 = vector.shape_cast %get3A_901 : vector<1x16xf32> to vector<16xf32>
        %add3A_903 = arith.addf %add3A_847, %get3A_902 : vector<16xf32>
        %add3A_904 = arith.constant 4 : i32
        %add3A_905 = arith.addi %add3A_631, %add3A_904 : i32
        %get3A_906 = arith.index_cast %add3A_905 : i32 to index
        %get3A_907 = arith.constant 112 : index
        %get3A_908 = tpu.vector_load %arg7[%get3A_906, %get3A_907] {strides = array<i32>} : memref<100x128xf32, #tpu.memory_space<vmem>>, vector<1x16xf32>,
        %get3A_909 = vector.shape_cast %get3A_908 : vector<1x16xf32> to vector<16xf32>
        %add3A_910 = arith.addf %add3A_854, %get3A_909 : vector<16xf32>
        scf.yield %add3A_861, %add3A_868, %add3A_875, %add3A_882, %add3A_889, %add3A_896, %add3A_903, %add3A_910 : vector<16xf32>, vector<16xf32>, vector<16xf32>, vector<16xf32>, vector<16xf32>, vector<16xf32>, vector<16xf32>, vector<16xf32>
      }
      %scan3A_276 = arith.constant 10 : i32
      %mul3A_277 = arith.constant 2 : i32
      %mul3A_278 = arith.muli %add3A_173, %mul3A_277 : i32
      %add3A_279 = arith.constant 1 : i32
      %add3A_280 = arith.addi %mul3A_278, %add3A_279 : i32
      %swap3A_281 = arith.index_cast %add3A_280 : i32 to index
      %swap3A_282 = arith.constant 0 : index
      %swap3A_283 = tpu.vector_load %arg10[%swap3A_281, %swap3A_282] {strides = array<i32>} : memref<128x128xf32, #tpu.memory_space<vmem>>, vector<1x16xf32>,
      %swap3A_284 = vector.shape_cast %swap3A_283 : vector<1x16xf32> to vector<16xf32>
      %swap3A_285 = vector.shape_cast %scan3A_275#0 : vector<16xf32> to vector<1x16xf32>
      tpu.vector_store %arg10[%swap3A_281, %swap3A_282], %swap3A_285 {strides = array<i32>} : memref<128x128xf32, #tpu.memory_space<vmem>>, vector<1x16xf32>,
      %swap3A_286 = arith.index_cast %add3A_280 : i32 to index
      %swap3A_287 = arith.constant 16 : index
      %swap3A_288 = tpu.vector_load %arg10[%swap3A_286, %swap3A_287] {strides = array<i32>} : memref<128x128xf32, #tpu.memory_space<vmem>>, vector<1x16xf32>,
      %swap3A_289 = vector.shape_cast %swap3A_288 : vector<1x16xf32> to vector<16xf32>
      %swap3A_290 = vector.shape_cast %scan3A_275#1 : vector<16xf32> to vector<1x16xf32>
      tpu.vector_store %arg10[%swap3A_286, %swap3A_287], %swap3A_290 {strides = array<i32>} : memref<128x128xf32, #tpu.memory_space<vmem>>, vector<1x16xf32>,
      %swap3A_291 = arith.index_cast %add3A_280 : i32 to index
      %swap3A_292 = arith.constant 32 : index
      %swap3A_293 = tpu.vector_load %arg10[%swap3A_291, %swap3A_292] {strides = array<i32>} : memref<128x128xf32, #tpu.memory_space<vmem>>, vector<1x16xf32>,
      %swap3A_294 = vector.shape_cast %swap3A_293 : vector<1x16xf32> to vector<16xf32>
      %swap3A_295 = vector.shape_cast %scan3A_275#2 : vector<16xf32> to vector<1x16xf32>
      tpu.vector_store %arg10[%swap3A_291, %swap3A_292], %swap3A_295 {strides = array<i32>} : memref<128x128xf32, #tpu.memory_space<vmem>>, vector<1x16xf32>,
      %swap3A_296 = arith.index_cast %add3A_280 : i32 to index
      %swap3A_297 = arith.constant 48 : index
      %swap3A_298 = tpu.vector_load %arg10[%swap3A_296, %swap3A_297] {strides = array<i32>} : memref<128x128xf32, #tpu.memory_space<vmem>>, vector<1x16xf32>,
      %swap3A_299 = vector.shape_cast %swap3A_298 : vector<1x16xf32> to vector<16xf32>
      %swap3A_300 = vector.shape_cast %scan3A_275#3 : vector<16xf32> to vector<1x16xf32>
      tpu.vector_store %arg10[%swap3A_296, %swap3A_297], %swap3A_300 {strides = array<i32>} : memref<128x128xf32, #tpu.memory_space<vmem>>, vector<1x16xf32>,
      %swap3A_301 = arith.index_cast %add3A_280 : i32 to index
      %swap3A_302 = arith.constant 64 : index
      %swap3A_303 = tpu.vector_load %arg10[%swap3A_301, %swap3A_302] {strides = array<i32>} : memref<128x128xf32, #tpu.memory_space<vmem>>, vector<1x16xf32>,
      %swap3A_304 = vector.shape_cast %swap3A_303 : vector<1x16xf32> to vector<16xf32>
      %swap3A_305 = vector.shape_cast %scan3A_275#4 : vector<16xf32> to vector<1x16xf32>
      tpu.vector_store %arg10[%swap3A_301, %swap3A_302], %swap3A_305 {strides = array<i32>} : memref<128x128xf32, #tpu.memory_space<vmem>>, vector<1x16xf32>,
      %swap3A_306 = arith.index_cast %add3A_280 : i32 to index
      %swap3A_307 = arith.constant 80 : index
      %swap3A_308 = tpu.vector_load %arg10[%swap3A_306, %swap3A_307] {strides = array<i32>} : memref<128x128xf32, #tpu.memory_space<vmem>>, vector<1x16xf32>,
      %swap3A_309 = vector.shape_cast %swap3A_308 : vector<1x16xf32> to vector<16xf32>
      %swap3A_310 = vector.shape_cast %scan3A_275#5 : vector<16xf32> to vector<1x16xf32>
      tpu.vector_store %arg10[%swap3A_306, %swap3A_307], %swap3A_310 {strides = array<i32>} : memref<128x128xf32, #tpu.memory_space<vmem>>, vector<1x16xf32>,
      %swap3A_311 = arith.index_cast %add3A_280 : i32 to index
      %swap3A_312 = arith.constant 96 : index
      %swap3A_313 = tpu.vector_load %arg10[%swap3A_311, %swap3A_312] {strides = array<i32>} : memref<128x128xf32, #tpu.memory_space<vmem>>, vector<1x16xf32>,
      %swap3A_314 = vector.shape_cast %swap3A_313 : vector<1x16xf32> to vector<16xf32>
      %swap3A_315 = vector.shape_cast %scan3A_275#6 : vector<16xf32> to vector<1x16xf32>
      tpu.vector_store %arg10[%swap3A_311, %swap3A_312], %swap3A_315 {strides = array<i32>} : memref<128x128xf32, #tpu.memory_space<vmem>>, vector<1x16xf32>,
      %swap3A_316 = arith.index_cast %add3A_280 : i32 to index
      %swap3A_317 = arith.constant 112 : index
      %swap3A_318 = tpu.vector_load %arg10[%swap3A_316, %swap3A_317] {strides = array<i32>} : memref<128x128xf32, #tpu.memory_space<vmem>>, vector<1x16xf32>,
      %swap3A_319 = vector.shape_cast %swap3A_318 : vector<1x16xf32> to vector<16xf32>
      %swap3A_320 = vector.shape_cast %scan3A_275#7 : vector<16xf32> to vector<1x16xf32>
      tpu.vector_store %arg10[%swap3A_316, %swap3A_317], %swap3A_320 {strides = array<i32>} : memref<128x128xf32, #tpu.memory_space<vmem>>, vector<1x16xf32>,
      %add3A_321 = arith.constant 2 : i32
      %add3A_322 = arith.addi %mul3A_29, %add3A_321 : i32
      %dma_wait3A_323 = arith.constant 0 : i32
      %dma_wait3A_324 = tpu.memref_slice %arg5[%add3A_322, %dma_wait3A_323] : memref<64x100xi32, #tpu.memory_space<vmem>> -> memref<1x100xi32, #tpu.memory_space<vmem>>
      %dma_wait3A_325 = tpu.memref_squeeze %dma_wait3A_324 : memref<1x100xi32, #tpu.memory_space<vmem>> -> memref<100xi32, #tpu.memory_space<vmem>>
      %dma_wait3A_326 = arith.constant 0 : i32
      %dma_wait3A_327 = arith.constant 0 : i32
      %dma_wait3A_328 = tpu.memref_slice %arg3[%dma_wait3A_326, %dma_wait3A_327] : memref<100000x128xf32, #tpu.memory_space<hbm>> -> memref<100000x128xf32, #tpu.memory_space<hbm>>
      tpu.wait_indirect_dma semaphore(%arg13 : memref<!tpu.dma_semaphore, #tpu.memory_space<semaphore_mem>>) src(%dma_wait3A_328 : memref<100000x128xf32, #tpu.memory_space<hbm>>) dst(%arg8 : memref<100x128xf32, #tpu.memory_space<vmem>>)
      %add3A_329 = arith.constant 4 : i32
      %add3A_330 = arith.addi %add3A_322, %add3A_329 : i32
      %sub3A_331 = arith.constant 1 : i32
      %sub3A_332 = arith.subi %add3A_330, %sub3A_331 : i32
      %lt3A_333 = arith.constant 64 : i32
      %lt3A_334 = arith.cmpi slt, %sub3A_332, %lt3A_333 : i32
      %convert_element_type3A_335 = arith.extui %lt3A_334 : i1 to i32
      %cond3A_336 = arith.constant 0 : i32
      %cond3A_337 = arith.cmpi ne, %convert_element_type3A_335, %cond3A_336 : i32
      scf.if %cond3A_337 {
        %add3A_619 = arith.constant 4 : i32
        %add3A_620 = arith.addi %add3A_322, %add3A_619 : i32
        %sub3A_621 = arith.constant 1 : i32
        %sub3A_622 = arith.subi %add3A_620, %sub3A_621 : i32
        %dma_start3A_623 = arith.constant 0 : i32
        %dma_start3A_624 = tpu.memref_slice %arg5[%sub3A_622, %dma_start3A_623] : memref<64x100xi32, #tpu.memory_space<vmem>> -> memref<1x100xi32, #tpu.memory_space<vmem>>
        %dma_start3A_625 = tpu.memref_squeeze %dma_start3A_624 : memref<1x100xi32, #tpu.memory_space<vmem>> -> memref<100xi32, #tpu.memory_space<vmem>>
        %dma_start3A_626 = arith.constant 0 : i32
        %dma_start3A_627 = arith.constant 0 : i32
        %dma_start3A_628 = tpu.memref_slice %arg3[%dma_start3A_626, %dma_start3A_627] : memref<100000x128xf32, #tpu.memory_space<hbm>> -> memref<100000x128xf32, #tpu.memory_space<hbm>>
        tpu.enqueue_indirect_dma source(%dma_start3A_628 : memref<100000x128xf32, #tpu.memory_space<hbm>>) target(%arg7 : memref<100x128xf32, #tpu.memory_space<vmem>>) offsets(%dma_start3A_625 : memref<100xi32, #tpu.memory_space<vmem>>) semaphore(%arg12 : memref<!tpu.dma_semaphore, #tpu.memory_space<semaphore_mem>>)
      } else {
      }
      %broadcast_in_dim3A_338 = arith.constant 0.000000e+00 : f32
      %broadcast_in_dim3A_339 = vector.broadcast %broadcast_in_dim3A_338 : f32 to vector<16xf32>
      %broadcast_in_dim3A_340 = arith.constant 0.000000e+00 : f32
      %broadcast_in_dim3A_341 = vector.broadcast %broadcast_in_dim3A_340 : f32 to vector<16xf32>
      %broadcast_in_dim3A_342 = arith.constant 0.000000e+00 : f32
      %broadcast_in_dim3A_343 = vector.broadcast %broadcast_in_dim3A_342 : f32 to vector<16xf32>
      %broadcast_in_dim3A_344 = arith.constant 0.000000e+00 : f32
      %broadcast_in_dim3A_345 = vector.broadcast %broadcast_in_dim3A_344 : f32 to vector<16xf32>
      %broadcast_in_dim3A_346 = arith.constant 0.000000e+00 : f32
      %broadcast_in_dim3A_347 = vector.broadcast %broadcast_in_dim3A_346 : f32 to vector<16xf32>
      %broadcast_in_dim3A_348 = arith.constant 0.000000e+00 : f32
      %broadcast_in_dim3A_349 = vector.broadcast %broadcast_in_dim3A_348 : f32 to vector<16xf32>
      %broadcast_in_dim3A_350 = arith.constant 0.000000e+00 : f32
      %broadcast_in_dim3A_351 = vector.broadcast %broadcast_in_dim3A_350 : f32 to vector<16xf32>
      %broadcast_in_dim3A_352 = arith.constant 0.000000e+00 : f32
      %broadcast_in_dim3A_353 = vector.broadcast %broadcast_in_dim3A_352 : f32 to vector<16xf32>
      %scan3A_354 = arith.constant 0 : i32
      %scan3A_355 = arith.constant 10 : i32
      %scan3A_356 = arith.addi %scan3A_354, %scan3A_355 : i32
      %scan3A_357 = arith.constant 1 : i32
      %scan3A_358:8 = scf.for %scan3A_619 = %scan3A_354 to %scan3A_356 step %scan3A_357 iter_args(%scan3A_620 = %broadcast_in_dim3A_339, %scan3A_621 = %broadcast_in_dim3A_341, %scan3A_622 = %broadcast_in_dim3A_343, %scan3A_623 = %broadcast_in_dim3A_345, %scan3A_624 = %broadcast_in_dim3A_347, %scan3A_625 = %broadcast_in_dim3A_349, %scan3A_626 = %broadcast_in_dim3A_351, %scan3A_627 = %broadcast_in_dim3A_353) -> (vector<16xf32>, vector<16xf32>, vector<16xf32>, vector<16xf32>, vector<16xf32>, vector<16xf32>, vector<16xf32>, vector<16xf32>)  : i32 {
        %mul3A_628 = arith.constant 5 : i32
        %mul3A_629 = arith.muli %scan3A_619, %mul3A_628 : i32
        %add3A_630 = arith.constant 0 : i32
        %add3A_631 = arith.addi %add3A_630, %mul3A_629 : i32
        %add3A_632 = arith.constant 0 : i32
        %add3A_633 = arith.addi %add3A_631, %add3A_632 : i32
        %get3A = arith.index_cast %add3A_633 : i32 to index
        %get3A_634 = arith.constant 0 : index
        %get3A_635 = tpu.vector_load %arg8[%get3A, %get3A_634] {strides = array<i32>} : memref<100x128xf32, #tpu.memory_space<vmem>>, vector<1x16xf32>,
        %get3A_636 = vector.shape_cast %get3A_635 : vector<1x16xf32> to vector<16xf32>
        %add3A_637 = arith.addf %scan3A_620, %get3A_636 : vector<16xf32>
        %add3A_638 = arith.constant 0 : i32
        %add3A_639 = arith.addi %add3A_631, %add3A_638 : i32
        %get3A_640 = arith.index_cast %add3A_639 : i32 to index
        %get3A_641 = arith.constant 16 : index
        %get3A_642 = tpu.vector_load %arg8[%get3A_640, %get3A_641] {strides = array<i32>} : memref<100x128xf32, #tpu.memory_space<vmem>>, vector<1x16xf32>,
        %get3A_643 = vector.shape_cast %get3A_642 : vector<1x16xf32> to vector<16xf32>
        %add3A_644 = arith.addf %scan3A_621, %get3A_643 : vector<16xf32>
        %add3A_645 = arith.constant 0 : i32
        %add3A_646 = arith.addi %add3A_631, %add3A_645 : i32
        %get3A_647 = arith.index_cast %add3A_646 : i32 to index
        %get3A_648 = arith.constant 32 : index
        %get3A_649 = tpu.vector_load %arg8[%get3A_647, %get3A_648] {strides = array<i32>} : memref<100x128xf32, #tpu.memory_space<vmem>>, vector<1x16xf32>,
        %get3A_650 = vector.shape_cast %get3A_649 : vector<1x16xf32> to vector<16xf32>
        %add3A_651 = arith.addf %scan3A_622, %get3A_650 : vector<16xf32>
        %add3A_652 = arith.constant 0 : i32
        %add3A_653 = arith.addi %add3A_631, %add3A_652 : i32
        %get3A_654 = arith.index_cast %add3A_653 : i32 to index
        %get3A_655 = arith.constant 48 : index
        %get3A_656 = tpu.vector_load %arg8[%get3A_654, %get3A_655] {strides = array<i32>} : memref<100x128xf32, #tpu.memory_space<vmem>>, vector<1x16xf32>,
        %get3A_657 = vector.shape_cast %get3A_656 : vector<1x16xf32> to vector<16xf32>
        %add3A_658 = arith.addf %scan3A_623, %get3A_657 : vector<16xf32>
        %add3A_659 = arith.constant 0 : i32
        %add3A_660 = arith.addi %add3A_631, %add3A_659 : i32
        %get3A_661 = arith.index_cast %add3A_660 : i32 to index
        %get3A_662 = arith.constant 64 : index
        %get3A_663 = tpu.vector_load %arg8[%get3A_661, %get3A_662] {strides = array<i32>} : memref<100x128xf32, #tpu.memory_space<vmem>>, vector<1x16xf32>,
        %get3A_664 = vector.shape_cast %get3A_663 : vector<1x16xf32> to vector<16xf32>
        %add3A_665 = arith.addf %scan3A_624, %get3A_664 : vector<16xf32>
        %add3A_666 = arith.constant 0 : i32
        %add3A_667 = arith.addi %add3A_631, %add3A_666 : i32
        %get3A_668 = arith.index_cast %add3A_667 : i32 to index
        %get3A_669 = arith.constant 80 : index
        %get3A_670 = tpu.vector_load %arg8[%get3A_668, %get3A_669] {strides = array<i32>} : memref<100x128xf32, #tpu.memory_space<vmem>>, vector<1x16xf32>,
        %get3A_671 = vector.shape_cast %get3A_670 : vector<1x16xf32> to vector<16xf32>
        %add3A_672 = arith.addf %scan3A_625, %get3A_671 : vector<16xf32>
        %add3A_673 = arith.constant 0 : i32
        %add3A_674 = arith.addi %add3A_631, %add3A_673 : i32
        %get3A_675 = arith.index_cast %add3A_674 : i32 to index
        %get3A_676 = arith.constant 96 : index
        %get3A_677 = tpu.vector_load %arg8[%get3A_675, %get3A_676] {strides = array<i32>} : memref<100x128xf32, #tpu.memory_space<vmem>>, vector<1x16xf32>,
        %get3A_678 = vector.shape_cast %get3A_677 : vector<1x16xf32> to vector<16xf32>
        %add3A_679 = arith.addf %scan3A_626, %get3A_678 : vector<16xf32>
        %add3A_680 = arith.constant 0 : i32
        %add3A_681 = arith.addi %add3A_631, %add3A_680 : i32
        %get3A_682 = arith.index_cast %add3A_681 : i32 to index
        %get3A_683 = arith.constant 112 : index
        %get3A_684 = tpu.vector_load %arg8[%get3A_682, %get3A_683] {strides = array<i32>} : memref<100x128xf32, #tpu.memory_space<vmem>>, vector<1x16xf32>,
        %get3A_685 = vector.shape_cast %get3A_684 : vector<1x16xf32> to vector<16xf32>
        %add3A_686 = arith.addf %scan3A_627, %get3A_685 : vector<16xf32>
        %add3A_687 = arith.constant 1 : i32
        %add3A_688 = arith.addi %add3A_631, %add3A_687 : i32
        %get3A_689 = arith.index_cast %add3A_688 : i32 to index
        %get3A_690 = arith.constant 0 : index
        %get3A_691 = tpu.vector_load %arg8[%get3A_689, %get3A_690] {strides = array<i32>} : memref<100x128xf32, #tpu.memory_space<vmem>>, vector<1x16xf32>,
        %get3A_692 = vector.shape_cast %get3A_691 : vector<1x16xf32> to vector<16xf32>
        %add3A_693 = arith.addf %add3A_637, %get3A_692 : vector<16xf32>
        %add3A_694 = arith.constant 1 : i32
        %add3A_695 = arith.addi %add3A_631, %add3A_694 : i32
        %get3A_696 = arith.index_cast %add3A_695 : i32 to index
        %get3A_697 = arith.constant 16 : index
        %get3A_698 = tpu.vector_load %arg8[%get3A_696, %get3A_697] {strides = array<i32>} : memref<100x128xf32, #tpu.memory_space<vmem>>, vector<1x16xf32>,
        %get3A_699 = vector.shape_cast %get3A_698 : vector<1x16xf32> to vector<16xf32>
        %add3A_700 = arith.addf %add3A_644, %get3A_699 : vector<16xf32>
        %add3A_701 = arith.constant 1 : i32
        %add3A_702 = arith.addi %add3A_631, %add3A_701 : i32
        %get3A_703 = arith.index_cast %add3A_702 : i32 to index
        %get3A_704 = arith.constant 32 : index
        %get3A_705 = tpu.vector_load %arg8[%get3A_703, %get3A_704] {strides = array<i32>} : memref<100x128xf32, #tpu.memory_space<vmem>>, vector<1x16xf32>,
        %get3A_706 = vector.shape_cast %get3A_705 : vector<1x16xf32> to vector<16xf32>
        %add3A_707 = arith.addf %add3A_651, %get3A_706 : vector<16xf32>
        %add3A_708 = arith.constant 1 : i32
        %add3A_709 = arith.addi %add3A_631, %add3A_708 : i32
        %get3A_710 = arith.index_cast %add3A_709 : i32 to index
        %get3A_711 = arith.constant 48 : index
        %get3A_712 = tpu.vector_load %arg8[%get3A_710, %get3A_711] {strides = array<i32>} : memref<100x128xf32, #tpu.memory_space<vmem>>, vector<1x16xf32>,
        %get3A_713 = vector.shape_cast %get3A_712 : vector<1x16xf32> to vector<16xf32>
        %add3A_714 = arith.addf %add3A_658, %get3A_713 : vector<16xf32>
        %add3A_715 = arith.constant 1 : i32
        %add3A_716 = arith.addi %add3A_631, %add3A_715 : i32
        %get3A_717 = arith.index_cast %add3A_716 : i32 to index
        %get3A_718 = arith.constant 64 : index
        %get3A_719 = tpu.vector_load %arg8[%get3A_717, %get3A_718] {strides = array<i32>} : memref<100x128xf32, #tpu.memory_space<vmem>>, vector<1x16xf32>,
        %get3A_720 = vector.shape_cast %get3A_719 : vector<1x16xf32> to vector<16xf32>
        %add3A_721 = arith.addf %add3A_665, %get3A_720 : vector<16xf32>
        %add3A_722 = arith.constant 1 : i32
        %add3A_723 = arith.addi %add3A_631, %add3A_722 : i32
        %get3A_724 = arith.index_cast %add3A_723 : i32 to index
        %get3A_725 = arith.constant 80 : index
        %get3A_726 = tpu.vector_load %arg8[%get3A_724, %get3A_725] {strides = array<i32>} : memref<100x128xf32, #tpu.memory_space<vmem>>, vector<1x16xf32>,
        %get3A_727 = vector.shape_cast %get3A_726 : vector<1x16xf32> to vector<16xf32>
        %add3A_728 = arith.addf %add3A_672, %get3A_727 : vector<16xf32>
        %add3A_729 = arith.constant 1 : i32
        %add3A_730 = arith.addi %add3A_631, %add3A_729 : i32
        %get3A_731 = arith.index_cast %add3A_730 : i32 to index
        %get3A_732 = arith.constant 96 : index
        %get3A_733 = tpu.vector_load %arg8[%get3A_731, %get3A_732] {strides = array<i32>} : memref<100x128xf32, #tpu.memory_space<vmem>>, vector<1x16xf32>,
        %get3A_734 = vector.shape_cast %get3A_733 : vector<1x16xf32> to vector<16xf32>
        %add3A_735 = arith.addf %add3A_679, %get3A_734 : vector<16xf32>
        %add3A_736 = arith.constant 1 : i32
        %add3A_737 = arith.addi %add3A_631, %add3A_736 : i32
        %get3A_738 = arith.index_cast %add3A_737 : i32 to index
        %get3A_739 = arith.constant 112 : index
        %get3A_740 = tpu.vector_load %arg8[%get3A_738, %get3A_739] {strides = array<i32>} : memref<100x128xf32, #tpu.memory_space<vmem>>, vector<1x16xf32>,
        %get3A_741 = vector.shape_cast %get3A_740 : vector<1x16xf32> to vector<16xf32>
        %add3A_742 = arith.addf %add3A_686, %get3A_741 : vector<16xf32>
        %add3A_743 = arith.constant 2 : i32
        %add3A_744 = arith.addi %add3A_631, %add3A_743 : i32
        %get3A_745 = arith.index_cast %add3A_744 : i32 to index
        %get3A_746 = arith.constant 0 : index
        %get3A_747 = tpu.vector_load %arg8[%get3A_745, %get3A_746] {strides = array<i32>} : memref<100x128xf32, #tpu.memory_space<vmem>>, vector<1x16xf32>,
        %get3A_748 = vector.shape_cast %get3A_747 : vector<1x16xf32> to vector<16xf32>
        %add3A_749 = arith.addf %add3A_693, %get3A_748 : vector<16xf32>
        %add3A_750 = arith.constant 2 : i32
        %add3A_751 = arith.addi %add3A_631, %add3A_750 : i32
        %get3A_752 = arith.index_cast %add3A_751 : i32 to index
        %get3A_753 = arith.constant 16 : index
        %get3A_754 = tpu.vector_load %arg8[%get3A_752, %get3A_753] {strides = array<i32>} : memref<100x128xf32, #tpu.memory_space<vmem>>, vector<1x16xf32>,
        %get3A_755 = vector.shape_cast %get3A_754 : vector<1x16xf32> to vector<16xf32>
        %add3A_756 = arith.addf %add3A_700, %get3A_755 : vector<16xf32>
        %add3A_757 = arith.constant 2 : i32
        %add3A_758 = arith.addi %add3A_631, %add3A_757 : i32
        %get3A_759 = arith.index_cast %add3A_758 : i32 to index
        %get3A_760 = arith.constant 32 : index
        %get3A_761 = tpu.vector_load %arg8[%get3A_759, %get3A_760] {strides = array<i32>} : memref<100x128xf32, #tpu.memory_space<vmem>>, vector<1x16xf32>,
        %get3A_762 = vector.shape_cast %get3A_761 : vector<1x16xf32> to vector<16xf32>
        %add3A_763 = arith.addf %add3A_707, %get3A_762 : vector<16xf32>
        %add3A_764 = arith.constant 2 : i32
        %add3A_765 = arith.addi %add3A_631, %add3A_764 : i32
        %get3A_766 = arith.index_cast %add3A_765 : i32 to index
        %get3A_767 = arith.constant 48 : index
        %get3A_768 = tpu.vector_load %arg8[%get3A_766, %get3A_767] {strides = array<i32>} : memref<100x128xf32, #tpu.memory_space<vmem>>, vector<1x16xf32>,
        %get3A_769 = vector.shape_cast %get3A_768 : vector<1x16xf32> to vector<16xf32>
        %add3A_770 = arith.addf %add3A_714, %get3A_769 : vector<16xf32>
        %add3A_771 = arith.constant 2 : i32
        %add3A_772 = arith.addi %add3A_631, %add3A_771 : i32
        %get3A_773 = arith.index_cast %add3A_772 : i32 to index
        %get3A_774 = arith.constant 64 : index
        %get3A_775 = tpu.vector_load %arg8[%get3A_773, %get3A_774] {strides = array<i32>} : memref<100x128xf32, #tpu.memory_space<vmem>>, vector<1x16xf32>,
        %get3A_776 = vector.shape_cast %get3A_775 : vector<1x16xf32> to vector<16xf32>
        %add3A_777 = arith.addf %add3A_721, %get3A_776 : vector<16xf32>
        %add3A_778 = arith.constant 2 : i32
        %add3A_779 = arith.addi %add3A_631, %add3A_778 : i32
        %get3A_780 = arith.index_cast %add3A_779 : i32 to index
        %get3A_781 = arith.constant 80 : index
        %get3A_782 = tpu.vector_load %arg8[%get3A_780, %get3A_781] {strides = array<i32>} : memref<100x128xf32, #tpu.memory_space<vmem>>, vector<1x16xf32>,
        %get3A_783 = vector.shape_cast %get3A_782 : vector<1x16xf32> to vector<16xf32>
        %add3A_784 = arith.addf %add3A_728, %get3A_783 : vector<16xf32>
        %add3A_785 = arith.constant 2 : i32
        %add3A_786 = arith.addi %add3A_631, %add3A_785 : i32
        %get3A_787 = arith.index_cast %add3A_786 : i32 to index
        %get3A_788 = arith.constant 96 : index
        %get3A_789 = tpu.vector_load %arg8[%get3A_787, %get3A_788] {strides = array<i32>} : memref<100x128xf32, #tpu.memory_space<vmem>>, vector<1x16xf32>,
        %get3A_790 = vector.shape_cast %get3A_789 : vector<1x16xf32> to vector<16xf32>
        %add3A_791 = arith.addf %add3A_735, %get3A_790 : vector<16xf32>
        %add3A_792 = arith.constant 2 : i32
        %add3A_793 = arith.addi %add3A_631, %add3A_792 : i32
        %get3A_794 = arith.index_cast %add3A_793 : i32 to index
        %get3A_795 = arith.constant 112 : index
        %get3A_796 = tpu.vector_load %arg8[%get3A_794, %get3A_795] {strides = array<i32>} : memref<100x128xf32, #tpu.memory_space<vmem>>, vector<1x16xf32>,
        %get3A_797 = vector.shape_cast %get3A_796 : vector<1x16xf32> to vector<16xf32>
        %add3A_798 = arith.addf %add3A_742, %get3A_797 : vector<16xf32>
        %add3A_799 = arith.constant 3 : i32
        %add3A_800 = arith.addi %add3A_631, %add3A_799 : i32
        %get3A_801 = arith.index_cast %add3A_800 : i32 to index
        %get3A_802 = arith.constant 0 : index
        %get3A_803 = tpu.vector_load %arg8[%get3A_801, %get3A_802] {strides = array<i32>} : memref<100x128xf32, #tpu.memory_space<vmem>>, vector<1x16xf32>,
        %get3A_804 = vector.shape_cast %get3A_803 : vector<1x16xf32> to vector<16xf32>
        %add3A_805 = arith.addf %add3A_749, %get3A_804 : vector<16xf32>
        %add3A_806 = arith.constant 3 : i32
        %add3A_807 = arith.addi %add3A_631, %add3A_806 : i32
        %get3A_808 = arith.index_cast %add3A_807 : i32 to index
        %get3A_809 = arith.constant 16 : index
        %get3A_810 = tpu.vector_load %arg8[%get3A_808, %get3A_809] {strides = array<i32>} : memref<100x128xf32, #tpu.memory_space<vmem>>, vector<1x16xf32>,
        %get3A_811 = vector.shape_cast %get3A_810 : vector<1x16xf32> to vector<16xf32>
        %add3A_812 = arith.addf %add3A_756, %get3A_811 : vector<16xf32>
        %add3A_813 = arith.constant 3 : i32
        %add3A_814 = arith.addi %add3A_631, %add3A_813 : i32
        %get3A_815 = arith.index_cast %add3A_814 : i32 to index
        %get3A_816 = arith.constant 32 : index
        %get3A_817 = tpu.vector_load %arg8[%get3A_815, %get3A_816] {strides = array<i32>} : memref<100x128xf32, #tpu.memory_space<vmem>>, vector<1x16xf32>,
        %get3A_818 = vector.shape_cast %get3A_817 : vector<1x16xf32> to vector<16xf32>
        %add3A_819 = arith.addf %add3A_763, %get3A_818 : vector<16xf32>
        %add3A_820 = arith.constant 3 : i32
        %add3A_821 = arith.addi %add3A_631, %add3A_820 : i32
        %get3A_822 = arith.index_cast %add3A_821 : i32 to index
        %get3A_823 = arith.constant 48 : index
        %get3A_824 = tpu.vector_load %arg8[%get3A_822, %get3A_823] {strides = array<i32>} : memref<100x128xf32, #tpu.memory_space<vmem>>, vector<1x16xf32>,
        %get3A_825 = vector.shape_cast %get3A_824 : vector<1x16xf32> to vector<16xf32>
        %add3A_826 = arith.addf %add3A_770, %get3A_825 : vector<16xf32>
        %add3A_827 = arith.constant 3 : i32
        %add3A_828 = arith.addi %add3A_631, %add3A_827 : i32
        %get3A_829 = arith.index_cast %add3A_828 : i32 to index
        %get3A_830 = arith.constant 64 : index
        %get3A_831 = tpu.vector_load %arg8[%get3A_829, %get3A_830] {strides = array<i32>} : memref<100x128xf32, #tpu.memory_space<vmem>>, vector<1x16xf32>,
        %get3A_832 = vector.shape_cast %get3A_831 : vector<1x16xf32> to vector<16xf32>
        %add3A_833 = arith.addf %add3A_777, %get3A_832 : vector<16xf32>
        %add3A_834 = arith.constant 3 : i32
        %add3A_835 = arith.addi %add3A_631, %add3A_834 : i32
        %get3A_836 = arith.index_cast %add3A_835 : i32 to index
        %get3A_837 = arith.constant 80 : index
        %get3A_838 = tpu.vector_load %arg8[%get3A_836, %get3A_837] {strides = array<i32>} : memref<100x128xf32, #tpu.memory_space<vmem>>, vector<1x16xf32>,
        %get3A_839 = vector.shape_cast %get3A_838 : vector<1x16xf32> to vector<16xf32>
        %add3A_840 = arith.addf %add3A_784, %get3A_839 : vector<16xf32>
        %add3A_841 = arith.constant 3 : i32
        %add3A_842 = arith.addi %add3A_631, %add3A_841 : i32
        %get3A_843 = arith.index_cast %add3A_842 : i32 to index
        %get3A_844 = arith.constant 96 : index
        %get3A_845 = tpu.vector_load %arg8[%get3A_843, %get3A_844] {strides = array<i32>} : memref<100x128xf32, #tpu.memory_space<vmem>>, vector<1x16xf32>,
        %get3A_846 = vector.shape_cast %get3A_845 : vector<1x16xf32> to vector<16xf32>
        %add3A_847 = arith.addf %add3A_791, %get3A_846 : vector<16xf32>
        %add3A_848 = arith.constant 3 : i32
        %add3A_849 = arith.addi %add3A_631, %add3A_848 : i32
        %get3A_850 = arith.index_cast %add3A_849 : i32 to index
        %get3A_851 = arith.constant 112 : index
        %get3A_852 = tpu.vector_load %arg8[%get3A_850, %get3A_851] {strides = array<i32>} : memref<100x128xf32, #tpu.memory_space<vmem>>, vector<1x16xf32>,
        %get3A_853 = vector.shape_cast %get3A_852 : vector<1x16xf32> to vector<16xf32>
        %add3A_854 = arith.addf %add3A_798, %get3A_853 : vector<16xf32>
        %add3A_855 = arith.constant 4 : i32
        %add3A_856 = arith.addi %add3A_631, %add3A_855 : i32
        %get3A_857 = arith.index_cast %add3A_856 : i32 to index
        %get3A_858 = arith.constant 0 : index
        %get3A_859 = tpu.vector_load %arg8[%get3A_857, %get3A_858] {strides = array<i32>} : memref<100x128xf32, #tpu.memory_space<vmem>>, vector<1x16xf32>,
        %get3A_860 = vector.shape_cast %get3A_859 : vector<1x16xf32> to vector<16xf32>
        %add3A_861 = arith.addf %add3A_805, %get3A_860 : vector<16xf32>
        %add3A_862 = arith.constant 4 : i32
        %add3A_863 = arith.addi %add3A_631, %add3A_862 : i32
        %get3A_864 = arith.index_cast %add3A_863 : i32 to index
        %get3A_865 = arith.constant 16 : index
        %get3A_866 = tpu.vector_load %arg8[%get3A_864, %get3A_865] {strides = array<i32>} : memref<100x128xf32, #tpu.memory_space<vmem>>, vector<1x16xf32>,
        %get3A_867 = vector.shape_cast %get3A_866 : vector<1x16xf32> to vector<16xf32>
        %add3A_868 = arith.addf %add3A_812, %get3A_867 : vector<16xf32>
        %add3A_869 = arith.constant 4 : i32
        %add3A_870 = arith.addi %add3A_631, %add3A_869 : i32
        %get3A_871 = arith.index_cast %add3A_870 : i32 to index
        %get3A_872 = arith.constant 32 : index
        %get3A_873 = tpu.vector_load %arg8[%get3A_871, %get3A_872] {strides = array<i32>} : memref<100x128xf32, #tpu.memory_space<vmem>>, vector<1x16xf32>,
        %get3A_874 = vector.shape_cast %get3A_873 : vector<1x16xf32> to vector<16xf32>
        %add3A_875 = arith.addf %add3A_819, %get3A_874 : vector<16xf32>
        %add3A_876 = arith.constant 4 : i32
        %add3A_877 = arith.addi %add3A_631, %add3A_876 : i32
        %get3A_878 = arith.index_cast %add3A_877 : i32 to index
        %get3A_879 = arith.constant 48 : index
        %get3A_880 = tpu.vector_load %arg8[%get3A_878, %get3A_879] {strides = array<i32>} : memref<100x128xf32, #tpu.memory_space<vmem>>, vector<1x16xf32>,
        %get3A_881 = vector.shape_cast %get3A_880 : vector<1x16xf32> to vector<16xf32>
        %add3A_882 = arith.addf %add3A_826, %get3A_881 : vector<16xf32>
        %add3A_883 = arith.constant 4 : i32
        %add3A_884 = arith.addi %add3A_631, %add3A_883 : i32
        %get3A_885 = arith.index_cast %add3A_884 : i32 to index
        %get3A_886 = arith.constant 64 : index
        %get3A_887 = tpu.vector_load %arg8[%get3A_885, %get3A_886] {strides = array<i32>} : memref<100x128xf32, #tpu.memory_space<vmem>>, vector<1x16xf32>,
        %get3A_888 = vector.shape_cast %get3A_887 : vector<1x16xf32> to vector<16xf32>
        %add3A_889 = arith.addf %add3A_833, %get3A_888 : vector<16xf32>
        %add3A_890 = arith.constant 4 : i32
        %add3A_891 = arith.addi %add3A_631, %add3A_890 : i32
        %get3A_892 = arith.index_cast %add3A_891 : i32 to index
        %get3A_893 = arith.constant 80 : index
        %get3A_894 = tpu.vector_load %arg8[%get3A_892, %get3A_893] {strides = array<i32>} : memref<100x128xf32, #tpu.memory_space<vmem>>, vector<1x16xf32>,
        %get3A_895 = vector.shape_cast %get3A_894 : vector<1x16xf32> to vector<16xf32>
        %add3A_896 = arith.addf %add3A_840, %get3A_895 : vector<16xf32>
        %add3A_897 = arith.constant 4 : i32
        %add3A_898 = arith.addi %add3A_631, %add3A_897 : i32
        %get3A_899 = arith.index_cast %add3A_898 : i32 to index
        %get3A_900 = arith.constant 96 : index
        %get3A_901 = tpu.vector_load %arg8[%get3A_899, %get3A_900] {strides = array<i32>} : memref<100x128xf32, #tpu.memory_space<vmem>>, vector<1x16xf32>,
        %get3A_902 = vector.shape_cast %get3A_901 : vector<1x16xf32> to vector<16xf32>
        %add3A_903 = arith.addf %add3A_847, %get3A_902 : vector<16xf32>
        %add3A_904 = arith.constant 4 : i32
        %add3A_905 = arith.addi %add3A_631, %add3A_904 : i32
        %get3A_906 = arith.index_cast %add3A_905 : i32 to index
        %get3A_907 = arith.constant 112 : index
        %get3A_908 = tpu.vector_load %arg8[%get3A_906, %get3A_907] {strides = array<i32>} : memref<100x128xf32, #tpu.memory_space<vmem>>, vector<1x16xf32>,
        %get3A_909 = vector.shape_cast %get3A_908 : vector<1x16xf32> to vector<16xf32>
        %add3A_910 = arith.addf %add3A_854, %get3A_909 : vector<16xf32>
        scf.yield %add3A_861, %add3A_868, %add3A_875, %add3A_882, %add3A_889, %add3A_896, %add3A_903, %add3A_910 : vector<16xf32>, vector<16xf32>, vector<16xf32>, vector<16xf32>, vector<16xf32>, vector<16xf32>, vector<16xf32>, vector<16xf32>
      }
      %scan3A_359 = arith.constant 10 : i32
      %mul3A_360 = arith.constant 2 : i32
      %mul3A_361 = arith.muli %add3A_322, %mul3A_360 : i32
      %add3A_362 = arith.constant 0 : i32
      %add3A_363 = arith.addi %mul3A_361, %add3A_362 : i32
      %swap3A_364 = arith.index_cast %add3A_363 : i32 to index
      %swap3A_365 = arith.constant 0 : index
      %swap3A_366 = tpu.vector_load %arg10[%swap3A_364, %swap3A_365] {strides = array<i32>} : memref<128x128xf32, #tpu.memory_space<vmem>>, vector<1x16xf32>,
      %swap3A_367 = vector.shape_cast %swap3A_366 : vector<1x16xf32> to vector<16xf32>
      %swap3A_368 = vector.shape_cast %scan3A_358#0 : vector<16xf32> to vector<1x16xf32>
      tpu.vector_store %arg10[%swap3A_364, %swap3A_365], %swap3A_368 {strides = array<i32>} : memref<128x128xf32, #tpu.memory_space<vmem>>, vector<1x16xf32>,
      %swap3A_369 = arith.index_cast %add3A_363 : i32 to index
      %swap3A_370 = arith.constant 16 : index
      %swap3A_371 = tpu.vector_load %arg10[%swap3A_369, %swap3A_370] {strides = array<i32>} : memref<128x128xf32, #tpu.memory_space<vmem>>, vector<1x16xf32>,
      %swap3A_372 = vector.shape_cast %swap3A_371 : vector<1x16xf32> to vector<16xf32>
      %swap3A_373 = vector.shape_cast %scan3A_358#1 : vector<16xf32> to vector<1x16xf32>
      tpu.vector_store %arg10[%swap3A_369, %swap3A_370], %swap3A_373 {strides = array<i32>} : memref<128x128xf32, #tpu.memory_space<vmem>>, vector<1x16xf32>,
      %swap3A_374 = arith.index_cast %add3A_363 : i32 to index
      %swap3A_375 = arith.constant 32 : index
      %swap3A_376 = tpu.vector_load %arg10[%swap3A_374, %swap3A_375] {strides = array<i32>} : memref<128x128xf32, #tpu.memory_space<vmem>>, vector<1x16xf32>,
      %swap3A_377 = vector.shape_cast %swap3A_376 : vector<1x16xf32> to vector<16xf32>
      %swap3A_378 = vector.shape_cast %scan3A_358#2 : vector<16xf32> to vector<1x16xf32>
      tpu.vector_store %arg10[%swap3A_374, %swap3A_375], %swap3A_378 {strides = array<i32>} : memref<128x128xf32, #tpu.memory_space<vmem>>, vector<1x16xf32>,
      %swap3A_379 = arith.index_cast %add3A_363 : i32 to index
      %swap3A_380 = arith.constant 48 : index
      %swap3A_381 = tpu.vector_load %arg10[%swap3A_379, %swap3A_380] {strides = array<i32>} : memref<128x128xf32, #tpu.memory_space<vmem>>, vector<1x16xf32>,
      %swap3A_382 = vector.shape_cast %swap3A_381 : vector<1x16xf32> to vector<16xf32>
      %swap3A_383 = vector.shape_cast %scan3A_358#3 : vector<16xf32> to vector<1x16xf32>
      tpu.vector_store %arg10[%swap3A_379, %swap3A_380], %swap3A_383 {strides = array<i32>} : memref<128x128xf32, #tpu.memory_space<vmem>>, vector<1x16xf32>,
      %swap3A_384 = arith.index_cast %add3A_363 : i32 to index
      %swap3A_385 = arith.constant 64 : index
      %swap3A_386 = tpu.vector_load %arg10[%swap3A_384, %swap3A_385] {strides = array<i32>} : memref<128x128xf32, #tpu.memory_space<vmem>>, vector<1x16xf32>,
      %swap3A_387 = vector.shape_cast %swap3A_386 : vector<1x16xf32> to vector<16xf32>
      %swap3A_388 = vector.shape_cast %scan3A_358#4 : vector<16xf32> to vector<1x16xf32>
      tpu.vector_store %arg10[%swap3A_384, %swap3A_385], %swap3A_388 {strides = array<i32>} : memref<128x128xf32, #tpu.memory_space<vmem>>, vector<1x16xf32>,
      %swap3A_389 = arith.index_cast %add3A_363 : i32 to index
      %swap3A_390 = arith.constant 80 : index
      %swap3A_391 = tpu.vector_load %arg10[%swap3A_389, %swap3A_390] {strides = array<i32>} : memref<128x128xf32, #tpu.memory_space<vmem>>, vector<1x16xf32>,
      %swap3A_392 = vector.shape_cast %swap3A_391 : vector<1x16xf32> to vector<16xf32>
      %swap3A_393 = vector.shape_cast %scan3A_358#5 : vector<16xf32> to vector<1x16xf32>
      tpu.vector_store %arg10[%swap3A_389, %swap3A_390], %swap3A_393 {strides = array<i32>} : memref<128x128xf32, #tpu.memory_space<vmem>>, vector<1x16xf32>,
      %swap3A_394 = arith.index_cast %add3A_363 : i32 to index
      %swap3A_395 = arith.constant 96 : index
      %swap3A_396 = tpu.vector_load %arg10[%swap3A_394, %swap3A_395] {strides = array<i32>} : memref<128x128xf32, #tpu.memory_space<vmem>>, vector<1x16xf32>,
      %swap3A_397 = vector.shape_cast %swap3A_396 : vector<1x16xf32> to vector<16xf32>
      %swap3A_398 = vector.shape_cast %scan3A_358#6 : vector<16xf32> to vector<1x16xf32>
      tpu.vector_store %arg10[%swap3A_394, %swap3A_395], %swap3A_398 {strides = array<i32>} : memref<128x128xf32, #tpu.memory_space<vmem>>, vector<1x16xf32>,
      %swap3A_399 = arith.index_cast %add3A_363 : i32 to index
      %swap3A_400 = arith.constant 112 : index
      %swap3A_401 = tpu.vector_load %arg10[%swap3A_399, %swap3A_400] {strides = array<i32>} : memref<128x128xf32, #tpu.memory_space<vmem>>, vector<1x16xf32>,
      %swap3A_402 = vector.shape_cast %swap3A_401 : vector<1x16xf32> to vector<16xf32>
      %swap3A_403 = vector.shape_cast %scan3A_358#7 : vector<16xf32> to vector<1x16xf32>
      tpu.vector_store %arg10[%swap3A_399, %swap3A_400], %swap3A_403 {strides = array<i32>} : memref<128x128xf32, #tpu.memory_space<vmem>>, vector<1x16xf32>,
      %broadcast_in_dim3A_404 = arith.constant 0.000000e+00 : f32
      %broadcast_in_dim3A_405 = vector.broadcast %broadcast_in_dim3A_404 : f32 to vector<16xf32>
      %broadcast_in_dim3A_406 = arith.constant 0.000000e+00 : f32
      %broadcast_in_dim3A_407 = vector.broadcast %broadcast_in_dim3A_406 : f32 to vector<16xf32>
      %broadcast_in_dim3A_408 = arith.constant 0.000000e+00 : f32
      %broadcast_in_dim3A_409 = vector.broadcast %broadcast_in_dim3A_408 : f32 to vector<16xf32>
      %broadcast_in_dim3A_410 = arith.constant 0.000000e+00 : f32
      %broadcast_in_dim3A_411 = vector.broadcast %broadcast_in_dim3A_410 : f32 to vector<16xf32>
      %broadcast_in_dim3A_412 = arith.constant 0.000000e+00 : f32
      %broadcast_in_dim3A_413 = vector.broadcast %broadcast_in_dim3A_412 : f32 to vector<16xf32>
      %broadcast_in_dim3A_414 = arith.constant 0.000000e+00 : f32
      %broadcast_in_dim3A_415 = vector.broadcast %broadcast_in_dim3A_414 : f32 to vector<16xf32>
      %broadcast_in_dim3A_416 = arith.constant 0.000000e+00 : f32
      %broadcast_in_dim3A_417 = vector.broadcast %broadcast_in_dim3A_416 : f32 to vector<16xf32>
      %broadcast_in_dim3A_418 = arith.constant 0.000000e+00 : f32
      %broadcast_in_dim3A_419 = vector.broadcast %broadcast_in_dim3A_418 : f32 to vector<16xf32>
      %scan3A_420 = arith.constant 0 : i32
      %scan3A_421 = arith.constant 10 : i32
      %scan3A_422 = arith.addi %scan3A_420, %scan3A_421 : i32
      %scan3A_423 = arith.constant 1 : i32
      %scan3A_424:8 = scf.for %scan3A_619 = %scan3A_420 to %scan3A_422 step %scan3A_423 iter_args(%scan3A_620 = %broadcast_in_dim3A_405, %scan3A_621 = %broadcast_in_dim3A_407, %scan3A_622 = %broadcast_in_dim3A_409, %scan3A_623 = %broadcast_in_dim3A_411, %scan3A_624 = %broadcast_in_dim3A_413, %scan3A_625 = %broadcast_in_dim3A_415, %scan3A_626 = %broadcast_in_dim3A_417, %scan3A_627 = %broadcast_in_dim3A_419) -> (vector<16xf32>, vector<16xf32>, vector<16xf32>, vector<16xf32>, vector<16xf32>, vector<16xf32>, vector<16xf32>, vector<16xf32>)  : i32 {
        %mul3A_628 = arith.constant 5 : i32
        %mul3A_629 = arith.muli %scan3A_619, %mul3A_628 : i32
        %add3A_630 = arith.constant 50 : i32
        %add3A_631 = arith.addi %add3A_630, %mul3A_629 : i32
        %add3A_632 = arith.constant 0 : i32
        %add3A_633 = arith.addi %add3A_631, %add3A_632 : i32
        %get3A = arith.index_cast %add3A_633 : i32 to index
        %get3A_634 = arith.constant 0 : index
        %get3A_635 = tpu.vector_load %arg8[%get3A, %get3A_634] {strides = array<i32>} : memref<100x128xf32, #tpu.memory_space<vmem>>, vector<1x16xf32>,
        %get3A_636 = vector.shape_cast %get3A_635 : vector<1x16xf32> to vector<16xf32>
        %add3A_637 = arith.addf %scan3A_620, %get3A_636 : vector<16xf32>
        %add3A_638 = arith.constant 0 : i32
        %add3A_639 = arith.addi %add3A_631, %add3A_638 : i32
        %get3A_640 = arith.index_cast %add3A_639 : i32 to index
        %get3A_641 = arith.constant 16 : index
        %get3A_642 = tpu.vector_load %arg8[%get3A_640, %get3A_641] {strides = array<i32>} : memref<100x128xf32, #tpu.memory_space<vmem>>, vector<1x16xf32>,
        %get3A_643 = vector.shape_cast %get3A_642 : vector<1x16xf32> to vector<16xf32>
        %add3A_644 = arith.addf %scan3A_621, %get3A_643 : vector<16xf32>
        %add3A_645 = arith.constant 0 : i32
        %add3A_646 = arith.addi %add3A_631, %add3A_645 : i32
        %get3A_647 = arith.index_cast %add3A_646 : i32 to index
        %get3A_648 = arith.constant 32 : index
        %get3A_649 = tpu.vector_load %arg8[%get3A_647, %get3A_648] {strides = array<i32>} : memref<100x128xf32, #tpu.memory_space<vmem>>, vector<1x16xf32>,
        %get3A_650 = vector.shape_cast %get3A_649 : vector<1x16xf32> to vector<16xf32>
        %add3A_651 = arith.addf %scan3A_622, %get3A_650 : vector<16xf32>
        %add3A_652 = arith.constant 0 : i32
        %add3A_653 = arith.addi %add3A_631, %add3A_652 : i32
        %get3A_654 = arith.index_cast %add3A_653 : i32 to index
        %get3A_655 = arith.constant 48 : index
        %get3A_656 = tpu.vector_load %arg8[%get3A_654, %get3A_655] {strides = array<i32>} : memref<100x128xf32, #tpu.memory_space<vmem>>, vector<1x16xf32>,
        %get3A_657 = vector.shape_cast %get3A_656 : vector<1x16xf32> to vector<16xf32>
        %add3A_658 = arith.addf %scan3A_623, %get3A_657 : vector<16xf32>
        %add3A_659 = arith.constant 0 : i32
        %add3A_660 = arith.addi %add3A_631, %add3A_659 : i32
        %get3A_661 = arith.index_cast %add3A_660 : i32 to index
        %get3A_662 = arith.constant 64 : index
        %get3A_663 = tpu.vector_load %arg8[%get3A_661, %get3A_662] {strides = array<i32>} : memref<100x128xf32, #tpu.memory_space<vmem>>, vector<1x16xf32>,
        %get3A_664 = vector.shape_cast %get3A_663 : vector<1x16xf32> to vector<16xf32>
        %add3A_665 = arith.addf %scan3A_624, %get3A_664 : vector<16xf32>
        %add3A_666 = arith.constant 0 : i32
        %add3A_667 = arith.addi %add3A_631, %add3A_666 : i32
        %get3A_668 = arith.index_cast %add3A_667 : i32 to index
        %get3A_669 = arith.constant 80 : index
        %get3A_670 = tpu.vector_load %arg8[%get3A_668, %get3A_669] {strides = array<i32>} : memref<100x128xf32, #tpu.memory_space<vmem>>, vector<1x16xf32>,
        %get3A_671 = vector.shape_cast %get3A_670 : vector<1x16xf32> to vector<16xf32>
        %add3A_672 = arith.addf %scan3A_625, %get3A_671 : vector<16xf32>
        %add3A_673 = arith.constant 0 : i32
        %add3A_674 = arith.addi %add3A_631, %add3A_673 : i32
        %get3A_675 = arith.index_cast %add3A_674 : i32 to index
        %get3A_676 = arith.constant 96 : index
        %get3A_677 = tpu.vector_load %arg8[%get3A_675, %get3A_676] {strides = array<i32>} : memref<100x128xf32, #tpu.memory_space<vmem>>, vector<1x16xf32>,
        %get3A_678 = vector.shape_cast %get3A_677 : vector<1x16xf32> to vector<16xf32>
        %add3A_679 = arith.addf %scan3A_626, %get3A_678 : vector<16xf32>
        %add3A_680 = arith.constant 0 : i32
        %add3A_681 = arith.addi %add3A_631, %add3A_680 : i32
        %get3A_682 = arith.index_cast %add3A_681 : i32 to index
        %get3A_683 = arith.constant 112 : index
        %get3A_684 = tpu.vector_load %arg8[%get3A_682, %get3A_683] {strides = array<i32>} : memref<100x128xf32, #tpu.memory_space<vmem>>, vector<1x16xf32>,
        %get3A_685 = vector.shape_cast %get3A_684 : vector<1x16xf32> to vector<16xf32>
        %add3A_686 = arith.addf %scan3A_627, %get3A_685 : vector<16xf32>
        %add3A_687 = arith.constant 1 : i32
        %add3A_688 = arith.addi %add3A_631, %add3A_687 : i32
        %get3A_689 = arith.index_cast %add3A_688 : i32 to index
        %get3A_690 = arith.constant 0 : index
        %get3A_691 = tpu.vector_load %arg8[%get3A_689, %get3A_690] {strides = array<i32>} : memref<100x128xf32, #tpu.memory_space<vmem>>, vector<1x16xf32>,
        %get3A_692 = vector.shape_cast %get3A_691 : vector<1x16xf32> to vector<16xf32>
        %add3A_693 = arith.addf %add3A_637, %get3A_692 : vector<16xf32>
        %add3A_694 = arith.constant 1 : i32
        %add3A_695 = arith.addi %add3A_631, %add3A_694 : i32
        %get3A_696 = arith.index_cast %add3A_695 : i32 to index
        %get3A_697 = arith.constant 16 : index
        %get3A_698 = tpu.vector_load %arg8[%get3A_696, %get3A_697] {strides = array<i32>} : memref<100x128xf32, #tpu.memory_space<vmem>>, vector<1x16xf32>,
        %get3A_699 = vector.shape_cast %get3A_698 : vector<1x16xf32> to vector<16xf32>
        %add3A_700 = arith.addf %add3A_644, %get3A_699 : vector<16xf32>
        %add3A_701 = arith.constant 1 : i32
        %add3A_702 = arith.addi %add3A_631, %add3A_701 : i32
        %get3A_703 = arith.index_cast %add3A_702 : i32 to index
        %get3A_704 = arith.constant 32 : index
        %get3A_705 = tpu.vector_load %arg8[%get3A_703, %get3A_704] {strides = array<i32>} : memref<100x128xf32, #tpu.memory_space<vmem>>, vector<1x16xf32>,
        %get3A_706 = vector.shape_cast %get3A_705 : vector<1x16xf32> to vector<16xf32>
        %add3A_707 = arith.addf %add3A_651, %get3A_706 : vector<16xf32>
        %add3A_708 = arith.constant 1 : i32
        %add3A_709 = arith.addi %add3A_631, %add3A_708 : i32
        %get3A_710 = arith.index_cast %add3A_709 : i32 to index
        %get3A_711 = arith.constant 48 : index
        %get3A_712 = tpu.vector_load %arg8[%get3A_710, %get3A_711] {strides = array<i32>} : memref<100x128xf32, #tpu.memory_space<vmem>>, vector<1x16xf32>,
        %get3A_713 = vector.shape_cast %get3A_712 : vector<1x16xf32> to vector<16xf32>
        %add3A_714 = arith.addf %add3A_658, %get3A_713 : vector<16xf32>
        %add3A_715 = arith.constant 1 : i32
        %add3A_716 = arith.addi %add3A_631, %add3A_715 : i32
        %get3A_717 = arith.index_cast %add3A_716 : i32 to index
        %get3A_718 = arith.constant 64 : index
        %get3A_719 = tpu.vector_load %arg8[%get3A_717, %get3A_718] {strides = array<i32>} : memref<100x128xf32, #tpu.memory_space<vmem>>, vector<1x16xf32>,
        %get3A_720 = vector.shape_cast %get3A_719 : vector<1x16xf32> to vector<16xf32>
        %add3A_721 = arith.addf %add3A_665, %get3A_720 : vector<16xf32>
        %add3A_722 = arith.constant 1 : i32
        %add3A_723 = arith.addi %add3A_631, %add3A_722 : i32
        %get3A_724 = arith.index_cast %add3A_723 : i32 to index
        %get3A_725 = arith.constant 80 : index
        %get3A_726 = tpu.vector_load %arg8[%get3A_724, %get3A_725] {strides = array<i32>} : memref<100x128xf32, #tpu.memory_space<vmem>>, vector<1x16xf32>,
        %get3A_727 = vector.shape_cast %get3A_726 : vector<1x16xf32> to vector<16xf32>
        %add3A_728 = arith.addf %add3A_672, %get3A_727 : vector<16xf32>
        %add3A_729 = arith.constant 1 : i32
        %add3A_730 = arith.addi %add3A_631, %add3A_729 : i32
        %get3A_731 = arith.index_cast %add3A_730 : i32 to index
        %get3A_732 = arith.constant 96 : index
        %get3A_733 = tpu.vector_load %arg8[%get3A_731, %get3A_732] {strides = array<i32>} : memref<100x128xf32, #tpu.memory_space<vmem>>, vector<1x16xf32>,
        %get3A_734 = vector.shape_cast %get3A_733 : vector<1x16xf32> to vector<16xf32>
        %add3A_735 = arith.addf %add3A_679, %get3A_734 : vector<16xf32>
        %add3A_736 = arith.constant 1 : i32
        %add3A_737 = arith.addi %add3A_631, %add3A_736 : i32
        %get3A_738 = arith.index_cast %add3A_737 : i32 to index
        %get3A_739 = arith.constant 112 : index
        %get3A_740 = tpu.vector_load %arg8[%get3A_738, %get3A_739] {strides = array<i32>} : memref<100x128xf32, #tpu.memory_space<vmem>>, vector<1x16xf32>,
        %get3A_741 = vector.shape_cast %get3A_740 : vector<1x16xf32> to vector<16xf32>
        %add3A_742 = arith.addf %add3A_686, %get3A_741 : vector<16xf32>
        %add3A_743 = arith.constant 2 : i32
        %add3A_744 = arith.addi %add3A_631, %add3A_743 : i32
        %get3A_745 = arith.index_cast %add3A_744 : i32 to index
        %get3A_746 = arith.constant 0 : index
        %get3A_747 = tpu.vector_load %arg8[%get3A_745, %get3A_746] {strides = array<i32>} : memref<100x128xf32, #tpu.memory_space<vmem>>, vector<1x16xf32>,
        %get3A_748 = vector.shape_cast %get3A_747 : vector<1x16xf32> to vector<16xf32>
        %add3A_749 = arith.addf %add3A_693, %get3A_748 : vector<16xf32>
        %add3A_750 = arith.constant 2 : i32
        %add3A_751 = arith.addi %add3A_631, %add3A_750 : i32
        %get3A_752 = arith.index_cast %add3A_751 : i32 to index
        %get3A_753 = arith.constant 16 : index
        %get3A_754 = tpu.vector_load %arg8[%get3A_752, %get3A_753] {strides = array<i32>} : memref<100x128xf32, #tpu.memory_space<vmem>>, vector<1x16xf32>,
        %get3A_755 = vector.shape_cast %get3A_754 : vector<1x16xf32> to vector<16xf32>
        %add3A_756 = arith.addf %add3A_700, %get3A_755 : vector<16xf32>
        %add3A_757 = arith.constant 2 : i32
        %add3A_758 = arith.addi %add3A_631, %add3A_757 : i32
        %get3A_759 = arith.index_cast %add3A_758 : i32 to index
        %get3A_760 = arith.constant 32 : index
        %get3A_761 = tpu.vector_load %arg8[%get3A_759, %get3A_760] {strides = array<i32>} : memref<100x128xf32, #tpu.memory_space<vmem>>, vector<1x16xf32>,
        %get3A_762 = vector.shape_cast %get3A_761 : vector<1x16xf32> to vector<16xf32>
        %add3A_763 = arith.addf %add3A_707, %get3A_762 : vector<16xf32>
        %add3A_764 = arith.constant 2 : i32
        %add3A_765 = arith.addi %add3A_631, %add3A_764 : i32
        %get3A_766 = arith.index_cast %add3A_765 : i32 to index
        %get3A_767 = arith.constant 48 : index
        %get3A_768 = tpu.vector_load %arg8[%get3A_766, %get3A_767] {strides = array<i32>} : memref<100x128xf32, #tpu.memory_space<vmem>>, vector<1x16xf32>,
        %get3A_769 = vector.shape_cast %get3A_768 : vector<1x16xf32> to vector<16xf32>
        %add3A_770 = arith.addf %add3A_714, %get3A_769 : vector<16xf32>
        %add3A_771 = arith.constant 2 : i32
        %add3A_772 = arith.addi %add3A_631, %add3A_771 : i32
        %get3A_773 = arith.index_cast %add3A_772 : i32 to index
        %get3A_774 = arith.constant 64 : index
        %get3A_775 = tpu.vector_load %arg8[%get3A_773, %get3A_774] {strides = array<i32>} : memref<100x128xf32, #tpu.memory_space<vmem>>, vector<1x16xf32>,
        %get3A_776 = vector.shape_cast %get3A_775 : vector<1x16xf32> to vector<16xf32>
        %add3A_777 = arith.addf %add3A_721, %get3A_776 : vector<16xf32>
        %add3A_778 = arith.constant 2 : i32
        %add3A_779 = arith.addi %add3A_631, %add3A_778 : i32
        %get3A_780 = arith.index_cast %add3A_779 : i32 to index
        %get3A_781 = arith.constant 80 : index
        %get3A_782 = tpu.vector_load %arg8[%get3A_780, %get3A_781] {strides = array<i32>} : memref<100x128xf32, #tpu.memory_space<vmem>>, vector<1x16xf32>,
        %get3A_783 = vector.shape_cast %get3A_782 : vector<1x16xf32> to vector<16xf32>
        %add3A_784 = arith.addf %add3A_728, %get3A_783 : vector<16xf32>
        %add3A_785 = arith.constant 2 : i32
        %add3A_786 = arith.addi %add3A_631, %add3A_785 : i32
        %get3A_787 = arith.index_cast %add3A_786 : i32 to index
        %get3A_788 = arith.constant 96 : index
        %get3A_789 = tpu.vector_load %arg8[%get3A_787, %get3A_788] {strides = array<i32>} : memref<100x128xf32, #tpu.memory_space<vmem>>, vector<1x16xf32>,
        %get3A_790 = vector.shape_cast %get3A_789 : vector<1x16xf32> to vector<16xf32>
        %add3A_791 = arith.addf %add3A_735, %get3A_790 : vector<16xf32>
        %add3A_792 = arith.constant 2 : i32
        %add3A_793 = arith.addi %add3A_631, %add3A_792 : i32
        %get3A_794 = arith.index_cast %add3A_793 : i32 to index
        %get3A_795 = arith.constant 112 : index
        %get3A_796 = tpu.vector_load %arg8[%get3A_794, %get3A_795] {strides = array<i32>} : memref<100x128xf32, #tpu.memory_space<vmem>>, vector<1x16xf32>,
        %get3A_797 = vector.shape_cast %get3A_796 : vector<1x16xf32> to vector<16xf32>
        %add3A_798 = arith.addf %add3A_742, %get3A_797 : vector<16xf32>
        %add3A_799 = arith.constant 3 : i32
        %add3A_800 = arith.addi %add3A_631, %add3A_799 : i32
        %get3A_801 = arith.index_cast %add3A_800 : i32 to index
        %get3A_802 = arith.constant 0 : index
        %get3A_803 = tpu.vector_load %arg8[%get3A_801, %get3A_802] {strides = array<i32>} : memref<100x128xf32, #tpu.memory_space<vmem>>, vector<1x16xf32>,
        %get3A_804 = vector.shape_cast %get3A_803 : vector<1x16xf32> to vector<16xf32>
        %add3A_805 = arith.addf %add3A_749, %get3A_804 : vector<16xf32>
        %add3A_806 = arith.constant 3 : i32
        %add3A_807 = arith.addi %add3A_631, %add3A_806 : i32
        %get3A_808 = arith.index_cast %add3A_807 : i32 to index
        %get3A_809 = arith.constant 16 : index
        %get3A_810 = tpu.vector_load %arg8[%get3A_808, %get3A_809] {strides = array<i32>} : memref<100x128xf32, #tpu.memory_space<vmem>>, vector<1x16xf32>,
        %get3A_811 = vector.shape_cast %get3A_810 : vector<1x16xf32> to vector<16xf32>
        %add3A_812 = arith.addf %add3A_756, %get3A_811 : vector<16xf32>
        %add3A_813 = arith.constant 3 : i32
        %add3A_814 = arith.addi %add3A_631, %add3A_813 : i32
        %get3A_815 = arith.index_cast %add3A_814 : i32 to index
        %get3A_816 = arith.constant 32 : index
        %get3A_817 = tpu.vector_load %arg8[%get3A_815, %get3A_816] {strides = array<i32>} : memref<100x128xf32, #tpu.memory_space<vmem>>, vector<1x16xf32>,
        %get3A_818 = vector.shape_cast %get3A_817 : vector<1x16xf32> to vector<16xf32>
        %add3A_819 = arith.addf %add3A_763, %get3A_818 : vector<16xf32>
        %add3A_820 = arith.constant 3 : i32
        %add3A_821 = arith.addi %add3A_631, %add3A_820 : i32
        %get3A_822 = arith.index_cast %add3A_821 : i32 to index
        %get3A_823 = arith.constant 48 : index
        %get3A_824 = tpu.vector_load %arg8[%get3A_822, %get3A_823] {strides = array<i32>} : memref<100x128xf32, #tpu.memory_space<vmem>>, vector<1x16xf32>,
        %get3A_825 = vector.shape_cast %get3A_824 : vector<1x16xf32> to vector<16xf32>
        %add3A_826 = arith.addf %add3A_770, %get3A_825 : vector<16xf32>
        %add3A_827 = arith.constant 3 : i32
        %add3A_828 = arith.addi %add3A_631, %add3A_827 : i32
        %get3A_829 = arith.index_cast %add3A_828 : i32 to index
        %get3A_830 = arith.constant 64 : index
        %get3A_831 = tpu.vector_load %arg8[%get3A_829, %get3A_830] {strides = array<i32>} : memref<100x128xf32, #tpu.memory_space<vmem>>, vector<1x16xf32>,
        %get3A_832 = vector.shape_cast %get3A_831 : vector<1x16xf32> to vector<16xf32>
        %add3A_833 = arith.addf %add3A_777, %get3A_832 : vector<16xf32>
        %add3A_834 = arith.constant 3 : i32
        %add3A_835 = arith.addi %add3A_631, %add3A_834 : i32
        %get3A_836 = arith.index_cast %add3A_835 : i32 to index
        %get3A_837 = arith.constant 80 : index
        %get3A_838 = tpu.vector_load %arg8[%get3A_836, %get3A_837] {strides = array<i32>} : memref<100x128xf32, #tpu.memory_space<vmem>>, vector<1x16xf32>,
        %get3A_839 = vector.shape_cast %get3A_838 : vector<1x16xf32> to vector<16xf32>
        %add3A_840 = arith.addf %add3A_784, %get3A_839 : vector<16xf32>
        %add3A_841 = arith.constant 3 : i32
        %add3A_842 = arith.addi %add3A_631, %add3A_841 : i32
        %get3A_843 = arith.index_cast %add3A_842 : i32 to index
        %get3A_844 = arith.constant 96 : index
        %get3A_845 = tpu.vector_load %arg8[%get3A_843, %get3A_844] {strides = array<i32>} : memref<100x128xf32, #tpu.memory_space<vmem>>, vector<1x16xf32>,
        %get3A_846 = vector.shape_cast %get3A_845 : vector<1x16xf32> to vector<16xf32>
        %add3A_847 = arith.addf %add3A_791, %get3A_846 : vector<16xf32>
        %add3A_848 = arith.constant 3 : i32
        %add3A_849 = arith.addi %add3A_631, %add3A_848 : i32
        %get3A_850 = arith.index_cast %add3A_849 : i32 to index
        %get3A_851 = arith.constant 112 : index
        %get3A_852 = tpu.vector_load %arg8[%get3A_850, %get3A_851] {strides = array<i32>} : memref<100x128xf32, #tpu.memory_space<vmem>>, vector<1x16xf32>,
        %get3A_853 = vector.shape_cast %get3A_852 : vector<1x16xf32> to vector<16xf32>
        %add3A_854 = arith.addf %add3A_798, %get3A_853 : vector<16xf32>
        %add3A_855 = arith.constant 4 : i32
        %add3A_856 = arith.addi %add3A_631, %add3A_855 : i32
        %get3A_857 = arith.index_cast %add3A_856 : i32 to index
        %get3A_858 = arith.constant 0 : index
        %get3A_859 = tpu.vector_load %arg8[%get3A_857, %get3A_858] {strides = array<i32>} : memref<100x128xf32, #tpu.memory_space<vmem>>, vector<1x16xf32>,
        %get3A_860 = vector.shape_cast %get3A_859 : vector<1x16xf32> to vector<16xf32>
        %add3A_861 = arith.addf %add3A_805, %get3A_860 : vector<16xf32>
        %add3A_862 = arith.constant 4 : i32
        %add3A_863 = arith.addi %add3A_631, %add3A_862 : i32
        %get3A_864 = arith.index_cast %add3A_863 : i32 to index
        %get3A_865 = arith.constant 16 : index
        %get3A_866 = tpu.vector_load %arg8[%get3A_864, %get3A_865] {strides = array<i32>} : memref<100x128xf32, #tpu.memory_space<vmem>>, vector<1x16xf32>,
        %get3A_867 = vector.shape_cast %get3A_866 : vector<1x16xf32> to vector<16xf32>
        %add3A_868 = arith.addf %add3A_812, %get3A_867 : vector<16xf32>
        %add3A_869 = arith.constant 4 : i32
        %add3A_870 = arith.addi %add3A_631, %add3A_869 : i32
        %get3A_871 = arith.index_cast %add3A_870 : i32 to index
        %get3A_872 = arith.constant 32 : index
        %get3A_873 = tpu.vector_load %arg8[%get3A_871, %get3A_872] {strides = array<i32>} : memref<100x128xf32, #tpu.memory_space<vmem>>, vector<1x16xf32>,
        %get3A_874 = vector.shape_cast %get3A_873 : vector<1x16xf32> to vector<16xf32>
        %add3A_875 = arith.addf %add3A_819, %get3A_874 : vector<16xf32>
        %add3A_876 = arith.constant 4 : i32
        %add3A_877 = arith.addi %add3A_631, %add3A_876 : i32
        %get3A_878 = arith.index_cast %add3A_877 : i32 to index
        %get3A_879 = arith.constant 48 : index
        %get3A_880 = tpu.vector_load %arg8[%get3A_878, %get3A_879] {strides = array<i32>} : memref<100x128xf32, #tpu.memory_space<vmem>>, vector<1x16xf32>,
        %get3A_881 = vector.shape_cast %get3A_880 : vector<1x16xf32> to vector<16xf32>
        %add3A_882 = arith.addf %add3A_826, %get3A_881 : vector<16xf32>
        %add3A_883 = arith.constant 4 : i32
        %add3A_884 = arith.addi %add3A_631, %add3A_883 : i32
        %get3A_885 = arith.index_cast %add3A_884 : i32 to index
        %get3A_886 = arith.constant 64 : index
        %get3A_887 = tpu.vector_load %arg8[%get3A_885, %get3A_886] {strides = array<i32>} : memref<100x128xf32, #tpu.memory_space<vmem>>, vector<1x16xf32>,
        %get3A_888 = vector.shape_cast %get3A_887 : vector<1x16xf32> to vector<16xf32>
        %add3A_889 = arith.addf %add3A_833, %get3A_888 : vector<16xf32>
        %add3A_890 = arith.constant 4 : i32
        %add3A_891 = arith.addi %add3A_631, %add3A_890 : i32
        %get3A_892 = arith.index_cast %add3A_891 : i32 to index
        %get3A_893 = arith.constant 80 : index
        %get3A_894 = tpu.vector_load %arg8[%get3A_892, %get3A_893] {strides = array<i32>} : memref<100x128xf32, #tpu.memory_space<vmem>>, vector<1x16xf32>,
        %get3A_895 = vector.shape_cast %get3A_894 : vector<1x16xf32> to vector<16xf32>
        %add3A_896 = arith.addf %add3A_840, %get3A_895 : vector<16xf32>
        %add3A_897 = arith.constant 4 : i32
        %add3A_898 = arith.addi %add3A_631, %add3A_897 : i32
        %get3A_899 = arith.index_cast %add3A_898 : i32 to index
        %get3A_900 = arith.constant 96 : index
        %get3A_901 = tpu.vector_load %arg8[%get3A_899, %get3A_900] {strides = array<i32>} : memref<100x128xf32, #tpu.memory_space<vmem>>, vector<1x16xf32>,
        %get3A_902 = vector.shape_cast %get3A_901 : vector<1x16xf32> to vector<16xf32>
        %add3A_903 = arith.addf %add3A_847, %get3A_902 : vector<16xf32>
        %add3A_904 = arith.constant 4 : i32
        %add3A_905 = arith.addi %add3A_631, %add3A_904 : i32
        %get3A_906 = arith.index_cast %add3A_905 : i32 to index
        %get3A_907 = arith.constant 112 : index
        %get3A_908 = tpu.vector_load %arg8[%get3A_906, %get3A_907] {strides = array<i32>} : memref<100x128xf32, #tpu.memory_space<vmem>>, vector<1x16xf32>,
        %get3A_909 = vector.shape_cast %get3A_908 : vector<1x16xf32> to vector<16xf32>
        %add3A_910 = arith.addf %add3A_854, %get3A_909 : vector<16xf32>
        scf.yield %add3A_861, %add3A_868, %add3A_875, %add3A_882, %add3A_889, %add3A_896, %add3A_903, %add3A_910 : vector<16xf32>, vector<16xf32>, vector<16xf32>, vector<16xf32>, vector<16xf32>, vector<16xf32>, vector<16xf32>, vector<16xf32>
      }
      %scan3A_425 = arith.constant 10 : i32
      %mul3A_426 = arith.constant 2 : i32
      %mul3A_427 = arith.muli %add3A_322, %mul3A_426 : i32
      %add3A_428 = arith.constant 1 : i32
      %add3A_429 = arith.addi %mul3A_427, %add3A_428 : i32
      %swap3A_430 = arith.index_cast %add3A_429 : i32 to index
      %swap3A_431 = arith.constant 0 : index
      %swap3A_432 = tpu.vector_load %arg10[%swap3A_430, %swap3A_431] {strides = array<i32>} : memref<128x128xf32, #tpu.memory_space<vmem>>, vector<1x16xf32>,
      %swap3A_433 = vector.shape_cast %swap3A_432 : vector<1x16xf32> to vector<16xf32>
      %swap3A_434 = vector.shape_cast %scan3A_424#0 : vector<16xf32> to vector<1x16xf32>
      tpu.vector_store %arg10[%swap3A_430, %swap3A_431], %swap3A_434 {strides = array<i32>} : memref<128x128xf32, #tpu.memory_space<vmem>>, vector<1x16xf32>,
      %swap3A_435 = arith.index_cast %add3A_429 : i32 to index
      %swap3A_436 = arith.constant 16 : index
      %swap3A_437 = tpu.vector_load %arg10[%swap3A_435, %swap3A_436] {strides = array<i32>} : memref<128x128xf32, #tpu.memory_space<vmem>>, vector<1x16xf32>,
      %swap3A_438 = vector.shape_cast %swap3A_437 : vector<1x16xf32> to vector<16xf32>
      %swap3A_439 = vector.shape_cast %scan3A_424#1 : vector<16xf32> to vector<1x16xf32>
      tpu.vector_store %arg10[%swap3A_435, %swap3A_436], %swap3A_439 {strides = array<i32>} : memref<128x128xf32, #tpu.memory_space<vmem>>, vector<1x16xf32>,
      %swap3A_440 = arith.index_cast %add3A_429 : i32 to index
      %swap3A_441 = arith.constant 32 : index
      %swap3A_442 = tpu.vector_load %arg10[%swap3A_440, %swap3A_441] {strides = array<i32>} : memref<128x128xf32, #tpu.memory_space<vmem>>, vector<1x16xf32>,
      %swap3A_443 = vector.shape_cast %swap3A_442 : vector<1x16xf32> to vector<16xf32>
      %swap3A_444 = vector.shape_cast %scan3A_424#2 : vector<16xf32> to vector<1x16xf32>
      tpu.vector_store %arg10[%swap3A_440, %swap3A_441], %swap3A_444 {strides = array<i32>} : memref<128x128xf32, #tpu.memory_space<vmem>>, vector<1x16xf32>,
      %swap3A_445 = arith.index_cast %add3A_429 : i32 to index
      %swap3A_446 = arith.constant 48 : index
      %swap3A_447 = tpu.vector_load %arg10[%swap3A_445, %swap3A_446] {strides = array<i32>} : memref<128x128xf32, #tpu.memory_space<vmem>>, vector<1x16xf32>,
      %swap3A_448 = vector.shape_cast %swap3A_447 : vector<1x16xf32> to vector<16xf32>
      %swap3A_449 = vector.shape_cast %scan3A_424#3 : vector<16xf32> to vector<1x16xf32>
      tpu.vector_store %arg10[%swap3A_445, %swap3A_446], %swap3A_449 {strides = array<i32>} : memref<128x128xf32, #tpu.memory_space<vmem>>, vector<1x16xf32>,
      %swap3A_450 = arith.index_cast %add3A_429 : i32 to index
      %swap3A_451 = arith.constant 64 : index
      %swap3A_452 = tpu.vector_load %arg10[%swap3A_450, %swap3A_451] {strides = array<i32>} : memref<128x128xf32, #tpu.memory_space<vmem>>, vector<1x16xf32>,
      %swap3A_453 = vector.shape_cast %swap3A_452 : vector<1x16xf32> to vector<16xf32>
      %swap3A_454 = vector.shape_cast %scan3A_424#4 : vector<16xf32> to vector<1x16xf32>
      tpu.vector_store %arg10[%swap3A_450, %swap3A_451], %swap3A_454 {strides = array<i32>} : memref<128x128xf32, #tpu.memory_space<vmem>>, vector<1x16xf32>,
      %swap3A_455 = arith.index_cast %add3A_429 : i32 to index
      %swap3A_456 = arith.constant 80 : index
      %swap3A_457 = tpu.vector_load %arg10[%swap3A_455, %swap3A_456] {strides = array<i32>} : memref<128x128xf32, #tpu.memory_space<vmem>>, vector<1x16xf32>,
      %swap3A_458 = vector.shape_cast %swap3A_457 : vector<1x16xf32> to vector<16xf32>
      %swap3A_459 = vector.shape_cast %scan3A_424#5 : vector<16xf32> to vector<1x16xf32>
      tpu.vector_store %arg10[%swap3A_455, %swap3A_456], %swap3A_459 {strides = array<i32>} : memref<128x128xf32, #tpu.memory_space<vmem>>, vector<1x16xf32>,
      %swap3A_460 = arith.index_cast %add3A_429 : i32 to index
      %swap3A_461 = arith.constant 96 : index
      %swap3A_462 = tpu.vector_load %arg10[%swap3A_460, %swap3A_461] {strides = array<i32>} : memref<128x128xf32, #tpu.memory_space<vmem>>, vector<1x16xf32>,
      %swap3A_463 = vector.shape_cast %swap3A_462 : vector<1x16xf32> to vector<16xf32>
      %swap3A_464 = vector.shape_cast %scan3A_424#6 : vector<16xf32> to vector<1x16xf32>
      tpu.vector_store %arg10[%swap3A_460, %swap3A_461], %swap3A_464 {strides = array<i32>} : memref<128x128xf32, #tpu.memory_space<vmem>>, vector<1x16xf32>,
      %swap3A_465 = arith.index_cast %add3A_429 : i32 to index
      %swap3A_466 = arith.constant 112 : index
      %swap3A_467 = tpu.vector_load %arg10[%swap3A_465, %swap3A_466] {strides = array<i32>} : memref<128x128xf32, #tpu.memory_space<vmem>>, vector<1x16xf32>,
      %swap3A_468 = vector.shape_cast %swap3A_467 : vector<1x16xf32> to vector<16xf32>
      %swap3A_469 = vector.shape_cast %scan3A_424#7 : vector<16xf32> to vector<1x16xf32>
      tpu.vector_store %arg10[%swap3A_465, %swap3A_466], %swap3A_469 {strides = array<i32>} : memref<128x128xf32, #tpu.memory_space<vmem>>, vector<1x16xf32>,
      %add3A_470 = arith.constant 3 : i32
      %add3A_471 = arith.addi %mul3A_29, %add3A_470 : i32
      %dma_wait3A_472 = arith.constant 0 : i32
      %dma_wait3A_473 = tpu.memref_slice %arg5[%add3A_471, %dma_wait3A_472] : memref<64x100xi32, #tpu.memory_space<vmem>> -> memref<1x100xi32, #tpu.memory_space<vmem>>
      %dma_wait3A_474 = tpu.memref_squeeze %dma_wait3A_473 : memref<1x100xi32, #tpu.memory_space<vmem>> -> memref<100xi32, #tpu.memory_space<vmem>>
      %dma_wait3A_475 = arith.constant 0 : i32
      %dma_wait3A_476 = arith.constant 0 : i32
      %dma_wait3A_477 = tpu.memref_slice %arg3[%dma_wait3A_475, %dma_wait3A_476] : memref<100000x128xf32, #tpu.memory_space<hbm>> -> memref<100000x128xf32, #tpu.memory_space<hbm>>
      tpu.wait_indirect_dma semaphore(%arg14 : memref<!tpu.dma_semaphore, #tpu.memory_space<semaphore_mem>>) src(%dma_wait3A_477 : memref<100000x128xf32, #tpu.memory_space<hbm>>) dst(%arg9 : memref<100x128xf32, #tpu.memory_space<vmem>>)
      %add3A_478 = arith.constant 4 : i32
      %add3A_479 = arith.addi %add3A_471, %add3A_478 : i32
      %sub3A_480 = arith.constant 1 : i32
      %sub3A_481 = arith.subi %add3A_479, %sub3A_480 : i32
      %lt3A_482 = arith.constant 64 : i32
      %lt3A_483 = arith.cmpi slt, %sub3A_481, %lt3A_482 : i32
      %convert_element_type3A_484 = arith.extui %lt3A_483 : i1 to i32
      %cond3A_485 = arith.constant 0 : i32
      %cond3A_486 = arith.cmpi ne, %convert_element_type3A_484, %cond3A_485 : i32
      scf.if %cond3A_486 {
        %add3A_619 = arith.constant 4 : i32
        %add3A_620 = arith.addi %add3A_471, %add3A_619 : i32
        %sub3A_621 = arith.constant 1 : i32
        %sub3A_622 = arith.subi %add3A_620, %sub3A_621 : i32
        %dma_start3A_623 = arith.constant 0 : i32
        %dma_start3A_624 = tpu.memref_slice %arg5[%sub3A_622, %dma_start3A_623] : memref<64x100xi32, #tpu.memory_space<vmem>> -> memref<1x100xi32, #tpu.memory_space<vmem>>
        %dma_start3A_625 = tpu.memref_squeeze %dma_start3A_624 : memref<1x100xi32, #tpu.memory_space<vmem>> -> memref<100xi32, #tpu.memory_space<vmem>>
        %dma_start3A_626 = arith.constant 0 : i32
        %dma_start3A_627 = arith.constant 0 : i32
        %dma_start3A_628 = tpu.memref_slice %arg3[%dma_start3A_626, %dma_start3A_627] : memref<100000x128xf32, #tpu.memory_space<hbm>> -> memref<100000x128xf32, #tpu.memory_space<hbm>>
        tpu.enqueue_indirect_dma source(%dma_start3A_628 : memref<100000x128xf32, #tpu.memory_space<hbm>>) target(%arg8 : memref<100x128xf32, #tpu.memory_space<vmem>>) offsets(%dma_start3A_625 : memref<100xi32, #tpu.memory_space<vmem>>) semaphore(%arg13 : memref<!tpu.dma_semaphore, #tpu.memory_space<semaphore_mem>>)
      } else {
      }
      %broadcast_in_dim3A_487 = arith.constant 0.000000e+00 : f32
      %broadcast_in_dim3A_488 = vector.broadcast %broadcast_in_dim3A_487 : f32 to vector<16xf32>
      %broadcast_in_dim3A_489 = arith.constant 0.000000e+00 : f32
      %broadcast_in_dim3A_490 = vector.broadcast %broadcast_in_dim3A_489 : f32 to vector<16xf32>
      %broadcast_in_dim3A_491 = arith.constant 0.000000e+00 : f32
      %broadcast_in_dim3A_492 = vector.broadcast %broadcast_in_dim3A_491 : f32 to vector<16xf32>
      %broadcast_in_dim3A_493 = arith.constant 0.000000e+00 : f32
      %broadcast_in_dim3A_494 = vector.broadcast %broadcast_in_dim3A_493 : f32 to vector<16xf32>
      %broadcast_in_dim3A_495 = arith.constant 0.000000e+00 : f32
      %broadcast_in_dim3A_496 = vector.broadcast %broadcast_in_dim3A_495 : f32 to vector<16xf32>
      %broadcast_in_dim3A_497 = arith.constant 0.000000e+00 : f32
      %broadcast_in_dim3A_498 = vector.broadcast %broadcast_in_dim3A_497 : f32 to vector<16xf32>
      %broadcast_in_dim3A_499 = arith.constant 0.000000e+00 : f32
      %broadcast_in_dim3A_500 = vector.broadcast %broadcast_in_dim3A_499 : f32 to vector<16xf32>
      %broadcast_in_dim3A_501 = arith.constant 0.000000e+00 : f32
      %broadcast_in_dim3A_502 = vector.broadcast %broadcast_in_dim3A_501 : f32 to vector<16xf32>
      %scan3A_503 = arith.constant 0 : i32
      %scan3A_504 = arith.constant 10 : i32
      %scan3A_505 = arith.addi %scan3A_503, %scan3A_504 : i32
      %scan3A_506 = arith.constant 1 : i32
      %scan3A_507:8 = scf.for %scan3A_619 = %scan3A_503 to %scan3A_505 step %scan3A_506 iter_args(%scan3A_620 = %broadcast_in_dim3A_488, %scan3A_621 = %broadcast_in_dim3A_490, %scan3A_622 = %broadcast_in_dim3A_492, %scan3A_623 = %broadcast_in_dim3A_494, %scan3A_624 = %broadcast_in_dim3A_496, %scan3A_625 = %broadcast_in_dim3A_498, %scan3A_626 = %broadcast_in_dim3A_500, %scan3A_627 = %broadcast_in_dim3A_502) -> (vector<16xf32>, vector<16xf32>, vector<16xf32>, vector<16xf32>, vector<16xf32>, vector<16xf32>, vector<16xf32>, vector<16xf32>)  : i32 {
        %mul3A_628 = arith.constant 5 : i32
        %mul3A_629 = arith.muli %scan3A_619, %mul3A_628 : i32
        %add3A_630 = arith.constant 0 : i32
        %add3A_631 = arith.addi %add3A_630, %mul3A_629 : i32
        %add3A_632 = arith.constant 0 : i32
        %add3A_633 = arith.addi %add3A_631, %add3A_632 : i32
        %get3A = arith.index_cast %add3A_633 : i32 to index
        %get3A_634 = arith.constant 0 : index
        %get3A_635 = tpu.vector_load %arg9[%get3A, %get3A_634] {strides = array<i32>} : memref<100x128xf32, #tpu.memory_space<vmem>>, vector<1x16xf32>,
        %get3A_636 = vector.shape_cast %get3A_635 : vector<1x16xf32> to vector<16xf32>
        %add3A_637 = arith.addf %scan3A_620, %get3A_636 : vector<16xf32>
        %add3A_638 = arith.constant 0 : i32
        %add3A_639 = arith.addi %add3A_631, %add3A_638 : i32
        %get3A_640 = arith.index_cast %add3A_639 : i32 to index
        %get3A_641 = arith.constant 16 : index
        %get3A_642 = tpu.vector_load %arg9[%get3A_640, %get3A_641] {strides = array<i32>} : memref<100x128xf32, #tpu.memory_space<vmem>>, vector<1x16xf32>,
        %get3A_643 = vector.shape_cast %get3A_642 : vector<1x16xf32> to vector<16xf32>
        %add3A_644 = arith.addf %scan3A_621, %get3A_643 : vector<16xf32>
        %add3A_645 = arith.constant 0 : i32
        %add3A_646 = arith.addi %add3A_631, %add3A_645 : i32
        %get3A_647 = arith.index_cast %add3A_646 : i32 to index
        %get3A_648 = arith.constant 32 : index
        %get3A_649 = tpu.vector_load %arg9[%get3A_647, %get3A_648] {strides = array<i32>} : memref<100x128xf32, #tpu.memory_space<vmem>>, vector<1x16xf32>,
        %get3A_650 = vector.shape_cast %get3A_649 : vector<1x16xf32> to vector<16xf32>
        %add3A_651 = arith.addf %scan3A_622, %get3A_650 : vector<16xf32>
        %add3A_652 = arith.constant 0 : i32
        %add3A_653 = arith.addi %add3A_631, %add3A_652 : i32
        %get3A_654 = arith.index_cast %add3A_653 : i32 to index
        %get3A_655 = arith.constant 48 : index
        %get3A_656 = tpu.vector_load %arg9[%get3A_654, %get3A_655] {strides = array<i32>} : memref<100x128xf32, #tpu.memory_space<vmem>>, vector<1x16xf32>,
        %get3A_657 = vector.shape_cast %get3A_656 : vector<1x16xf32> to vector<16xf32>
        %add3A_658 = arith.addf %scan3A_623, %get3A_657 : vector<16xf32>
        %add3A_659 = arith.constant 0 : i32
        %add3A_660 = arith.addi %add3A_631, %add3A_659 : i32
        %get3A_661 = arith.index_cast %add3A_660 : i32 to index
        %get3A_662 = arith.constant 64 : index
        %get3A_663 = tpu.vector_load %arg9[%get3A_661, %get3A_662] {strides = array<i32>} : memref<100x128xf32, #tpu.memory_space<vmem>>, vector<1x16xf32>,
        %get3A_664 = vector.shape_cast %get3A_663 : vector<1x16xf32> to vector<16xf32>
        %add3A_665 = arith.addf %scan3A_624, %get3A_664 : vector<16xf32>
        %add3A_666 = arith.constant 0 : i32
        %add3A_667 = arith.addi %add3A_631, %add3A_666 : i32
        %get3A_668 = arith.index_cast %add3A_667 : i32 to index
        %get3A_669 = arith.constant 80 : index
        %get3A_670 = tpu.vector_load %arg9[%get3A_668, %get3A_669] {strides = array<i32>} : memref<100x128xf32, #tpu.memory_space<vmem>>, vector<1x16xf32>,
        %get3A_671 = vector.shape_cast %get3A_670 : vector<1x16xf32> to vector<16xf32>
        %add3A_672 = arith.addf %scan3A_625, %get3A_671 : vector<16xf32>
        %add3A_673 = arith.constant 0 : i32
        %add3A_674 = arith.addi %add3A_631, %add3A_673 : i32
        %get3A_675 = arith.index_cast %add3A_674 : i32 to index
        %get3A_676 = arith.constant 96 : index
        %get3A_677 = tpu.vector_load %arg9[%get3A_675, %get3A_676] {strides = array<i32>} : memref<100x128xf32, #tpu.memory_space<vmem>>, vector<1x16xf32>,
        %get3A_678 = vector.shape_cast %get3A_677 : vector<1x16xf32> to vector<16xf32>
        %add3A_679 = arith.addf %scan3A_626, %get3A_678 : vector<16xf32>
        %add3A_680 = arith.constant 0 : i32
        %add3A_681 = arith.addi %add3A_631, %add3A_680 : i32
        %get3A_682 = arith.index_cast %add3A_681 : i32 to index
        %get3A_683 = arith.constant 112 : index
        %get3A_684 = tpu.vector_load %arg9[%get3A_682, %get3A_683] {strides = array<i32>} : memref<100x128xf32, #tpu.memory_space<vmem>>, vector<1x16xf32>,
        %get3A_685 = vector.shape_cast %get3A_684 : vector<1x16xf32> to vector<16xf32>
        %add3A_686 = arith.addf %scan3A_627, %get3A_685 : vector<16xf32>
        %add3A_687 = arith.constant 1 : i32
        %add3A_688 = arith.addi %add3A_631, %add3A_687 : i32
        %get3A_689 = arith.index_cast %add3A_688 : i32 to index
        %get3A_690 = arith.constant 0 : index
        %get3A_691 = tpu.vector_load %arg9[%get3A_689, %get3A_690] {strides = array<i32>} : memref<100x128xf32, #tpu.memory_space<vmem>>, vector<1x16xf32>,
        %get3A_692 = vector.shape_cast %get3A_691 : vector<1x16xf32> to vector<16xf32>
        %add3A_693 = arith.addf %add3A_637, %get3A_692 : vector<16xf32>
        %add3A_694 = arith.constant 1 : i32
        %add3A_695 = arith.addi %add3A_631, %add3A_694 : i32
        %get3A_696 = arith.index_cast %add3A_695 : i32 to index
        %get3A_697 = arith.constant 16 : index
        %get3A_698 = tpu.vector_load %arg9[%get3A_696, %get3A_697] {strides = array<i32>} : memref<100x128xf32, #tpu.memory_space<vmem>>, vector<1x16xf32>,
        %get3A_699 = vector.shape_cast %get3A_698 : vector<1x16xf32> to vector<16xf32>
        %add3A_700 = arith.addf %add3A_644, %get3A_699 : vector<16xf32>
        %add3A_701 = arith.constant 1 : i32
        %add3A_702 = arith.addi %add3A_631, %add3A_701 : i32
        %get3A_703 = arith.index_cast %add3A_702 : i32 to index
        %get3A_704 = arith.constant 32 : index
        %get3A_705 = tpu.vector_load %arg9[%get3A_703, %get3A_704] {strides = array<i32>} : memref<100x128xf32, #tpu.memory_space<vmem>>, vector<1x16xf32>,
        %get3A_706 = vector.shape_cast %get3A_705 : vector<1x16xf32> to vector<16xf32>
        %add3A_707 = arith.addf %add3A_651, %get3A_706 : vector<16xf32>
        %add3A_708 = arith.constant 1 : i32
        %add3A_709 = arith.addi %add3A_631, %add3A_708 : i32
        %get3A_710 = arith.index_cast %add3A_709 : i32 to index
        %get3A_711 = arith.constant 48 : index
        %get3A_712 = tpu.vector_load %arg9[%get3A_710, %get3A_711] {strides = array<i32>} : memref<100x128xf32, #tpu.memory_space<vmem>>, vector<1x16xf32>,
        %get3A_713 = vector.shape_cast %get3A_712 : vector<1x16xf32> to vector<16xf32>
        %add3A_714 = arith.addf %add3A_658, %get3A_713 : vector<16xf32>
        %add3A_715 = arith.constant 1 : i32
        %add3A_716 = arith.addi %add3A_631, %add3A_715 : i32
        %get3A_717 = arith.index_cast %add3A_716 : i32 to index
        %get3A_718 = arith.constant 64 : index
        %get3A_719 = tpu.vector_load %arg9[%get3A_717, %get3A_718] {strides = array<i32>} : memref<100x128xf32, #tpu.memory_space<vmem>>, vector<1x16xf32>,
        %get3A_720 = vector.shape_cast %get3A_719 : vector<1x16xf32> to vector<16xf32>
        %add3A_721 = arith.addf %add3A_665, %get3A_720 : vector<16xf32>
        %add3A_722 = arith.constant 1 : i32
        %add3A_723 = arith.addi %add3A_631, %add3A_722 : i32
        %get3A_724 = arith.index_cast %add3A_723 : i32 to index
        %get3A_725 = arith.constant 80 : index
        %get3A_726 = tpu.vector_load %arg9[%get3A_724, %get3A_725] {strides = array<i32>} : memref<100x128xf32, #tpu.memory_space<vmem>>, vector<1x16xf32>,
        %get3A_727 = vector.shape_cast %get3A_726 : vector<1x16xf32> to vector<16xf32>
        %add3A_728 = arith.addf %add3A_672, %get3A_727 : vector<16xf32>
        %add3A_729 = arith.constant 1 : i32
        %add3A_730 = arith.addi %add3A_631, %add3A_729 : i32
        %get3A_731 = arith.index_cast %add3A_730 : i32 to index
        %get3A_732 = arith.constant 96 : index
        %get3A_733 = tpu.vector_load %arg9[%get3A_731, %get3A_732] {strides = array<i32>} : memref<100x128xf32, #tpu.memory_space<vmem>>, vector<1x16xf32>,
        %get3A_734 = vector.shape_cast %get3A_733 : vector<1x16xf32> to vector<16xf32>
        %add3A_735 = arith.addf %add3A_679, %get3A_734 : vector<16xf32>
        %add3A_736 = arith.constant 1 : i32
        %add3A_737 = arith.addi %add3A_631, %add3A_736 : i32
        %get3A_738 = arith.index_cast %add3A_737 : i32 to index
        %get3A_739 = arith.constant 112 : index
        %get3A_740 = tpu.vector_load %arg9[%get3A_738, %get3A_739] {strides = array<i32>} : memref<100x128xf32, #tpu.memory_space<vmem>>, vector<1x16xf32>,
        %get3A_741 = vector.shape_cast %get3A_740 : vector<1x16xf32> to vector<16xf32>
        %add3A_742 = arith.addf %add3A_686, %get3A_741 : vector<16xf32>
        %add3A_743 = arith.constant 2 : i32
        %add3A_744 = arith.addi %add3A_631, %add3A_743 : i32
        %get3A_745 = arith.index_cast %add3A_744 : i32 to index
        %get3A_746 = arith.constant 0 : index
        %get3A_747 = tpu.vector_load %arg9[%get3A_745, %get3A_746] {strides = array<i32>} : memref<100x128xf32, #tpu.memory_space<vmem>>, vector<1x16xf32>,
        %get3A_748 = vector.shape_cast %get3A_747 : vector<1x16xf32> to vector<16xf32>
        %add3A_749 = arith.addf %add3A_693, %get3A_748 : vector<16xf32>
        %add3A_750 = arith.constant 2 : i32
        %add3A_751 = arith.addi %add3A_631, %add3A_750 : i32
        %get3A_752 = arith.index_cast %add3A_751 : i32 to index
        %get3A_753 = arith.constant 16 : index
        %get3A_754 = tpu.vector_load %arg9[%get3A_752, %get3A_753] {strides = array<i32>} : memref<100x128xf32, #tpu.memory_space<vmem>>, vector<1x16xf32>,
        %get3A_755 = vector.shape_cast %get3A_754 : vector<1x16xf32> to vector<16xf32>
        %add3A_756 = arith.addf %add3A_700, %get3A_755 : vector<16xf32>
        %add3A_757 = arith.constant 2 : i32
        %add3A_758 = arith.addi %add3A_631, %add3A_757 : i32
        %get3A_759 = arith.index_cast %add3A_758 : i32 to index
        %get3A_760 = arith.constant 32 : index
        %get3A_761 = tpu.vector_load %arg9[%get3A_759, %get3A_760] {strides = array<i32>} : memref<100x128xf32, #tpu.memory_space<vmem>>, vector<1x16xf32>,
        %get3A_762 = vector.shape_cast %get3A_761 : vector<1x16xf32> to vector<16xf32>
        %add3A_763 = arith.addf %add3A_707, %get3A_762 : vector<16xf32>
        %add3A_764 = arith.constant 2 : i32
        %add3A_765 = arith.addi %add3A_631, %add3A_764 : i32
        %get3A_766 = arith.index_cast %add3A_765 : i32 to index
        %get3A_767 = arith.constant 48 : index
        %get3A_768 = tpu.vector_load %arg9[%get3A_766, %get3A_767] {strides = array<i32>} : memref<100x128xf32, #tpu.memory_space<vmem>>, vector<1x16xf32>,
        %get3A_769 = vector.shape_cast %get3A_768 : vector<1x16xf32> to vector<16xf32>
        %add3A_770 = arith.addf %add3A_714, %get3A_769 : vector<16xf32>
        %add3A_771 = arith.constant 2 : i32
        %add3A_772 = arith.addi %add3A_631, %add3A_771 : i32
        %get3A_773 = arith.index_cast %add3A_772 : i32 to index
        %get3A_774 = arith.constant 64 : index
        %get3A_775 = tpu.vector_load %arg9[%get3A_773, %get3A_774] {strides = array<i32>} : memref<100x128xf32, #tpu.memory_space<vmem>>, vector<1x16xf32>,
        %get3A_776 = vector.shape_cast %get3A_775 : vector<1x16xf32> to vector<16xf32>
        %add3A_777 = arith.addf %add3A_721, %get3A_776 : vector<16xf32>
        %add3A_778 = arith.constant 2 : i32
        %add3A_779 = arith.addi %add3A_631, %add3A_778 : i32
        %get3A_780 = arith.index_cast %add3A_779 : i32 to index
        %get3A_781 = arith.constant 80 : index
        %get3A_782 = tpu.vector_load %arg9[%get3A_780, %get3A_781] {strides = array<i32>} : memref<100x128xf32, #tpu.memory_space<vmem>>, vector<1x16xf32>,
        %get3A_783 = vector.shape_cast %get3A_782 : vector<1x16xf32> to vector<16xf32>
        %add3A_784 = arith.addf %add3A_728, %get3A_783 : vector<16xf32>
        %add3A_785 = arith.constant 2 : i32
        %add3A_786 = arith.addi %add3A_631, %add3A_785 : i32
        %get3A_787 = arith.index_cast %add3A_786 : i32 to index
        %get3A_788 = arith.constant 96 : index
        %get3A_789 = tpu.vector_load %arg9[%get3A_787, %get3A_788] {strides = array<i32>} : memref<100x128xf32, #tpu.memory_space<vmem>>, vector<1x16xf32>,
        %get3A_790 = vector.shape_cast %get3A_789 : vector<1x16xf32> to vector<16xf32>
        %add3A_791 = arith.addf %add3A_735, %get3A_790 : vector<16xf32>
        %add3A_792 = arith.constant 2 : i32
        %add3A_793 = arith.addi %add3A_631, %add3A_792 : i32
        %get3A_794 = arith.index_cast %add3A_793 : i32 to index
        %get3A_795 = arith.constant 112 : index
        %get3A_796 = tpu.vector_load %arg9[%get3A_794, %get3A_795] {strides = array<i32>} : memref<100x128xf32, #tpu.memory_space<vmem>>, vector<1x16xf32>,
        %get3A_797 = vector.shape_cast %get3A_796 : vector<1x16xf32> to vector<16xf32>
        %add3A_798 = arith.addf %add3A_742, %get3A_797 : vector<16xf32>
        %add3A_799 = arith.constant 3 : i32
        %add3A_800 = arith.addi %add3A_631, %add3A_799 : i32
        %get3A_801 = arith.index_cast %add3A_800 : i32 to index
        %get3A_802 = arith.constant 0 : index
        %get3A_803 = tpu.vector_load %arg9[%get3A_801, %get3A_802] {strides = array<i32>} : memref<100x128xf32, #tpu.memory_space<vmem>>, vector<1x16xf32>,
        %get3A_804 = vector.shape_cast %get3A_803 : vector<1x16xf32> to vector<16xf32>
        %add3A_805 = arith.addf %add3A_749, %get3A_804 : vector<16xf32>
        %add3A_806 = arith.constant 3 : i32
        %add3A_807 = arith.addi %add3A_631, %add3A_806 : i32
        %get3A_808 = arith.index_cast %add3A_807 : i32 to index
        %get3A_809 = arith.constant 16 : index
        %get3A_810 = tpu.vector_load %arg9[%get3A_808, %get3A_809] {strides = array<i32>} : memref<100x128xf32, #tpu.memory_space<vmem>>, vector<1x16xf32>,
        %get3A_811 = vector.shape_cast %get3A_810 : vector<1x16xf32> to vector<16xf32>
        %add3A_812 = arith.addf %add3A_756, %get3A_811 : vector<16xf32>
        %add3A_813 = arith.constant 3 : i32
        %add3A_814 = arith.addi %add3A_631, %add3A_813 : i32
        %get3A_815 = arith.index_cast %add3A_814 : i32 to index
        %get3A_816 = arith.constant 32 : index
        %get3A_817 = tpu.vector_load %arg9[%get3A_815, %get3A_816] {strides = array<i32>} : memref<100x128xf32, #tpu.memory_space<vmem>>, vector<1x16xf32>,
        %get3A_818 = vector.shape_cast %get3A_817 : vector<1x16xf32> to vector<16xf32>
        %add3A_819 = arith.addf %add3A_763, %get3A_818 : vector<16xf32>
        %add3A_820 = arith.constant 3 : i32
        %add3A_821 = arith.addi %add3A_631, %add3A_820 : i32
        %get3A_822 = arith.index_cast %add3A_821 : i32 to index
        %get3A_823 = arith.constant 48 : index
        %get3A_824 = tpu.vector_load %arg9[%get3A_822, %get3A_823] {strides = array<i32>} : memref<100x128xf32, #tpu.memory_space<vmem>>, vector<1x16xf32>,
        %get3A_825 = vector.shape_cast %get3A_824 : vector<1x16xf32> to vector<16xf32>
        %add3A_826 = arith.addf %add3A_770, %get3A_825 : vector<16xf32>
        %add3A_827 = arith.constant 3 : i32
        %add3A_828 = arith.addi %add3A_631, %add3A_827 : i32
        %get3A_829 = arith.index_cast %add3A_828 : i32 to index
        %get3A_830 = arith.constant 64 : index
        %get3A_831 = tpu.vector_load %arg9[%get3A_829, %get3A_830] {strides = array<i32>} : memref<100x128xf32, #tpu.memory_space<vmem>>, vector<1x16xf32>,
        %get3A_832 = vector.shape_cast %get3A_831 : vector<1x16xf32> to vector<16xf32>
        %add3A_833 = arith.addf %add3A_777, %get3A_832 : vector<16xf32>
        %add3A_834 = arith.constant 3 : i32
        %add3A_835 = arith.addi %add3A_631, %add3A_834 : i32
        %get3A_836 = arith.index_cast %add3A_835 : i32 to index
        %get3A_837 = arith.constant 80 : index
        %get3A_838 = tpu.vector_load %arg9[%get3A_836, %get3A_837] {strides = array<i32>} : memref<100x128xf32, #tpu.memory_space<vmem>>, vector<1x16xf32>,
        %get3A_839 = vector.shape_cast %get3A_838 : vector<1x16xf32> to vector<16xf32>
        %add3A_840 = arith.addf %add3A_784, %get3A_839 : vector<16xf32>
        %add3A_841 = arith.constant 3 : i32
        %add3A_842 = arith.addi %add3A_631, %add3A_841 : i32
        %get3A_843 = arith.index_cast %add3A_842 : i32 to index
        %get3A_844 = arith.constant 96 : index
        %get3A_845 = tpu.vector_load %arg9[%get3A_843, %get3A_844] {strides = array<i32>} : memref<100x128xf32, #tpu.memory_space<vmem>>, vector<1x16xf32>,
        %get3A_846 = vector.shape_cast %get3A_845 : vector<1x16xf32> to vector<16xf32>
        %add3A_847 = arith.addf %add3A_791, %get3A_846 : vector<16xf32>
        %add3A_848 = arith.constant 3 : i32
        %add3A_849 = arith.addi %add3A_631, %add3A_848 : i32
        %get3A_850 = arith.index_cast %add3A_849 : i32 to index
        %get3A_851 = arith.constant 112 : index
        %get3A_852 = tpu.vector_load %arg9[%get3A_850, %get3A_851] {strides = array<i32>} : memref<100x128xf32, #tpu.memory_space<vmem>>, vector<1x16xf32>,
        %get3A_853 = vector.shape_cast %get3A_852 : vector<1x16xf32> to vector<16xf32>
        %add3A_854 = arith.addf %add3A_798, %get3A_853 : vector<16xf32>
        %add3A_855 = arith.constant 4 : i32
        %add3A_856 = arith.addi %add3A_631, %add3A_855 : i32
        %get3A_857 = arith.index_cast %add3A_856 : i32 to index
        %get3A_858 = arith.constant 0 : index
        %get3A_859 = tpu.vector_load %arg9[%get3A_857, %get3A_858] {strides = array<i32>} : memref<100x128xf32, #tpu.memory_space<vmem>>, vector<1x16xf32>,
        %get3A_860 = vector.shape_cast %get3A_859 : vector<1x16xf32> to vector<16xf32>
        %add3A_861 = arith.addf %add3A_805, %get3A_860 : vector<16xf32>
        %add3A_862 = arith.constant 4 : i32
        %add3A_863 = arith.addi %add3A_631, %add3A_862 : i32
        %get3A_864 = arith.index_cast %add3A_863 : i32 to index
        %get3A_865 = arith.constant 16 : index
        %get3A_866 = tpu.vector_load %arg9[%get3A_864, %get3A_865] {strides = array<i32>} : memref<100x128xf32, #tpu.memory_space<vmem>>, vector<1x16xf32>,
        %get3A_867 = vector.shape_cast %get3A_866 : vector<1x16xf32> to vector<16xf32>
        %add3A_868 = arith.addf %add3A_812, %get3A_867 : vector<16xf32>
        %add3A_869 = arith.constant 4 : i32
        %add3A_870 = arith.addi %add3A_631, %add3A_869 : i32
        %get3A_871 = arith.index_cast %add3A_870 : i32 to index
        %get3A_872 = arith.constant 32 : index
        %get3A_873 = tpu.vector_load %arg9[%get3A_871, %get3A_872] {strides = array<i32>} : memref<100x128xf32, #tpu.memory_space<vmem>>, vector<1x16xf32>,
        %get3A_874 = vector.shape_cast %get3A_873 : vector<1x16xf32> to vector<16xf32>
        %add3A_875 = arith.addf %add3A_819, %get3A_874 : vector<16xf32>
        %add3A_876 = arith.constant 4 : i32
        %add3A_877 = arith.addi %add3A_631, %add3A_876 : i32
        %get3A_878 = arith.index_cast %add3A_877 : i32 to index
        %get3A_879 = arith.constant 48 : index
        %get3A_880 = tpu.vector_load %arg9[%get3A_878, %get3A_879] {strides = array<i32>} : memref<100x128xf32, #tpu.memory_space<vmem>>, vector<1x16xf32>,
        %get3A_881 = vector.shape_cast %get3A_880 : vector<1x16xf32> to vector<16xf32>
        %add3A_882 = arith.addf %add3A_826, %get3A_881 : vector<16xf32>
        %add3A_883 = arith.constant 4 : i32
        %add3A_884 = arith.addi %add3A_631, %add3A_883 : i32
        %get3A_885 = arith.index_cast %add3A_884 : i32 to index
        %get3A_886 = arith.constant 64 : index
        %get3A_887 = tpu.vector_load %arg9[%get3A_885, %get3A_886] {strides = array<i32>} : memref<100x128xf32, #tpu.memory_space<vmem>>, vector<1x16xf32>,
        %get3A_888 = vector.shape_cast %get3A_887 : vector<1x16xf32> to vector<16xf32>
        %add3A_889 = arith.addf %add3A_833, %get3A_888 : vector<16xf32>
        %add3A_890 = arith.constant 4 : i32
        %add3A_891 = arith.addi %add3A_631, %add3A_890 : i32
        %get3A_892 = arith.index_cast %add3A_891 : i32 to index
        %get3A_893 = arith.constant 80 : index
        %get3A_894 = tpu.vector_load %arg9[%get3A_892, %get3A_893] {strides = array<i32>} : memref<100x128xf32, #tpu.memory_space<vmem>>, vector<1x16xf32>,
        %get3A_895 = vector.shape_cast %get3A_894 : vector<1x16xf32> to vector<16xf32>
        %add3A_896 = arith.addf %add3A_840, %get3A_895 : vector<16xf32>
        %add3A_897 = arith.constant 4 : i32
        %add3A_898 = arith.addi %add3A_631, %add3A_897 : i32
        %get3A_899 = arith.index_cast %add3A_898 : i32 to index
        %get3A_900 = arith.constant 96 : index
        %get3A_901 = tpu.vector_load %arg9[%get3A_899, %get3A_900] {strides = array<i32>} : memref<100x128xf32, #tpu.memory_space<vmem>>, vector<1x16xf32>,
        %get3A_902 = vector.shape_cast %get3A_901 : vector<1x16xf32> to vector<16xf32>
        %add3A_903 = arith.addf %add3A_847, %get3A_902 : vector<16xf32>
        %add3A_904 = arith.constant 4 : i32
        %add3A_905 = arith.addi %add3A_631, %add3A_904 : i32
        %get3A_906 = arith.index_cast %add3A_905 : i32 to index
        %get3A_907 = arith.constant 112 : index
        %get3A_908 = tpu.vector_load %arg9[%get3A_906, %get3A_907] {strides = array<i32>} : memref<100x128xf32, #tpu.memory_space<vmem>>, vector<1x16xf32>,
        %get3A_909 = vector.shape_cast %get3A_908 : vector<1x16xf32> to vector<16xf32>
        %add3A_910 = arith.addf %add3A_854, %get3A_909 : vector<16xf32>
        scf.yield %add3A_861, %add3A_868, %add3A_875, %add3A_882, %add3A_889, %add3A_896, %add3A_903, %add3A_910 : vector<16xf32>, vector<16xf32>, vector<16xf32>, vector<16xf32>, vector<16xf32>, vector<16xf32>, vector<16xf32>, vector<16xf32>
      }
      %scan3A_508 = arith.constant 10 : i32
      %mul3A_509 = arith.constant 2 : i32
      %mul3A_510 = arith.muli %add3A_471, %mul3A_509 : i32
      %add3A_511 = arith.constant 0 : i32
      %add3A_512 = arith.addi %mul3A_510, %add3A_511 : i32
      %swap3A_513 = arith.index_cast %add3A_512 : i32 to index
      %swap3A_514 = arith.constant 0 : index
      %swap3A_515 = tpu.vector_load %arg10[%swap3A_513, %swap3A_514] {strides = array<i32>} : memref<128x128xf32, #tpu.memory_space<vmem>>, vector<1x16xf32>,
      %swap3A_516 = vector.shape_cast %swap3A_515 : vector<1x16xf32> to vector<16xf32>
      %swap3A_517 = vector.shape_cast %scan3A_507#0 : vector<16xf32> to vector<1x16xf32>
      tpu.vector_store %arg10[%swap3A_513, %swap3A_514], %swap3A_517 {strides = array<i32>} : memref<128x128xf32, #tpu.memory_space<vmem>>, vector<1x16xf32>,
      %swap3A_518 = arith.index_cast %add3A_512 : i32 to index
      %swap3A_519 = arith.constant 16 : index
      %swap3A_520 = tpu.vector_load %arg10[%swap3A_518, %swap3A_519] {strides = array<i32>} : memref<128x128xf32, #tpu.memory_space<vmem>>, vector<1x16xf32>,
      %swap3A_521 = vector.shape_cast %swap3A_520 : vector<1x16xf32> to vector<16xf32>
      %swap3A_522 = vector.shape_cast %scan3A_507#1 : vector<16xf32> to vector<1x16xf32>
      tpu.vector_store %arg10[%swap3A_518, %swap3A_519], %swap3A_522 {strides = array<i32>} : memref<128x128xf32, #tpu.memory_space<vmem>>, vector<1x16xf32>,
      %swap3A_523 = arith.index_cast %add3A_512 : i32 to index
      %swap3A_524 = arith.constant 32 : index
      %swap3A_525 = tpu.vector_load %arg10[%swap3A_523, %swap3A_524] {strides = array<i32>} : memref<128x128xf32, #tpu.memory_space<vmem>>, vector<1x16xf32>,
      %swap3A_526 = vector.shape_cast %swap3A_525 : vector<1x16xf32> to vector<16xf32>
      %swap3A_527 = vector.shape_cast %scan3A_507#2 : vector<16xf32> to vector<1x16xf32>
      tpu.vector_store %arg10[%swap3A_523, %swap3A_524], %swap3A_527 {strides = array<i32>} : memref<128x128xf32, #tpu.memory_space<vmem>>, vector<1x16xf32>,
      %swap3A_528 = arith.index_cast %add3A_512 : i32 to index
      %swap3A_529 = arith.constant 48 : index
      %swap3A_530 = tpu.vector_load %arg10[%swap3A_528, %swap3A_529] {strides = array<i32>} : memref<128x128xf32, #tpu.memory_space<vmem>>, vector<1x16xf32>,
      %swap3A_531 = vector.shape_cast %swap3A_530 : vector<1x16xf32> to vector<16xf32>
      %swap3A_532 = vector.shape_cast %scan3A_507#3 : vector<16xf32> to vector<1x16xf32>
      tpu.vector_store %arg10[%swap3A_528, %swap3A_529], %swap3A_532 {strides = array<i32>} : memref<128x128xf32, #tpu.memory_space<vmem>>, vector<1x16xf32>,
      %swap3A_533 = arith.index_cast %add3A_512 : i32 to index
      %swap3A_534 = arith.constant 64 : index
      %swap3A_535 = tpu.vector_load %arg10[%swap3A_533, %swap3A_534] {strides = array<i32>} : memref<128x128xf32, #tpu.memory_space<vmem>>, vector<1x16xf32>,
      %swap3A_536 = vector.shape_cast %swap3A_535 : vector<1x16xf32> to vector<16xf32>
      %swap3A_537 = vector.shape_cast %scan3A_507#4 : vector<16xf32> to vector<1x16xf32>
      tpu.vector_store %arg10[%swap3A_533, %swap3A_534], %swap3A_537 {strides = array<i32>} : memref<128x128xf32, #tpu.memory_space<vmem>>, vector<1x16xf32>,
      %swap3A_538 = arith.index_cast %add3A_512 : i32 to index
      %swap3A_539 = arith.constant 80 : index
      %swap3A_540 = tpu.vector_load %arg10[%swap3A_538, %swap3A_539] {strides = array<i32>} : memref<128x128xf32, #tpu.memory_space<vmem>>, vector<1x16xf32>,
      %swap3A_541 = vector.shape_cast %swap3A_540 : vector<1x16xf32> to vector<16xf32>
      %swap3A_542 = vector.shape_cast %scan3A_507#5 : vector<16xf32> to vector<1x16xf32>
      tpu.vector_store %arg10[%swap3A_538, %swap3A_539], %swap3A_542 {strides = array<i32>} : memref<128x128xf32, #tpu.memory_space<vmem>>, vector<1x16xf32>,
      %swap3A_543 = arith.index_cast %add3A_512 : i32 to index
      %swap3A_544 = arith.constant 96 : index
      %swap3A_545 = tpu.vector_load %arg10[%swap3A_543, %swap3A_544] {strides = array<i32>} : memref<128x128xf32, #tpu.memory_space<vmem>>, vector<1x16xf32>,
      %swap3A_546 = vector.shape_cast %swap3A_545 : vector<1x16xf32> to vector<16xf32>
      %swap3A_547 = vector.shape_cast %scan3A_507#6 : vector<16xf32> to vector<1x16xf32>
      tpu.vector_store %arg10[%swap3A_543, %swap3A_544], %swap3A_547 {strides = array<i32>} : memref<128x128xf32, #tpu.memory_space<vmem>>, vector<1x16xf32>,
      %swap3A_548 = arith.index_cast %add3A_512 : i32 to index
      %swap3A_549 = arith.constant 112 : index
      %swap3A_550 = tpu.vector_load %arg10[%swap3A_548, %swap3A_549] {strides = array<i32>} : memref<128x128xf32, #tpu.memory_space<vmem>>, vector<1x16xf32>,
      %swap3A_551 = vector.shape_cast %swap3A_550 : vector<1x16xf32> to vector<16xf32>
      %swap3A_552 = vector.shape_cast %scan3A_507#7 : vector<16xf32> to vector<1x16xf32>
      tpu.vector_store %arg10[%swap3A_548, %swap3A_549], %swap3A_552 {strides = array<i32>} : memref<128x128xf32, #tpu.memory_space<vmem>>, vector<1x16xf32>,
      %broadcast_in_dim3A_553 = arith.constant 0.000000e+00 : f32
      %broadcast_in_dim3A_554 = vector.broadcast %broadcast_in_dim3A_553 : f32 to vector<16xf32>
      %broadcast_in_dim3A_555 = arith.constant 0.000000e+00 : f32
      %broadcast_in_dim3A_556 = vector.broadcast %broadcast_in_dim3A_555 : f32 to vector<16xf32>
      %broadcast_in_dim3A_557 = arith.constant 0.000000e+00 : f32
      %broadcast_in_dim3A_558 = vector.broadcast %broadcast_in_dim3A_557 : f32 to vector<16xf32>
      %broadcast_in_dim3A_559 = arith.constant 0.000000e+00 : f32
      %broadcast_in_dim3A_560 = vector.broadcast %broadcast_in_dim3A_559 : f32 to vector<16xf32>
      %broadcast_in_dim3A_561 = arith.constant 0.000000e+00 : f32
      %broadcast_in_dim3A_562 = vector.broadcast %broadcast_in_dim3A_561 : f32 to vector<16xf32>
      %broadcast_in_dim3A_563 = arith.constant 0.000000e+00 : f32
      %broadcast_in_dim3A_564 = vector.broadcast %broadcast_in_dim3A_563 : f32 to vector<16xf32>
      %broadcast_in_dim3A_565 = arith.constant 0.000000e+00 : f32
      %broadcast_in_dim3A_566 = vector.broadcast %broadcast_in_dim3A_565 : f32 to vector<16xf32>
      %broadcast_in_dim3A_567 = arith.constant 0.000000e+00 : f32
      %broadcast_in_dim3A_568 = vector.broadcast %broadcast_in_dim3A_567 : f32 to vector<16xf32>
      %scan3A_569 = arith.constant 0 : i32
      %scan3A_570 = arith.constant 10 : i32
      %scan3A_571 = arith.addi %scan3A_569, %scan3A_570 : i32
      %scan3A_572 = arith.constant 1 : i32
      %scan3A_573:8 = scf.for %scan3A_619 = %scan3A_569 to %scan3A_571 step %scan3A_572 iter_args(%scan3A_620 = %broadcast_in_dim3A_554, %scan3A_621 = %broadcast_in_dim3A_556, %scan3A_622 = %broadcast_in_dim3A_558, %scan3A_623 = %broadcast_in_dim3A_560, %scan3A_624 = %broadcast_in_dim3A_562, %scan3A_625 = %broadcast_in_dim3A_564, %scan3A_626 = %broadcast_in_dim3A_566, %scan3A_627 = %broadcast_in_dim3A_568) -> (vector<16xf32>, vector<16xf32>, vector<16xf32>, vector<16xf32>, vector<16xf32>, vector<16xf32>, vector<16xf32>, vector<16xf32>)  : i32 {
        %mul3A_628 = arith.constant 5 : i32
        %mul3A_629 = arith.muli %scan3A_619, %mul3A_628 : i32
        %add3A_630 = arith.constant 50 : i32
        %add3A_631 = arith.addi %add3A_630, %mul3A_629 : i32
        %add3A_632 = arith.constant 0 : i32
        %add3A_633 = arith.addi %add3A_631, %add3A_632 : i32
        %get3A = arith.index_cast %add3A_633 : i32 to index
        %get3A_634 = arith.constant 0 : index
        %get3A_635 = tpu.vector_load %arg9[%get3A, %get3A_634] {strides = array<i32>} : memref<100x128xf32, #tpu.memory_space<vmem>>, vector<1x16xf32>,
        %get3A_636 = vector.shape_cast %get3A_635 : vector<1x16xf32> to vector<16xf32>
        %add3A_637 = arith.addf %scan3A_620, %get3A_636 : vector<16xf32>
        %add3A_638 = arith.constant 0 : i32
        %add3A_639 = arith.addi %add3A_631, %add3A_638 : i32
        %get3A_640 = arith.index_cast %add3A_639 : i32 to index
        %get3A_641 = arith.constant 16 : index
        %get3A_642 = tpu.vector_load %arg9[%get3A_640, %get3A_641] {strides = array<i32>} : memref<100x128xf32, #tpu.memory_space<vmem>>, vector<1x16xf32>,
        %get3A_643 = vector.shape_cast %get3A_642 : vector<1x16xf32> to vector<16xf32>
        %add3A_644 = arith.addf %scan3A_621, %get3A_643 : vector<16xf32>
        %add3A_645 = arith.constant 0 : i32
        %add3A_646 = arith.addi %add3A_631, %add3A_645 : i32
        %get3A_647 = arith.index_cast %add3A_646 : i32 to index
        %get3A_648 = arith.constant 32 : index
        %get3A_649 = tpu.vector_load %arg9[%get3A_647, %get3A_648] {strides = array<i32>} : memref<100x128xf32, #tpu.memory_space<vmem>>, vector<1x16xf32>,
        %get3A_650 = vector.shape_cast %get3A_649 : vector<1x16xf32> to vector<16xf32>
        %add3A_651 = arith.addf %scan3A_622, %get3A_650 : vector<16xf32>
        %add3A_652 = arith.constant 0 : i32
        %add3A_653 = arith.addi %add3A_631, %add3A_652 : i32
        %get3A_654 = arith.index_cast %add3A_653 : i32 to index
        %get3A_655 = arith.constant 48 : index
        %get3A_656 = tpu.vector_load %arg9[%get3A_654, %get3A_655] {strides = array<i32>} : memref<100x128xf32, #tpu.memory_space<vmem>>, vector<1x16xf32>,
        %get3A_657 = vector.shape_cast %get3A_656 : vector<1x16xf32> to vector<16xf32>
        %add3A_658 = arith.addf %scan3A_623, %get3A_657 : vector<16xf32>
        %add3A_659 = arith.constant 0 : i32
        %add3A_660 = arith.addi %add3A_631, %add3A_659 : i32
        %get3A_661 = arith.index_cast %add3A_660 : i32 to index
        %get3A_662 = arith.constant 64 : index
        %get3A_663 = tpu.vector_load %arg9[%get3A_661, %get3A_662] {strides = array<i32>} : memref<100x128xf32, #tpu.memory_space<vmem>>, vector<1x16xf32>,
        %get3A_664 = vector.shape_cast %get3A_663 : vector<1x16xf32> to vector<16xf32>
        %add3A_665 = arith.addf %scan3A_624, %get3A_664 : vector<16xf32>
        %add3A_666 = arith.constant 0 : i32
        %add3A_667 = arith.addi %add3A_631, %add3A_666 : i32
        %get3A_668 = arith.index_cast %add3A_667 : i32 to index
        %get3A_669 = arith.constant 80 : index
        %get3A_670 = tpu.vector_load %arg9[%get3A_668, %get3A_669] {strides = array<i32>} : memref<100x128xf32, #tpu.memory_space<vmem>>, vector<1x16xf32>,
        %get3A_671 = vector.shape_cast %get3A_670 : vector<1x16xf32> to vector<16xf32>
        %add3A_672 = arith.addf %scan3A_625, %get3A_671 : vector<16xf32>
        %add3A_673 = arith.constant 0 : i32
        %add3A_674 = arith.addi %add3A_631, %add3A_673 : i32
        %get3A_675 = arith.index_cast %add3A_674 : i32 to index
        %get3A_676 = arith.constant 96 : index
        %get3A_677 = tpu.vector_load %arg9[%get3A_675, %get3A_676] {strides = array<i32>} : memref<100x128xf32, #tpu.memory_space<vmem>>, vector<1x16xf32>,
        %get3A_678 = vector.shape_cast %get3A_677 : vector<1x16xf32> to vector<16xf32>
        %add3A_679 = arith.addf %scan3A_626, %get3A_678 : vector<16xf32>
        %add3A_680 = arith.constant 0 : i32
        %add3A_681 = arith.addi %add3A_631, %add3A_680 : i32
        %get3A_682 = arith.index_cast %add3A_681 : i32 to index
        %get3A_683 = arith.constant 112 : index
        %get3A_684 = tpu.vector_load %arg9[%get3A_682, %get3A_683] {strides = array<i32>} : memref<100x128xf32, #tpu.memory_space<vmem>>, vector<1x16xf32>,
        %get3A_685 = vector.shape_cast %get3A_684 : vector<1x16xf32> to vector<16xf32>
        %add3A_686 = arith.addf %scan3A_627, %get3A_685 : vector<16xf32>
        %add3A_687 = arith.constant 1 : i32
        %add3A_688 = arith.addi %add3A_631, %add3A_687 : i32
        %get3A_689 = arith.index_cast %add3A_688 : i32 to index
        %get3A_690 = arith.constant 0 : index
        %get3A_691 = tpu.vector_load %arg9[%get3A_689, %get3A_690] {strides = array<i32>} : memref<100x128xf32, #tpu.memory_space<vmem>>, vector<1x16xf32>,
        %get3A_692 = vector.shape_cast %get3A_691 : vector<1x16xf32> to vector<16xf32>
        %add3A_693 = arith.addf %add3A_637, %get3A_692 : vector<16xf32>
        %add3A_694 = arith.constant 1 : i32
        %add3A_695 = arith.addi %add3A_631, %add3A_694 : i32
        %get3A_696 = arith.index_cast %add3A_695 : i32 to index
        %get3A_697 = arith.constant 16 : index
        %get3A_698 = tpu.vector_load %arg9[%get3A_696, %get3A_697] {strides = array<i32>} : memref<100x128xf32, #tpu.memory_space<vmem>>, vector<1x16xf32>,
        %get3A_699 = vector.shape_cast %get3A_698 : vector<1x16xf32> to vector<16xf32>
        %add3A_700 = arith.addf %add3A_644, %get3A_699 : vector<16xf32>
        %add3A_701 = arith.constant 1 : i32
        %add3A_702 = arith.addi %add3A_631, %add3A_701 : i32
        %get3A_703 = arith.index_cast %add3A_702 : i32 to index
        %get3A_704 = arith.constant 32 : index
        %get3A_705 = tpu.vector_load %arg9[%get3A_703, %get3A_704] {strides = array<i32>} : memref<100x128xf32, #tpu.memory_space<vmem>>, vector<1x16xf32>,
        %get3A_706 = vector.shape_cast %get3A_705 : vector<1x16xf32> to vector<16xf32>
        %add3A_707 = arith.addf %add3A_651, %get3A_706 : vector<16xf32>
        %add3A_708 = arith.constant 1 : i32
        %add3A_709 = arith.addi %add3A_631, %add3A_708 : i32
        %get3A_710 = arith.index_cast %add3A_709 : i32 to index
        %get3A_711 = arith.constant 48 : index
        %get3A_712 = tpu.vector_load %arg9[%get3A_710, %get3A_711] {strides = array<i32>} : memref<100x128xf32, #tpu.memory_space<vmem>>, vector<1x16xf32>,
        %get3A_713 = vector.shape_cast %get3A_712 : vector<1x16xf32> to vector<16xf32>
        %add3A_714 = arith.addf %add3A_658, %get3A_713 : vector<16xf32>
        %add3A_715 = arith.constant 1 : i32
        %add3A_716 = arith.addi %add3A_631, %add3A_715 : i32
        %get3A_717 = arith.index_cast %add3A_716 : i32 to index
        %get3A_718 = arith.constant 64 : index
        %get3A_719 = tpu.vector_load %arg9[%get3A_717, %get3A_718] {strides = array<i32>} : memref<100x128xf32, #tpu.memory_space<vmem>>, vector<1x16xf32>,
        %get3A_720 = vector.shape_cast %get3A_719 : vector<1x16xf32> to vector<16xf32>
        %add3A_721 = arith.addf %add3A_665, %get3A_720 : vector<16xf32>
        %add3A_722 = arith.constant 1 : i32
        %add3A_723 = arith.addi %add3A_631, %add3A_722 : i32
        %get3A_724 = arith.index_cast %add3A_723 : i32 to index
        %get3A_725 = arith.constant 80 : index
        %get3A_726 = tpu.vector_load %arg9[%get3A_724, %get3A_725] {strides = array<i32>} : memref<100x128xf32, #tpu.memory_space<vmem>>, vector<1x16xf32>,
        %get3A_727 = vector.shape_cast %get3A_726 : vector<1x16xf32> to vector<16xf32>
        %add3A_728 = arith.addf %add3A_672, %get3A_727 : vector<16xf32>
        %add3A_729 = arith.constant 1 : i32
        %add3A_730 = arith.addi %add3A_631, %add3A_729 : i32
        %get3A_731 = arith.index_cast %add3A_730 : i32 to index
        %get3A_732 = arith.constant 96 : index
        %get3A_733 = tpu.vector_load %arg9[%get3A_731, %get3A_732] {strides = array<i32>} : memref<100x128xf32, #tpu.memory_space<vmem>>, vector<1x16xf32>,
        %get3A_734 = vector.shape_cast %get3A_733 : vector<1x16xf32> to vector<16xf32>
        %add3A_735 = arith.addf %add3A_679, %get3A_734 : vector<16xf32>
        %add3A_736 = arith.constant 1 : i32
        %add3A_737 = arith.addi %add3A_631, %add3A_736 : i32
        %get3A_738 = arith.index_cast %add3A_737 : i32 to index
        %get3A_739 = arith.constant 112 : index
        %get3A_740 = tpu.vector_load %arg9[%get3A_738, %get3A_739] {strides = array<i32>} : memref<100x128xf32, #tpu.memory_space<vmem>>, vector<1x16xf32>,
        %get3A_741 = vector.shape_cast %get3A_740 : vector<1x16xf32> to vector<16xf32>
        %add3A_742 = arith.addf %add3A_686, %get3A_741 : vector<16xf32>
        %add3A_743 = arith.constant 2 : i32
        %add3A_744 = arith.addi %add3A_631, %add3A_743 : i32
        %get3A_745 = arith.index_cast %add3A_744 : i32 to index
        %get3A_746 = arith.constant 0 : index
        %get3A_747 = tpu.vector_load %arg9[%get3A_745, %get3A_746] {strides = array<i32>} : memref<100x128xf32, #tpu.memory_space<vmem>>, vector<1x16xf32>,
        %get3A_748 = vector.shape_cast %get3A_747 : vector<1x16xf32> to vector<16xf32>
        %add3A_749 = arith.addf %add3A_693, %get3A_748 : vector<16xf32>
        %add3A_750 = arith.constant 2 : i32
        %add3A_751 = arith.addi %add3A_631, %add3A_750 : i32
        %get3A_752 = arith.index_cast %add3A_751 : i32 to index
        %get3A_753 = arith.constant 16 : index
        %get3A_754 = tpu.vector_load %arg9[%get3A_752, %get3A_753] {strides = array<i32>} : memref<100x128xf32, #tpu.memory_space<vmem>>, vector<1x16xf32>,
        %get3A_755 = vector.shape_cast %get3A_754 : vector<1x16xf32> to vector<16xf32>
        %add3A_756 = arith.addf %add3A_700, %get3A_755 : vector<16xf32>
        %add3A_757 = arith.constant 2 : i32
        %add3A_758 = arith.addi %add3A_631, %add3A_757 : i32
        %get3A_759 = arith.index_cast %add3A_758 : i32 to index
        %get3A_760 = arith.constant 32 : index
        %get3A_761 = tpu.vector_load %arg9[%get3A_759, %get3A_760] {strides = array<i32>} : memref<100x128xf32, #tpu.memory_space<vmem>>, vector<1x16xf32>,
        %get3A_762 = vector.shape_cast %get3A_761 : vector<1x16xf32> to vector<16xf32>
        %add3A_763 = arith.addf %add3A_707, %get3A_762 : vector<16xf32>
        %add3A_764 = arith.constant 2 : i32
        %add3A_765 = arith.addi %add3A_631, %add3A_764 : i32
        %get3A_766 = arith.index_cast %add3A_765 : i32 to index
        %get3A_767 = arith.constant 48 : index
        %get3A_768 = tpu.vector_load %arg9[%get3A_766, %get3A_767] {strides = array<i32>} : memref<100x128xf32, #tpu.memory_space<vmem>>, vector<1x16xf32>,
        %get3A_769 = vector.shape_cast %get3A_768 : vector<1x16xf32> to vector<16xf32>
        %add3A_770 = arith.addf %add3A_714, %get3A_769 : vector<16xf32>
        %add3A_771 = arith.constant 2 : i32
        %add3A_772 = arith.addi %add3A_631, %add3A_771 : i32
        %get3A_773 = arith.index_cast %add3A_772 : i32 to index
        %get3A_774 = arith.constant 64 : index
        %get3A_775 = tpu.vector_load %arg9[%get3A_773, %get3A_774] {strides = array<i32>} : memref<100x128xf32, #tpu.memory_space<vmem>>, vector<1x16xf32>,
        %get3A_776 = vector.shape_cast %get3A_775 : vector<1x16xf32> to vector<16xf32>
        %add3A_777 = arith.addf %add3A_721, %get3A_776 : vector<16xf32>
        %add3A_778 = arith.constant 2 : i32
        %add3A_779 = arith.addi %add3A_631, %add3A_778 : i32
        %get3A_780 = arith.index_cast %add3A_779 : i32 to index
        %get3A_781 = arith.constant 80 : index
        %get3A_782 = tpu.vector_load %arg9[%get3A_780, %get3A_781] {strides = array<i32>} : memref<100x128xf32, #tpu.memory_space<vmem>>, vector<1x16xf32>,
        %get3A_783 = vector.shape_cast %get3A_782 : vector<1x16xf32> to vector<16xf32>
        %add3A_784 = arith.addf %add3A_728, %get3A_783 : vector<16xf32>
        %add3A_785 = arith.constant 2 : i32
        %add3A_786 = arith.addi %add3A_631, %add3A_785 : i32
        %get3A_787 = arith.index_cast %add3A_786 : i32 to index
        %get3A_788 = arith.constant 96 : index
        %get3A_789 = tpu.vector_load %arg9[%get3A_787, %get3A_788] {strides = array<i32>} : memref<100x128xf32, #tpu.memory_space<vmem>>, vector<1x16xf32>,
        %get3A_790 = vector.shape_cast %get3A_789 : vector<1x16xf32> to vector<16xf32>
        %add3A_791 = arith.addf %add3A_735, %get3A_790 : vector<16xf32>
        %add3A_792 = arith.constant 2 : i32
        %add3A_793 = arith.addi %add3A_631, %add3A_792 : i32
        %get3A_794 = arith.index_cast %add3A_793 : i32 to index
        %get3A_795 = arith.constant 112 : index
        %get3A_796 = tpu.vector_load %arg9[%get3A_794, %get3A_795] {strides = array<i32>} : memref<100x128xf32, #tpu.memory_space<vmem>>, vector<1x16xf32>,
        %get3A_797 = vector.shape_cast %get3A_796 : vector<1x16xf32> to vector<16xf32>
        %add3A_798 = arith.addf %add3A_742, %get3A_797 : vector<16xf32>
        %add3A_799 = arith.constant 3 : i32
        %add3A_800 = arith.addi %add3A_631, %add3A_799 : i32
        %get3A_801 = arith.index_cast %add3A_800 : i32 to index
        %get3A_802 = arith.constant 0 : index
        %get3A_803 = tpu.vector_load %arg9[%get3A_801, %get3A_802] {strides = array<i32>} : memref<100x128xf32, #tpu.memory_space<vmem>>, vector<1x16xf32>,
        %get3A_804 = vector.shape_cast %get3A_803 : vector<1x16xf32> to vector<16xf32>
        %add3A_805 = arith.addf %add3A_749, %get3A_804 : vector<16xf32>
        %add3A_806 = arith.constant 3 : i32
        %add3A_807 = arith.addi %add3A_631, %add3A_806 : i32
        %get3A_808 = arith.index_cast %add3A_807 : i32 to index
        %get3A_809 = arith.constant 16 : index
        %get3A_810 = tpu.vector_load %arg9[%get3A_808, %get3A_809] {strides = array<i32>} : memref<100x128xf32, #tpu.memory_space<vmem>>, vector<1x16xf32>,
        %get3A_811 = vector.shape_cast %get3A_810 : vector<1x16xf32> to vector<16xf32>
        %add3A_812 = arith.addf %add3A_756, %get3A_811 : vector<16xf32>
        %add3A_813 = arith.constant 3 : i32
        %add3A_814 = arith.addi %add3A_631, %add3A_813 : i32
        %get3A_815 = arith.index_cast %add3A_814 : i32 to index
        %get3A_816 = arith.constant 32 : index
        %get3A_817 = tpu.vector_load %arg9[%get3A_815, %get3A_816] {strides = array<i32>} : memref<100x128xf32, #tpu.memory_space<vmem>>, vector<1x16xf32>,
        %get3A_818 = vector.shape_cast %get3A_817 : vector<1x16xf32> to vector<16xf32>
        %add3A_819 = arith.addf %add3A_763, %get3A_818 : vector<16xf32>
        %add3A_820 = arith.constant 3 : i32
        %add3A_821 = arith.addi %add3A_631, %add3A_820 : i32
        %get3A_822 = arith.index_cast %add3A_821 : i32 to index
        %get3A_823 = arith.constant 48 : index
        %get3A_824 = tpu.vector_load %arg9[%get3A_822, %get3A_823] {strides = array<i32>} : memref<100x128xf32, #tpu.memory_space<vmem>>, vector<1x16xf32>,
        %get3A_825 = vector.shape_cast %get3A_824 : vector<1x16xf32> to vector<16xf32>
        %add3A_826 = arith.addf %add3A_770, %get3A_825 : vector<16xf32>
        %add3A_827 = arith.constant 3 : i32
        %add3A_828 = arith.addi %add3A_631, %add3A_827 : i32
        %get3A_829 = arith.index_cast %add3A_828 : i32 to index
        %get3A_830 = arith.constant 64 : index
        %get3A_831 = tpu.vector_load %arg9[%get3A_829, %get3A_830] {strides = array<i32>} : memref<100x128xf32, #tpu.memory_space<vmem>>, vector<1x16xf32>,
        %get3A_832 = vector.shape_cast %get3A_831 : vector<1x16xf32> to vector<16xf32>
        %add3A_833 = arith.addf %add3A_777, %get3A_832 : vector<16xf32>
        %add3A_834 = arith.constant 3 : i32
        %add3A_835 = arith.addi %add3A_631, %add3A_834 : i32
        %get3A_836 = arith.index_cast %add3A_835 : i32 to index
        %get3A_837 = arith.constant 80 : index
        %get3A_838 = tpu.vector_load %arg9[%get3A_836, %get3A_837] {strides = array<i32>} : memref<100x128xf32, #tpu.memory_space<vmem>>, vector<1x16xf32>,
        %get3A_839 = vector.shape_cast %get3A_838 : vector<1x16xf32> to vector<16xf32>
        %add3A_840 = arith.addf %add3A_784, %get3A_839 : vector<16xf32>
        %add3A_841 = arith.constant 3 : i32
        %add3A_842 = arith.addi %add3A_631, %add3A_841 : i32
        %get3A_843 = arith.index_cast %add3A_842 : i32 to index
        %get3A_844 = arith.constant 96 : index
        %get3A_845 = tpu.vector_load %arg9[%get3A_843, %get3A_844] {strides = array<i32>} : memref<100x128xf32, #tpu.memory_space<vmem>>, vector<1x16xf32>,
        %get3A_846 = vector.shape_cast %get3A_845 : vector<1x16xf32> to vector<16xf32>
        %add3A_847 = arith.addf %add3A_791, %get3A_846 : vector<16xf32>
        %add3A_848 = arith.constant 3 : i32
        %add3A_849 = arith.addi %add3A_631, %add3A_848 : i32
        %get3A_850 = arith.index_cast %add3A_849 : i32 to index
        %get3A_851 = arith.constant 112 : index
        %get3A_852 = tpu.vector_load %arg9[%get3A_850, %get3A_851] {strides = array<i32>} : memref<100x128xf32, #tpu.memory_space<vmem>>, vector<1x16xf32>,
        %get3A_853 = vector.shape_cast %get3A_852 : vector<1x16xf32> to vector<16xf32>
        %add3A_854 = arith.addf %add3A_798, %get3A_853 : vector<16xf32>
        %add3A_855 = arith.constant 4 : i32
        %add3A_856 = arith.addi %add3A_631, %add3A_855 : i32
        %get3A_857 = arith.index_cast %add3A_856 : i32 to index
        %get3A_858 = arith.constant 0 : index
        %get3A_859 = tpu.vector_load %arg9[%get3A_857, %get3A_858] {strides = array<i32>} : memref<100x128xf32, #tpu.memory_space<vmem>>, vector<1x16xf32>,
        %get3A_860 = vector.shape_cast %get3A_859 : vector<1x16xf32> to vector<16xf32>
        %add3A_861 = arith.addf %add3A_805, %get3A_860 : vector<16xf32>
        %add3A_862 = arith.constant 4 : i32
        %add3A_863 = arith.addi %add3A_631, %add3A_862 : i32
        %get3A_864 = arith.index_cast %add3A_863 : i32 to index
        %get3A_865 = arith.constant 16 : index
        %get3A_866 = tpu.vector_load %arg9[%get3A_864, %get3A_865] {strides = array<i32>} : memref<100x128xf32, #tpu.memory_space<vmem>>, vector<1x16xf32>,
        %get3A_867 = vector.shape_cast %get3A_866 : vector<1x16xf32> to vector<16xf32>
        %add3A_868 = arith.addf %add3A_812, %get3A_867 : vector<16xf32>
        %add3A_869 = arith.constant 4 : i32
        %add3A_870 = arith.addi %add3A_631, %add3A_869 : i32
        %get3A_871 = arith.index_cast %add3A_870 : i32 to index
        %get3A_872 = arith.constant 32 : index
        %get3A_873 = tpu.vector_load %arg9[%get3A_871, %get3A_872] {strides = array<i32>} : memref<100x128xf32, #tpu.memory_space<vmem>>, vector<1x16xf32>,
        %get3A_874 = vector.shape_cast %get3A_873 : vector<1x16xf32> to vector<16xf32>
        %add3A_875 = arith.addf %add3A_819, %get3A_874 : vector<16xf32>
        %add3A_876 = arith.constant 4 : i32
        %add3A_877 = arith.addi %add3A_631, %add3A_876 : i32
        %get3A_878 = arith.index_cast %add3A_877 : i32 to index
        %get3A_879 = arith.constant 48 : index
        %get3A_880 = tpu.vector_load %arg9[%get3A_878, %get3A_879] {strides = array<i32>} : memref<100x128xf32, #tpu.memory_space<vmem>>, vector<1x16xf32>,
        %get3A_881 = vector.shape_cast %get3A_880 : vector<1x16xf32> to vector<16xf32>
        %add3A_882 = arith.addf %add3A_826, %get3A_881 : vector<16xf32>
        %add3A_883 = arith.constant 4 : i32
        %add3A_884 = arith.addi %add3A_631, %add3A_883 : i32
        %get3A_885 = arith.index_cast %add3A_884 : i32 to index
        %get3A_886 = arith.constant 64 : index
        %get3A_887 = tpu.vector_load %arg9[%get3A_885, %get3A_886] {strides = array<i32>} : memref<100x128xf32, #tpu.memory_space<vmem>>, vector<1x16xf32>,
        %get3A_888 = vector.shape_cast %get3A_887 : vector<1x16xf32> to vector<16xf32>
        %add3A_889 = arith.addf %add3A_833, %get3A_888 : vector<16xf32>
        %add3A_890 = arith.constant 4 : i32
        %add3A_891 = arith.addi %add3A_631, %add3A_890 : i32
        %get3A_892 = arith.index_cast %add3A_891 : i32 to index
        %get3A_893 = arith.constant 80 : index
        %get3A_894 = tpu.vector_load %arg9[%get3A_892, %get3A_893] {strides = array<i32>} : memref<100x128xf32, #tpu.memory_space<vmem>>, vector<1x16xf32>,
        %get3A_895 = vector.shape_cast %get3A_894 : vector<1x16xf32> to vector<16xf32>
        %add3A_896 = arith.addf %add3A_840, %get3A_895 : vector<16xf32>
        %add3A_897 = arith.constant 4 : i32
        %add3A_898 = arith.addi %add3A_631, %add3A_897 : i32
        %get3A_899 = arith.index_cast %add3A_898 : i32 to index
        %get3A_900 = arith.constant 96 : index
        %get3A_901 = tpu.vector_load %arg9[%get3A_899, %get3A_900] {strides = array<i32>} : memref<100x128xf32, #tpu.memory_space<vmem>>, vector<1x16xf32>,
        %get3A_902 = vector.shape_cast %get3A_901 : vector<1x16xf32> to vector<16xf32>
        %add3A_903 = arith.addf %add3A_847, %get3A_902 : vector<16xf32>
        %add3A_904 = arith.constant 4 : i32
        %add3A_905 = arith.addi %add3A_631, %add3A_904 : i32
        %get3A_906 = arith.index_cast %add3A_905 : i32 to index
        %get3A_907 = arith.constant 112 : index
        %get3A_908 = tpu.vector_load %arg9[%get3A_906, %get3A_907] {strides = array<i32>} : memref<100x128xf32, #tpu.memory_space<vmem>>, vector<1x16xf32>,
        %get3A_909 = vector.shape_cast %get3A_908 : vector<1x16xf32> to vector<16xf32>
        %add3A_910 = arith.addf %add3A_854, %get3A_909 : vector<16xf32>
        scf.yield %add3A_861, %add3A_868, %add3A_875, %add3A_882, %add3A_889, %add3A_896, %add3A_903, %add3A_910 : vector<16xf32>, vector<16xf32>, vector<16xf32>, vector<16xf32>, vector<16xf32>, vector<16xf32>, vector<16xf32>, vector<16xf32>
      }
      %scan3A_574 = arith.constant 10 : i32
      %mul3A_575 = arith.constant 2 : i32
      %mul3A_576 = arith.muli %add3A_471, %mul3A_575 : i32
      %add3A_577 = arith.constant 1 : i32
      %add3A_578 = arith.addi %mul3A_576, %add3A_577 : i32
      %swap3A_579 = arith.index_cast %add3A_578 : i32 to index
      %swap3A_580 = arith.constant 0 : index
      %swap3A_581 = tpu.vector_load %arg10[%swap3A_579, %swap3A_580] {strides = array<i32>} : memref<128x128xf32, #tpu.memory_space<vmem>>, vector<1x16xf32>,
      %swap3A_582 = vector.shape_cast %swap3A_581 : vector<1x16xf32> to vector<16xf32>
      %swap3A_583 = vector.shape_cast %scan3A_573#0 : vector<16xf32> to vector<1x16xf32>
      tpu.vector_store %arg10[%swap3A_579, %swap3A_580], %swap3A_583 {strides = array<i32>} : memref<128x128xf32, #tpu.memory_space<vmem>>, vector<1x16xf32>,
      %swap3A_584 = arith.index_cast %add3A_578 : i32 to index
      %swap3A_585 = arith.constant 16 : index
      %swap3A_586 = tpu.vector_load %arg10[%swap3A_584, %swap3A_585] {strides = array<i32>} : memref<128x128xf32, #tpu.memory_space<vmem>>, vector<1x16xf32>,
      %swap3A_587 = vector.shape_cast %swap3A_586 : vector<1x16xf32> to vector<16xf32>
      %swap3A_588 = vector.shape_cast %scan3A_573#1 : vector<16xf32> to vector<1x16xf32>
      tpu.vector_store %arg10[%swap3A_584, %swap3A_585], %swap3A_588 {strides = array<i32>} : memref<128x128xf32, #tpu.memory_space<vmem>>, vector<1x16xf32>,
      %swap3A_589 = arith.index_cast %add3A_578 : i32 to index
      %swap3A_590 = arith.constant 32 : index
      %swap3A_591 = tpu.vector_load %arg10[%swap3A_589, %swap3A_590] {strides = array<i32>} : memref<128x128xf32, #tpu.memory_space<vmem>>, vector<1x16xf32>,
      %swap3A_592 = vector.shape_cast %swap3A_591 : vector<1x16xf32> to vector<16xf32>
      %swap3A_593 = vector.shape_cast %scan3A_573#2 : vector<16xf32> to vector<1x16xf32>
      tpu.vector_store %arg10[%swap3A_589, %swap3A_590], %swap3A_593 {strides = array<i32>} : memref<128x128xf32, #tpu.memory_space<vmem>>, vector<1x16xf32>,
      %swap3A_594 = arith.index_cast %add3A_578 : i32 to index
      %swap3A_595 = arith.constant 48 : index
      %swap3A_596 = tpu.vector_load %arg10[%swap3A_594, %swap3A_595] {strides = array<i32>} : memref<128x128xf32, #tpu.memory_space<vmem>>, vector<1x16xf32>,
      %swap3A_597 = vector.shape_cast %swap3A_596 : vector<1x16xf32> to vector<16xf32>
      %swap3A_598 = vector.shape_cast %scan3A_573#3 : vector<16xf32> to vector<1x16xf32>
      tpu.vector_store %arg10[%swap3A_594, %swap3A_595], %swap3A_598 {strides = array<i32>} : memref<128x128xf32, #tpu.memory_space<vmem>>, vector<1x16xf32>,
      %swap3A_599 = arith.index_cast %add3A_578 : i32 to index
      %swap3A_600 = arith.constant 64 : index
      %swap3A_601 = tpu.vector_load %arg10[%swap3A_599, %swap3A_600] {strides = array<i32>} : memref<128x128xf32, #tpu.memory_space<vmem>>, vector<1x16xf32>,
      %swap3A_602 = vector.shape_cast %swap3A_601 : vector<1x16xf32> to vector<16xf32>
      %swap3A_603 = vector.shape_cast %scan3A_573#4 : vector<16xf32> to vector<1x16xf32>
      tpu.vector_store %arg10[%swap3A_599, %swap3A_600], %swap3A_603 {strides = array<i32>} : memref<128x128xf32, #tpu.memory_space<vmem>>, vector<1x16xf32>,
      %swap3A_604 = arith.index_cast %add3A_578 : i32 to index
      %swap3A_605 = arith.constant 80 : index
      %swap3A_606 = tpu.vector_load %arg10[%swap3A_604, %swap3A_605] {strides = array<i32>} : memref<128x128xf32, #tpu.memory_space<vmem>>, vector<1x16xf32>,
      %swap3A_607 = vector.shape_cast %swap3A_606 : vector<1x16xf32> to vector<16xf32>
      %swap3A_608 = vector.shape_cast %scan3A_573#5 : vector<16xf32> to vector<1x16xf32>
      tpu.vector_store %arg10[%swap3A_604, %swap3A_605], %swap3A_608 {strides = array<i32>} : memref<128x128xf32, #tpu.memory_space<vmem>>, vector<1x16xf32>,
      %swap3A_609 = arith.index_cast %add3A_578 : i32 to index
      %swap3A_610 = arith.constant 96 : index
      %swap3A_611 = tpu.vector_load %arg10[%swap3A_609, %swap3A_610] {strides = array<i32>} : memref<128x128xf32, #tpu.memory_space<vmem>>, vector<1x16xf32>,
      %swap3A_612 = vector.shape_cast %swap3A_611 : vector<1x16xf32> to vector<16xf32>
      %swap3A_613 = vector.shape_cast %scan3A_573#6 : vector<16xf32> to vector<1x16xf32>
      tpu.vector_store %arg10[%swap3A_609, %swap3A_610], %swap3A_613 {strides = array<i32>} : memref<128x128xf32, #tpu.memory_space<vmem>>, vector<1x16xf32>,
      %swap3A_614 = arith.index_cast %add3A_578 : i32 to index
      %swap3A_615 = arith.constant 112 : index
      %swap3A_616 = tpu.vector_load %arg10[%swap3A_614, %swap3A_615] {strides = array<i32>} : memref<128x128xf32, #tpu.memory_space<vmem>>, vector<1x16xf32>,
      %swap3A_617 = vector.shape_cast %swap3A_616 : vector<1x16xf32> to vector<16xf32>
      %swap3A_618 = vector.shape_cast %scan3A_573#7 : vector<16xf32> to vector<1x16xf32>
      tpu.vector_store %arg10[%swap3A_614, %swap3A_615], %swap3A_618 {strides = array<i32>} : memref<128x128xf32, #tpu.memory_space<vmem>>, vector<1x16xf32>,
    }
    %scan3A_23 = arith.constant 16 : i32
    %mul3A = arith.constant 16 : i32
    %mul3A_24 = arith.muli %arg0, %mul3A : i32
    %add3A = arith.addi %mul3A_24, %arg1 : i32
    %mul3A_25 = arith.constant 128 : i32
    %mul3A_26 = arith.muli %add3A, %mul3A_25 : i32
    "tpu.region"() ({
      %run_scoped3A = tpu.sem_alloc : memref<!tpu.dma_semaphore, #tpu.memory_space<semaphore_mem>>
      %dma_start3A_27 = arith.constant 0 : i32
      %dma_start3A_28 = tpu.memref_slice %arg4[%mul3A_26, %dma_start3A_27] : memref<4096x128xf32, #tpu.memory_space<hbm>> -> memref<128x128xf32, #tpu.memory_space<hbm>>
      %dma_start3A_29 = arith.constant 0 : i32
      %dma_start3A_30 = tpu.memref_slice %arg4[%mul3A_26, %dma_start3A_29] : memref<4096x128xf32, #tpu.memory_space<hbm>> -> memref<128x128xf32, #tpu.memory_space<hbm>>
      tpu.enqueue_dma source(%arg10 : memref<128x128xf32, #tpu.memory_space<vmem>>) target(%dma_start3A_30 : memref<128x128xf32, #tpu.memory_space<hbm>>) target_semaphore(%run_scoped3A : memref<!tpu.dma_semaphore, #tpu.memory_space<semaphore_mem>>)
      %dma_wait3A = arith.constant 0 : i32
      %dma_wait3A_31 = tpu.memref_slice %arg4[%mul3A_26, %dma_wait3A] : memref<4096x128xf32, #tpu.memory_space<hbm>> -> memref<128x128xf32, #tpu.memory_space<hbm>>
      %dma_wait3A_32 = arith.constant 0 : i32
      %dma_wait3A_33 = tpu.memref_slice %arg4[%mul3A_26, %dma_wait3A_32] : memref<4096x128xf32, #tpu.memory_space<hbm>> -> memref<128x128xf32, #tpu.memory_space<hbm>>
      tpu.wait_dma2 semaphore(%run_scoped3A : memref<!tpu.dma_semaphore, #tpu.memory_space<semaphore_mem>>) src(%arg10 : memref<128x128xf32, #tpu.memory_space<vmem>>) dst(%dma_wait3A_33 : memref<128x128xf32, #tpu.memory_space<hbm>>)
      tpu.yield
    }) : () -> ()
    return
  }
}

module attributes {stable_mosaic.version = 14 : i64} {
  func.func @_head_body(%arg0: i32, %arg1: memref<2048x128xf32, #tpu.memory_space<vmem>>, %arg2: memref<1000x128xf32, #tpu.memory_space<vmem>>, %arg3: memref<1000x1xf32, #tpu.memory_space<vmem>>, %arg4: memref<1000x2048xf32, #tpu.memory_space<vmem>>) attributes {dimension_semantics = [#tpu.dimension_semantics<arbitrary>], iteration_bounds = array<i64: 2>, scalar_prefetch = 0 : i64, scratch_operands = 0 : i64, tpu.core_type = #tpu.core_type<tc>, window_params = [{transform_indices = @transform_0, window_bounds = array<i64: 2048, 128>}, {pipeline_mode = #tpu.pipeline_mode<synchronous>, transform_indices = @transform_1, window_bounds = array<i64: 1000, 128>}, {pipeline_mode = #tpu.pipeline_mode<synchronous>, transform_indices = @transform_2, window_bounds = array<i64: 1000, 1>}, {transform_indices = @transform_3, window_bounds = array<i64: 1000, 2048>}]} {
    %get3A = arith.constant 0 : index
    %get3A_0 = arith.constant 0 : index
    %get3A_1 = vector.load %arg1[%get3A, %get3A_0] : memref<2048x128xf32, #tpu.memory_space<vmem>>, vector<2048x128xf32>
    %mul3A = arith.constant 2.000000e-02 : f32
    %mul3A_2 = vector.broadcast %mul3A : f32 to vector<2048x128xf32>
    %mul3A_3 = arith.mulf %get3A_1, %mul3A_2 : vector<2048x128xf32>
    %get3A_4 = arith.constant 0 : index
    %get3A_5 = arith.constant 0 : index
    %get3A_6 = vector.load %arg2[%get3A_4, %get3A_5] : memref<1000x128xf32, #tpu.memory_space<vmem>>, vector<1000x128xf32>
    %dot_general3A = arith.constant dense<0.000000e+00> : vector<1000x2048xf32>
    %dot_general3A_7 = tpu.matmul %get3A_6, %mul3A_3, %dot_general3A {dimension_numbers = #tpu.dot_dimension_numbers<[1], [1], [0], [0], [0, 0, 1, 0], [], []>, transpose_lhs_hint = false} : vector<1000x128xf32>, vector<2048x128xf32>, vector<1000x2048xf32> -> vector<1000x2048xf32>
    %get3A_8 = arith.constant 0 : index
    %get3A_9 = arith.constant 0 : index
    %get3A_10 = vector.load %arg3[%get3A_8, %get3A_9] : memref<1000x1xf32, #tpu.memory_space<vmem>>, vector<1000x1xf32>
    %add3A = vector.broadcast %get3A_10 : vector<1000x1xf32> to vector<1000x2048xf32>
    %add3A_11 = arith.addf %dot_general3A_7, %add3A : vector<1000x2048xf32>
    %swap3A = arith.constant 0 : index
    %swap3A_12 = arith.constant 0 : index
    %swap3A_13 = vector.load %arg4[%swap3A, %swap3A_12] : memref<1000x2048xf32, #tpu.memory_space<vmem>>, vector<1000x2048xf32>
    tpu.vector_store %arg4[%swap3A, %swap3A_12], %add3A_11 {strides = array<i32>} : memref<1000x2048xf32, #tpu.memory_space<vmem>>, vector<1000x2048xf32>,
    return
  }
  func.func @transform_0(%arg0: i32) -> (i32, i32) {
    %c0_i32 = arith.constant 0 : i32
    %c0_i32_0 = arith.constant 0 : i32
    return %arg0, %c0_i32 : i32, i32
  }
  func.func @transform_1(%arg0: i32) -> (i32, i32) {
    %c0_i32 = arith.constant 0 : i32
    %c0_i32_0 = arith.constant 0 : i32
    %c0_i32_1 = arith.constant 0 : i32
    return %c0_i32, %c0_i32_0 : i32, i32
  }
  func.func @transform_2(%arg0: i32) -> (i32, i32) {
    %c0_i32 = arith.constant 0 : i32
    %c0_i32_0 = arith.constant 0 : i32
    %c0_i32_1 = arith.constant 0 : i32
    return %c0_i32, %c0_i32_0 : i32, i32
  }
  func.func @transform_3(%arg0: i32) -> (i32, i32) {
    %c0_i32 = arith.constant 0 : i32
    %c0_i32_0 = arith.constant 0 : i32
    return %c0_i32, %arg0 : i32, i32
  }
}

</mosaic_0001>

<sc_bundles>
// kernel: kernel.4.cloned.1.call-start
scs
__scs_entry_jumppad:
0x0: {  	(pc) =	sbr.rel $0x88, $3  }
0x1: {  	(tag) =	ssettag $0x0;
	lr =	simm.s32 $0x1  }
0x2: {  	[smem:$0x3F9D] =	sst lr;
	_ =	strace $0xD0000000  }
0x3: {  	_ = 	snop  }
0x4: {  	_ = 	snop  }
0x5: {  	_ = 	snop  }
0x6: {  	_ = 	snop  }
0x7: {  	_ = 	snop  }
__scs_overlays_trampoline_lowered:
0x8: {  	[smem:$0x3FAC] =	sst s0  }
0x9: {  	[smem:$0x3FAD] =	sst s1  }
0xa: {  	[smem:$0x3FAE] =	sst s2  }
0xb: {  	[smem:$0x3FAF] =	sst s3  }
0xc: {  	[smem:$0x3FB0] =	sst s4  }
0xd: {  	[smem:$0x3FB1] =	sst s5  }
0xe: {  	[smem:$0x3FB2] =	sst s6  }
0xf: {  	[smem:$0x3FB3] =	sst s7  }
0x10: {  	[smem:$0x3FB4] =	sst s8  }
0x11: {  	[smem:$0x3FB5] =	sst s9;
	s0 =	simm.s32 @!p0 $0x0  }
0x12: {  	s1 =	sld [smem:$0x3F9B];
	s0 =	simm.s32 @p0 $0x1  }
0x13: {  	[smem:$0x3FB6] =	sst s0;
	s0 =	simm.s32 @!p1 $0x0  }
0x14: {  	s2 =	sld [smem:$0x3F9A];
	s0 =	simm.s32 @p1 $0x1  }
0x15: {  	[smem:$0x3FB7] =	sst s0;
	s0 =	simm.s32 @!p2 $0x0  }
0x16: {  	s3 =	sld [smem:$0x3FDB];
	s0 =	simm.s32 @p2 $0x1  }
0x17: {  	s4 =	simm.s32 $0x1BF5;
	[smem:$0x3FB9] =	sst s0  }
0x18: {  	s0 =	sld [smem:$0x3F9C];
	_ =	swait.ge [sflag:s4], $0x0  }
0x19: {  	s7 =	sld [smem:$0x3F9D]  }
0x1a: {  	s8 =	sadd.s32 $0xFFFFE003, lr  }
0x1b: {  	s9 =	sadd.s32 $0xFFFFFEF7, lr;
	s5 =	simm.s32 $0xFFFFFFFF;
	p2 =	slt.u32 s8, $0xFFFFF086  }
0x1c: {  	p1 =	slt.u32 s9, $0xF7A;
	s5 =	simm.s32 @!p2 $0x0  }
0x1d: {  	s5 =	simm.s32 @p1 $0x1;
	p0 =	seq.s32 s7, s2  }
0x1e: {  	s7 =	smul.u32 @!p0 $0xF7A, s2;
	p2 =	seq.s32 @!p0 s5, $0x0  }
0x1f: {  	s9 =	smul.u32 $0xF7A, s1;
	s8 =	simm.s32 @!p0 $0x1BF5;
	p2 =	por !p2, p0  }
0x20: {  	[sflag:s8] =	ssyncset.s32 @!p0 $0xFFFFF086;
	s6 =	sadd.s32 @!p0 s3, s7;
	s7 =	simm.s32 @!p0 $0x108  }
0x21: {  	s3 =	sadd.s32 s3, s9;
	s6 =	sadd.s32 @!p0 $0x88, s6;
	s7 =	simm.s32 @p2 $0x1082  }
0x22: {  	[simem:s7], [sflag:s8] =	dma.local @!p0 [hbm:s6], $0xF7A  }
0x23: {  	s9 =	sor.u32 $0xD0000000, s2;
	s6 =	simm.s32 $0x108;
	_ =	swait.ge @!p0 [sflag:s8], $0x0  }
0x24: {  	s3 =	sadd.s32 $0x88, s3;
	s6 =	simm.s32 @!p1 $0x1082;
	[sflag:s4] =	ssyncset.s32 $0xFFFFF086  }
0x25: {  	[simem:s6], [sflag:s4] =	dma.local [hbm:s3], $0xF7A  }
0x26: {  	[smem:$0x3F9D] =	sst s1;
	(tag) =	ssettag s2;
	_ =	strace s9  }
0x27: {  	s1 =	sld [smem:$0x3FAD]  }
0x28: {  	s2 =	sld [smem:$0x3FAE]  }
0x29: {  	s4 =	sld [smem:$0x3FB0]  }
0x2a: {  	p0 =	seq.s32 s5, $0x0;
	s5 =	sld [smem:$0x3FB1]  }
0x2b: {  	s6 =	sld [smem:$0x3FB2]  }
0x2c: {  	s7 =	sld [smem:$0x3FB3]  }
0x2d: {  	s3 =	simm.s32 $0x108;
	s8 =	sld [smem:$0x3FB4]  }
0x2e: {  	s3 =	simm.s32 @!p0 $0x1082;
	s9 =	sld [smem:$0x3FB5]  }
0x2f: {  	lr =	sadd.s32 s0, s3;
	s0 =	sld [smem:$0x3FAC]  }
0x30: {  	s3 =	sld [smem:$0x3FAF]  }
0x31: {  	[smem:$0x3FB8] =	sst s10  }
0x32: {  	s10 =	sld [smem:$0x3FB6];
	_ =	sdelay $0x3  }
0x33: {  	p0 =	seq.s32 s10, $0x1;
	s10 =	sld [smem:$0x3FB8];
	_ =	sdelay $0x3  }
0x34: {  	[smem:$0x3FB8] =	sst s10  }
0x35: {  	s10 =	sld [smem:$0x3FB7];
	_ =	sdelay $0x3  }
0x36: {  	p1 =	seq.s32 s10, $0x1;
	s10 =	sld [smem:$0x3FB8];
	_ =	sdelay $0x3  }
0x37: {  	[smem:$0x3FB8] =	sst s10  }
0x38: {  	s10 =	sld [smem:$0x3FB9]  }
0x39: {  	_ = 	snop;
	(pc) =	sbr.ind lr, $3  }
0x3a: {  	_ = 	snop  }
0x3b: {  	_ = 	snop  }
0x3c: {  	p2 =	seq.s32 s10, $0x1;
	s10 =	sld [smem:$0x3FB8]  }
0x3d: {  	_ =	shalt  }
0x3e: {  	_ =	shalt  }
0x3f: {  	_ =	shalt  }
0x40: {  	_ =	shalt  }
0x41: {  	_ =	shalt  }
0x42: {  	_ =	shalt  }
0x43: {  	_ =	shalt  }
0x44: {  	_ =	shalt  }
0x45: {  	_ =	shalt  }
0x46: {  	_ =	shalt  }
0x47: {  	_ =	shalt  }
0x48: {  	_ =	shalt  }
0x49: {  	_ =	shalt  }
0x4a: {  	_ =	shalt  }
0x4b: {  	_ =	shalt  }
0x4c: {  	_ =	shalt  }
0x4d: {  	_ =	shalt  }
0x4e: {  	_ =	shalt  }
0x4f: {  	_ =	shalt  }
0x50: {  	_ =	shalt  }
0x51: {  	_ =	shalt  }
0x52: {  	_ =	shalt  }
0x53: {  	_ =	shalt  }
0x54: {  	_ =	shalt  }
0x55: {  	_ =	shalt  }
0x56: {  	_ =	shalt  }
0x57: {  	_ =	shalt  }
0x58: {  	_ =	shalt  }
0x59: {  	_ =	shalt  }
0x5a: {  	_ =	shalt  }
0x5b: {  	_ =	shalt  }
0x5c: {  	_ =	shalt  }
0x5d: {  	_ =	shalt  }
0x5e: {  	_ =	shalt  }
0x5f: {  	_ =	shalt  }
0x60: {  	_ =	shalt  }
0x61: {  	_ =	shalt  }
0x62: {  	_ =	shalt  }
0x63: {  	_ =	shalt  }
0x64: {  	_ =	shalt  }
0x65: {  	_ =	shalt  }
0x66: {  	_ =	shalt  }
0x67: {  	_ =	shalt  }
0x68: {  	_ =	shalt  }
0x69: {  	_ =	shalt  }
0x6a: {  	_ =	shalt  }
0x6b: {  	_ =	shalt  }
0x6c: {  	_ =	shalt  }
0x6d: {  	_ =	shalt  }
0x6e: {  	_ =	shalt  }
0x6f: {  	_ =	shalt  }
0x70: {  	_ =	shalt  }
0x71: {  	_ =	shalt  }
0x72: {  	_ =	shalt  }
0x73: {  	_ =	shalt  }
0x74: {  	_ =	shalt  }
0x75: {  	_ =	shalt  }
0x76: {  	_ =	shalt  }
0x77: {  	_ =	shalt  }
0x78: {  	_ =	shalt  }
0x79: {  	_ =	shalt  }
0x7a: {  	_ =	shalt  }
0x7b: {  	_ =	shalt  }
0x7c: {  	_ =	shalt  }
0x7d: {  	_ =	shalt  }
0x7e: {  	_ =	shalt  }
0x7f: {  	_ =	shalt  }
0x80: {  	_ =	shalt  }
0x81: {  	_ =	shalt  }
0x82: {  	_ =	shalt  }
0x83: {  	_ =	shalt  }
0x84: {  	_ =	shalt  }
0x85: {  	_ =	shalt  }
0x86: {  	_ =	shalt  }
0x87: {  	_ =	shalt  }
.Lfunc_end0:
.L_simem_size_0:
called_computation_lowered:
.L_overlay_start_0:
0x88: {  	s2 =	sld [smem:$0x3FD9]  }
0x89: {  	s3 =	sld [smem:$0x3FFE];
	_ =	sdelay $0x1  }
0x8a: {  	s1 =	srdreg.scid  }
0x8b: {  	s0 =	sand.u32 $0x1, s1  }
0x8c: {  	s17 =	sshll.u32 s0, $0xA;
	s2 =	sadd.s32 s3, s2  }
0x8d: {  	s2 =	sadd.s32 s2, s17  }
0x8e: {  	[smem:$0x3FC4] =	sst s2  }
0x8f: {  	_ = 	snop  }
0x90: {  	s2 =	sld [smem:$0x3FC8]  }
0x91: {  	s18 =	sld [smem:$0x3FD0];
	(tm) =	ssettm $0x1  }
0x92: {  	s4 =	sld [smem:$0x3FFB];
	_ =	sdelay $0x3  }
0x93: {  	_ =	strace s4  }
0x94: {  	s4 =	sld [smem:$0x3FFC];
	_ =	sdelay $0x3  }
0x95: {  	_ =	strace s4  }
0x96: {  	s4 =	sld [smem:$0x3FFD];
	_ =	sdelay $0x3  }
0x97: {  	_ =	strace s4  }
0x98: {  	_ =	strace $0x8FFFFFFF  }
0x99: {  	s19 =	sld [smem:$0x3FDB];
	_ =	sdelay $0x1  }
0x9a: {  	s5 =	simm.s32 $_scs_section_size  }
0x9b: {  	s6 =	simm.s32 $_size__tile_overlayer_lowered;
	s7 =	simm.s32 $_tile_overlayer_lowered  }
0x9c: {  	s22 =	simm.s32 $0x1BFF;
	s21 =	sshll.u32 s7, $0x1;
	s4 =	sadd.s32 s5, s19  }
0x9d: {  	s8 =	simm.s32 $0x0;
	s20 =	sshll.u32 s6, $0x1;
	s6 =	sadd.s32 s21, s4  }
0x9e: {  	[timem:s8], [sflag:s22] =	dma.local [hbm:s6], s20  }
0x9f: {  	_ =	swait.ge [sflag:s22], s20  }
0xa0: {  	s5 =	ssub.s32 $0x0, s20;
	[sflag:s22] =	ssyncset.done $0x0  }
0xa1: {  	[sflag:s22] =	ssyncadd.s32 s5;
	_ =	sdelay $0x1  }
0xa2: {  	s23 =	simm.s32 $0x1B8B  }
0xa3: {  	_ =	swait.ge [sflag:s23], $0x1  }
0xa4: {  	[sflag:s23] =	ssyncset.done $0x0  }
0xa5: {  	s25 =	simm.s32 $0x1B8E;
	s24 =	sld [smem:$0x3FFE];
	[sflag:s23] =	ssyncadd.s32 $0xFFFFFFFF  }
0xa6: {  	s26 =	simm.s32 $execute0_lowered;
	[smem:$0x3FD2] =	sst s25  }
0xa7: {  	s6 =	sshll.u32 s26, $0x1;
	_ =	strace $0x80000046;
	[dreg:$0x1] =	wrdreg $0xFFFFFFFF  }
0xa8: {  	s28 =	simm.s32 $_size_execute0_lowered;
	s4 =	sadd.s32 s4, s6;
	[dreg:$0x0] =	wrdreg $0x0  }
0xa9: {  	s6 =	sshll.u32 s28, $0x1;
	[dreg:$0x2] =	wrdreg s4  }
0xaa: {  	[dreg:$0x3] =	wrdreg s6  }
0xab: {  	[dreg:$0x4] =	wrdreg $0xC0  }
0xac: {  	_ =	task [dreg:s8], $0x5FFFF  }
0xad: {  	[dreg:$0x1] =	wrdreg $0xFFFFFFFF  }
0xae: {  	[dreg:$0x0] =	wrdreg $0x60  }
0xaf: {  	[dreg:$0x2] =	wrdreg s24  }
0xb0: {  	[dreg:$0x3] =	wrdreg s2  }
0xb1: {  	[dreg:$0x4] =	wrdreg s18  }
0xb2: {  	[dreg:$0x5] =	wrdreg $0x9  }
0xb3: {  	_ =	task.clear_ibuf [dreg:s8], $0x6FFFF;
	_ =	strace $0x90000046  }
0xb4: {  	s29 =	simm.s32 $0x9;
	_ =	strace $0x80000048  }
0xb5: {  	_ =	swait.ge [sflag:s29], $0x1  }
0xb6: {  	[sflag:s29] =	ssyncadd.s32 $0xFFFFFFFF  }
0xb7: {  	_ =	strace $0x90000048  }
0xb8: {  	_ =	sfence  }
0xb9: {  	s30 =	sld [smem:$0x0];
	_ =	sdelay $0x2  }
0xba: {  	s31 =	sshll.u32 s1, $0xD;
	s1 =	sshrl.u32 s1, $0x2  }
0xbb: {  	s3 =	sand.u32 $0x4000, s31;
	s1 =	sadd.s32 s1, s30  }
0xbc: {  	s0 =	sor.u32 s3, s0;
	s1 =	sshll.u32 s1, $0x11  }
0xbd: {  	s0 =	sor.u32 s1, s0  }
0xbe: {  	s0 =	sadd.s32 $0x8F2B, s0  }
0xbf: {  	[sflag:s0] =	ssyncadd.remote.s32 $0x1  }
0xc0: {  	_ =	sfence.sel $0xFFFF  }
0xc1: {  	[dreg:$0x0] =	wrdreg $0xFFFFFFFF;
	(pc) =	sbr.abs _section_cstart, $3  }
0xc2: {  	[dreg:$0x1] =	wrdreg $0xFFFFFFFF  }
0xc3: {  	_ =	task.clear_ibuf [dreg:s8], $0x2FFFF;
	_ =	strace $0x9FFFFFFF  }
0xc4: {  	(tm) =	ssettm $0x7FFFFFFF  }
0xc5: {  	_ =	shalt  }
tec
execute0_lowered:
.L_overlay_start_1:
0x0: {  	(tag) =	ssettag $0x1  }
0x1: {  	s4 =	rddreg [dreg:$0x0]  }
0x2: {  	s2 =	rddreg [dreg:$0x1]  }
0x3: {  	s5 =	rddreg [dreg:$0x2]  }
0x4: {  	s0 =	rddreg [dreg:$0x3]  }
0x5: {  	s3 =	simm.s32 $0x0;
	s1 =	stileid.u32;
	s6 =	srdreg.scid  }
0x6: {  	s11 =	simm.s32 $0x5400;
	s12 =	simm.s32 $0x100;
	s13 =	simm.s32 $0x8800  }
0x7: {  	s14 =	simm.s32 $0x1;
	s15 =	simm.s32 $0xBC00;
	s16 =	simm.s32 $0x2  }
0x8: {  	s17 =	simm.s32 $0x3;
	s18 =	simm.s32 $0x4;
	s19 =	simm.s32 $0xF000  }
0x9: {  	s20 =	simm.s32 $0x0;
	[smem:$0x7FF] =	sst s3;
	s7 =	sshll.u32 s1, $0xA  }
0xa: {  	s6 =	sand.u32 $0x1, s6;
	s10 =	sshll.u32 s1, $0xB;
	_ =	strace $0x80000047  }
0xb: {  	s4 =	sadd.s32 s7, s4;
	s31 =	ssub.s32 $0x2, s6;
	s9 =	sshll.u32 s6, $0xE  }
0xc: {  	s6 =	sshll.u32 s6, $0xF;
	s5 =	sadd.s32 s5, s10;
	s10 =	simm.s32 $0x80  }
0xd: {  	s8 =	sshrl.u32 s31, $0x1;
	s4 =	sadd.s32 s9, s4;
	s5 =	sadd.s32 s6, s5  }
0xe: {  	s9 =	simm.s32 $0x2000;
	s7 =	ssub.s32 s31, s8;
	s4 =	sadd.s32 $0xA00, s4  }
0xf: {  	s8 =	simm.s32 $0x64;
	s6 =	smax.u32 s7, $0x1;
	s7 =	simm.s32 $0x5  }
.LBB2_1:
0x10: {  	[tilespmem:s3], [sflag:$0x5] =	stream.linear.gather [hbm4b:s4+s3], $0x2000, $0x38;
	[tilespmem:$0x13000] =	vst v63  }
0x11: {  	_ =	swait.ge [sflag:s7], $0x2000  }
0x12: {  	[sflag:s7] =	ssyncset.done $0x0  }
0x13: {  	[sflag:s7] =	ssyncadd.s32 $0xFFFFE000  }
0x14: {  	[tilespmem:s9], [sflag:$0x1] =	stream.indirect.gather [hbm4b:s2+s8], $0x80, s3, s8, $0xb8;
	[tilespmem:$0x13000] =	vst v63  }
0x15: {  	_ = 	snop  }
0x16: {  	[tilespmem:s11], [sflag:$0x2] =	stream.indirect.gather [hbm4b:s2+s8], $0x80, s10, s8, $0xb8;
	[tilespmem:$0x13000] =	vst v63  }
0x17: {  	s21 =	simm.s32 $0x0  }
0x18: {  	[tilespmem:s13], [sflag:$0x3] =	stream.indirect.gather [hbm4b:s2+s8], $0x80, s12, s8, $0xb8;
	[tilespmem:$0x13000] =	vst v63  }
.LBB2_2:
0x19: {  	_ =	swait.ge [sflag:s14], $0x3200;
	s22 =	sshllo.u32 s21, $0x2  }
0x1a: {  	[sflag:s14] =	ssyncset.done $0x0;
	s23 =	sshll.u32 s22, $0x7  }
0x1b: {  	[sflag:s14] =	ssyncadd.s32 $0xFFFFCE00;
	s23 =	sand.u32 $0x3FFFFF80, s23  }
0x1c: {  	[tilespmem:s15], [sflag:$0x4] =	stream.indirect.gather [hbm4b:s2+s8], $0x80, s23, s8, $0xb8;
	[tilespmem:$0x13000] =	vst v63  }
0x1d: {  	s23 =	simm.s32 $0x0  }
0x1e: {  	v4 =	vld [tilespmem:s23+$0x2200]  }
0x1f: {  	v5 =	vld [tilespmem:s23+$0x2210]  }
0x20: {  	v6 =	vld [tilespmem:s23+$0x2220]  }
0x21: {  	v7 =	vld [tilespmem:s23+$0x2230]  }
0x22: {  	v0 =	vld [tilespmem:s23+$0x2240]  }
0x23: {  	v1 =	vld [tilespmem:s23+$0x2250]  }
0x24: {  	v10 =	vld [tilespmem:s23+$0x2180]  }
0x25: {  	v13 =	vld [tilespmem:s23+$0x2190]  }
0x26: {  	v9 =	vld [tilespmem:s23+$0x21A0]  }
0x27: {  	v11 =	vld [tilespmem:s23+$0x21B0]  }
0x28: {  	v3 =	vld [tilespmem:s23+$0x21C0]  }
0x29: {  	v2 =	vld [tilespmem:s23+$0x21D0]  }
0x2a: {  	v12 =	vld [tilespmem:s23+$0x2100]  }
0x2b: {  	v14 =	vld [tilespmem:s23+$0x2110]  }
0x2c: {  	v16 =	vld [tilespmem:s23+$0x2120]  }
0x2d: {  	v19 =	vld [tilespmem:s23+$0x2080]  }
0x2e: {  	v20 =	vld [tilespmem:s23+$0x2090]  }
0x2f: {  	v17 =	vld [tilespmem:s23+$0x2000]  }
0x30: {  	v18 =	vld [tilespmem:s23+$0x2010]  }
0x31: {  	v21 =	vld [tilespmem:s23+$0x2020]  }
0x32: {  	v22 =	vld [tilespmem:s23+$0x2030]  }
0x33: {  	v23 =	vld [tilespmem:s23+$0x20A0]  }
0x34: {  	v24 =	vld [tilespmem:s23+$0x20B0]  }
0x35: {  	v8 =	vimm.f32 $0.0e+00;
	v26 =	vld [tilespmem:s23+$0x2130]  }
0x36: {  	v15 =	vld [tilespmem:s23+$0x2140];
	v25 =	vadd.f32 v17, v8;
	v27 =	vadd.f32 v18, v8  }
0x37: {  	v17 =	vld [tilespmem:s23+$0x2150];
	v21 =	vadd.f32 v21, v8;
	v22 =	vadd.f32 v22, v8  }
0x38: {  	v18 =	vld [tilespmem:s23+$0x20C0];
	v25 =	vadd.f32 v19, v25;
	v27 =	vadd.f32 v20, v27  }
0x39: {  	v19 =	vld [tilespmem:s23+$0x20D0];
	v28 =	vadd.f32 v23, v21;
	v22 =	vadd.f32 v24, v22  }
0x3a: {  	v20 =	vld [tilespmem:s23+$0x2040];
	v23 =	vadd.f32 v12, v25;
	v24 =	vadd.f32 v14, v27  }
0x3b: {  	v21 =	vld [tilespmem:s23+$0x2050];
	v25 =	vadd.f32 v16, v28;
	v26 =	vadd.f32 v26, v22  }
0x3c: {  	s24 =	simm.s32 $0xA00;
	v22 =	vld [tilespmem:s23+$0x2060];
	v16 =	vimm.f32 $0.0e+00;
	v14 =	vimm.f32 $0.0e+00;
	v12 =	vimm.f32 $0.0e+00  }
.LBB2_3:
0x3d: {  	p0 =	sne.s32 s24, $0x5A00;
	v27 =	vld [tilespmem:s23+$0x2070];
	v10 =	vadd.f32 v10, v23;
	v13 =	vadd.f32 v13, v24  }
0x3e: {  	v23 =	vld [tilespmem:s23+$0x20E0];
	v9 =	vadd.f32 v9, v25;
	v11 =	vadd.f32 v11, v26  }
0x3f: {  	v24 =	vld [tilespmem:s23+$0x20F0];
	v25 =	vadd.f32 v4, v10;
	v26 =	vadd.f32 v5, v13  }
0x40: {  	v5 =	vld [tilespmem:s23+$0x2160];
	v28 =	vadd.f32 v6, v9;
	v29 =	vadd.f32 v7, v11  }
0x41: {  	v4 =	vadd.f32 v20, v8;
	v6 =	vadd.f32 v21, v16;
	v7 =	vld [tilespmem:s23+$0x2170]  }
0x42: {  	v8 =	vadd.f32 v22, v14;
	v9 =	vadd.f32 v27, v12;
	v10 =	vld [tilespmem:s23+$0x21E0]  }
0x43: {  	v4 =	vadd.f32 v18, v4;
	v6 =	vadd.f32 v19, v6;
	v11 =	vld [tilespmem:s23+$0x21F0]  }
0x44: {  	v8 =	vadd.f32 v23, v8;
	v9 =	vadd.f32 v24, v9;
	v12 =	vld [tilespmem:s23+$0x2260]  }
0x45: {  	v13 =	vadd.f32 v15, v4;
	v6 =	vadd.f32 v17, v6;
	v15 =	vld [tilespmem:s23+$0x2270];
	s23 =	sshra.s32 s24, $0x2  }
0x46: {  	v8 =	vadd.f32 v5, v8;
	v4 =	vld [tilespmem:s23+$0x2200];
	v7 =	vadd.f32 v7, v9  }
0x47: {  	v3 =	vadd.f32 v3, v13;
	v2 =	vadd.f32 v2, v6;
	v5 =	vld [tilespmem:s23+$0x2210]  }
0x48: {  	v9 =	vadd.f32 v10, v8;
	v6 =	vld [tilespmem:s23+$0x2220];
	v10 =	vadd.f32 v11, v7  }
0x49: {  	v8 =	vadd.f32 v0, v3;
	v16 =	vadd.f32 v1, v2;
	v7 =	vld [tilespmem:s23+$0x2230]  }
0x4a: {  	v14 =	vadd.f32 v12, v9;
	v0 =	vld [tilespmem:s23+$0x2240];
	v12 =	vadd.f32 v15, v10  }
0x4b: {  	v1 =	vld [tilespmem:s23+$0x2250]  }
0x4c: {  	v10 =	vld [tilespmem:s23+$0x2180]  }
0x4d: {  	v13 =	vld [tilespmem:s23+$0x2190]  }
0x4e: {  	v9 =	vld [tilespmem:s23+$0x21A0]  }
0x4f: {  	v11 =	vld [tilespmem:s23+$0x21B0]  }
0x50: {  	v3 =	vld [tilespmem:s23+$0x21C0]  }
0x51: {  	v2 =	vld [tilespmem:s23+$0x21D0]  }
0x52: {  	v22 =	vld [tilespmem:s23+$0x2100]  }
0x53: {  	v24 =	vld [tilespmem:s23+$0x2110]  }
0x54: {  	v27 =	vld [tilespmem:s23+$0x2120]  }
0x55: {  	v30 =	vld [tilespmem:s23+$0x2130]  }
0x56: {  	v19 =	vld [tilespmem:s23+$0x2080]  }
0x57: {  	v20 =	vld [tilespmem:s23+$0x2090]  }
0x58: {  	v17 =	vld [tilespmem:s23+$0x2000]  }
0x59: {  	v18 =	vld [tilespmem:s23+$0x2010]  }
0x5a: {  	v21 =	vld [tilespmem:s23+$0x2020]  }
0x5b: {  	v23 =	vld [tilespmem:s23+$0x2030]  }
0x5c: {  	v31 =	vld [tilespmem:s23+$0x20A0]  }
0x5d: {  	v32 =	vld [tilespmem:s23+$0x20B0]  }
0x5e: {  	v15 =	vld [tilespmem:s23+$0x2140]  }
0x5f: {  	v25 =	vadd.f32 v17, v25;
	v26 =	vadd.f32 v18, v26;
	v17 =	vld [tilespmem:s23+$0x2150]  }
.Ltmp0:
0x60: {  	v21 =	vadd.f32 v21, v28;
	v23 =	vadd.f32 v23, v29;
	v18 =	vld [tilespmem:s23+$0x20C0];
	(pc) =	sbr.rel @p0 .LBB2_3-.Ltmp0, $4  }
0x61: {  	v25 =	vadd.f32 v19, v25;
	v26 =	vadd.f32 v20, v26;
	v19 =	vld [tilespmem:s23+$0x20D0]  }
0x62: {  	v28 =	vadd.f32 v31, v21;
	v20 =	vld [tilespmem:s23+$0x2040];
	v29 =	vadd.f32 v32, v23  }
0x63: {  	v23 =	vadd.f32 v22, v25;
	v24 =	vadd.f32 v24, v26;
	v21 =	vld [tilespmem:s23+$0x2050]  }
0x64: {  	s24 =	sadd.s32 $0xA00, s24;
	v25 =	vadd.f32 v27, v28;
	v22 =	vld [tilespmem:s23+$0x2060];
	v26 =	vadd.f32 v30, v29  }
0x65: {  	v27 =	vld [tilespmem:s23+$0x2070];
	v10 =	vadd.f32 v10, v23;
	v13 =	vadd.f32 v13, v24  }
0x66: {  	v23 =	vld [tilespmem:s23+$0x20E0];
	v9 =	vadd.f32 v9, v25;
	v11 =	vadd.f32 v11, v26  }
0x67: {  	v24 =	vld [tilespmem:s23+$0x20F0];
	v4 =	vadd.f32 v4, v10;
	v5 =	vadd.f32 v5, v13  }
0x68: {  	v10 =	vld [tilespmem:s23+$0x2160];
	v8 =	vadd.f32 v20, v8;
	v6 =	vadd.f32 v6, v9  }
0x69: {  	v7 =	vadd.f32 v7, v11;
	v9 =	vadd.f32 v21, v16;
	v11 =	vld [tilespmem:s23+$0x2170]  }
0x6a: {  	v16 =	vld [tilespmem:s23+$0x21F0];
	v13 =	vadd.f32 v22, v14;
	v8 =	vadd.f32 v18, v8  }
0x6b: {  	v14 =	vld [tilespmem:s23+$0x21E0];
	v12 =	vadd.f32 v27, v12;
	v9 =	vadd.f32 v19, v9  }
0x6c: {  	s24 =	sshll.u32 s21, $0xC;
	v18 =	vld [tilespmem:s23+$0x2260];
	v13 =	vadd.f32 v23, v13;
	v8 =	vadd.f32 v15, v8  }
0x6d: {  	v15 =	vld [tilespmem:s23+$0x2270];
	s23 =	sshra.s32 s24, $0x2;
	v12 =	vadd.f32 v24, v12;
	v9 =	vadd.f32 v17, v9  }
0x6e: {  	[tilespmem:s23+$0xF000] =	vst v4;
	v10 =	vadd.f32 v10, v13;
	v3 =	vadd.f32 v3, v8  }
0x6f: {  	[tilespmem:s23+$0xF010] =	vst v5;
	v4 =	vadd.f32 v11, v12;
	v2 =	vadd.f32 v2, v9  }
0x70: {  	[tilespmem:s23+$0xF020] =	vst v6;
	v5 =	vadd.f32 v14, v10;
	v0 =	vadd.f32 v0, v3  }
0x71: {  	[tilespmem:s23+$0xF030] =	vst v7;
	v3 =	vadd.f32 v16, v4;
	v1 =	vadd.f32 v1, v2  }
0x72: {  	v2 =	vadd.f32 v18, v5;
	[tilespmem:s23+$0xF040] =	vst v0  }
0x73: {  	v0 =	vadd.f32 v15, v3;
	[tilespmem:s23+$0xF050] =	vst v1  }
0x74: {  	[tilespmem:s23+$0xF060] =	vst v2  }
0x75: {  	s24 =	simm.s32 $0x0;
	[tilespmem:s23+$0xF070] =	vst v0  }
0x76: {  	v4 =	vld [tilespmem:s24+$0x3B00]  }
0x77: {  	v5 =	vld [tilespmem:s24+$0x3B10]  }
0x78: {  	v6 =	vld [tilespmem:s24+$0x3B20]  }
0x79: {  	v7 =	vld [tilespmem:s24+$0x3B30]  }
0x7a: {  	v0 =	vld [tilespmem:s24+$0x3B40]  }
0x7b: {  	v1 =	vld [tilespmem:s24+$0x3B50]  }
0x7c: {  	v10 =	vld [tilespmem:s24+$0x3A80]  }
0x7d: {  	v13 =	vld [tilespmem:s24+$0x3A90]  }
0x7e: {  	v9 =	vld [tilespmem:s24+$0x3AA0]  }
0x7f: {  	v11 =	vld [tilespmem:s24+$0x3AB0]  }
0x80: {  	v3 =	vld [tilespmem:s24+$0x3AC0]  }
0x81: {  	v2 =	vld [tilespmem:s24+$0x3AD0]  }
0x82: {  	v12 =	vld [tilespmem:s24+$0x3A00]  }
0x83: {  	v14 =	vld [tilespmem:s24+$0x3A10]  }
0x84: {  	v16 =	vld [tilespmem:s24+$0x3A20]  }
0x85: {  	v19 =	vld [tilespmem:s24+$0x3980]  }
0x86: {  	v20 =	vld [tilespmem:s24+$0x3990]  }
0x87: {  	v17 =	vld [tilespmem:s24+$0x3900]  }
0x88: {  	v18 =	vld [tilespmem:s24+$0x3910]  }
0x89: {  	v21 =	vld [tilespmem:s24+$0x3920]  }
0x8a: {  	v22 =	vld [tilespmem:s24+$0x3930]  }
0x8b: {  	v23 =	vld [tilespmem:s24+$0x39A0]  }
0x8c: {  	v24 =	vld [tilespmem:s24+$0x39B0]  }
0x8d: {  	v8 =	vimm.f32 $0.0e+00;
	v26 =	vld [tilespmem:s24+$0x3A30]  }
0x8e: {  	v15 =	vld [tilespmem:s24+$0x3A40];
	v25 =	vadd.f32 v17, v8;
	v27 =	vadd.f32 v18, v8  }
0x8f: {  	v17 =	vld [tilespmem:s24+$0x3A50];
	v21 =	vadd.f32 v21, v8;
	v22 =	vadd.f32 v22, v8  }
0x90: {  	v18 =	vld [tilespmem:s24+$0x39C0];
	v25 =	vadd.f32 v19, v25;
	v27 =	vadd.f32 v20, v27  }
0x91: {  	v19 =	vld [tilespmem:s24+$0x39D0];
	v28 =	vadd.f32 v23, v21;
	v22 =	vadd.f32 v24, v22  }
0x92: {  	v20 =	vld [tilespmem:s24+$0x3940];
	v23 =	vadd.f32 v12, v25;
	v24 =	vadd.f32 v14, v27  }
0x93: {  	v21 =	vld [tilespmem:s24+$0x3950];
	v25 =	vadd.f32 v16, v28;
	v26 =	vadd.f32 v26, v22  }
0x94: {  	s25 =	simm.s32 $0xA00;
	v22 =	vld [tilespmem:s24+$0x3960];
	v16 =	vimm.f32 $0.0e+00;
	v14 =	vimm.f32 $0.0e+00;
	v12 =	vimm.f32 $0.0e+00  }
.LBB2_5:
0x95: {  	p0 =	sne.s32 s25, $0x5A00;
	v27 =	vld [tilespmem:s24+$0x3970];
	v10 =	vadd.f32 v10, v23;
	v13 =	vadd.f32 v13, v24  }
0x96: {  	v23 =	vld [tilespmem:s24+$0x39E0];
	v9 =	vadd.f32 v9, v25;
	v11 =	vadd.f32 v11, v26  }
0x97: {  	v24 =	vld [tilespmem:s24+$0x39F0];
	v25 =	vadd.f32 v4, v10;
	v26 =	vadd.f32 v5, v13  }
0x98: {  	v5 =	vld [tilespmem:s24+$0x3A60];
	v28 =	vadd.f32 v6, v9;
	v29 =	vadd.f32 v7, v11  }
0x99: {  	v4 =	vadd.f32 v20, v8;
	v6 =	vadd.f32 v21, v16;
	v7 =	vld [tilespmem:s24+$0x3A70]  }
0x9a: {  	v8 =	vadd.f32 v22, v14;
	v9 =	vadd.f32 v27, v12;
	v10 =	vld [tilespmem:s24+$0x3AE0]  }
0x9b: {  	v4 =	vadd.f32 v18, v4;
	v6 =	vadd.f32 v19, v6;
	v11 =	vld [tilespmem:s24+$0x3AF0]  }
0x9c: {  	v8 =	vadd.f32 v23, v8;
	v9 =	vadd.f32 v24, v9;
	v12 =	vld [tilespmem:s24+$0x3B60]  }
0x9d: {  	v13 =	vadd.f32 v15, v4;
	v6 =	vadd.f32 v17, v6;
	v15 =	vld [tilespmem:s24+$0x3B70];
	s24 =	sshra.s32 s25, $0x2  }
0x9e: {  	v8 =	vadd.f32 v5, v8;
	v4 =	vld [tilespmem:s24+$0x3B00];
	v7 =	vadd.f32 v7, v9  }
0x9f: {  	v3 =	vadd.f32 v3, v13;
	v2 =	vadd.f32 v2, v6;
	v5 =	vld [tilespmem:s24+$0x3B10]  }
0xa0: {  	v9 =	vadd.f32 v10, v8;
	v6 =	vld [tilespmem:s24+$0x3B20];
	v10 =	vadd.f32 v11, v7  }
0xa1: {  	v8 =	vadd.f32 v0, v3;
	v16 =	vadd.f32 v1, v2;
	v7 =	vld [tilespmem:s24+$0x3B30]  }
0xa2: {  	v14 =	vadd.f32 v12, v9;
	v0 =	vld [tilespmem:s24+$0x3B40];
	v12 =	vadd.f32 v15, v10  }
0xa3: {  	v1 =	vld [tilespmem:s24+$0x3B50]  }
0xa4: {  	v10 =	vld [tilespmem:s24+$0x3A80]  }
0xa5: {  	v13 =	vld [tilespmem:s24+$0x3A90]  }
0xa6: {  	v9 =	vld [tilespmem:s24+$0x3AA0]  }
0xa7: {  	v11 =	vld [tilespmem:s24+$0x3AB0]  }
0xa8: {  	v3 =	vld [tilespmem:s24+$0x3AC0]  }
0xa9: {  	v2 =	vld [tilespmem:s24+$0x3AD0]  }
0xaa: {  	v22 =	vld [tilespmem:s24+$0x3A00]  }
0xab: {  	v24 =	vld [tilespmem:s24+$0x3A10]  }
0xac: {  	v27 =	vld [tilespmem:s24+$0x3A20]  }
0xad: {  	v30 =	vld [tilespmem:s24+$0x3A30]  }
0xae: {  	v19 =	vld [tilespmem:s24+$0x3980]  }
0xaf: {  	v20 =	vld [tilespmem:s24+$0x3990]  }
0xb0: {  	v17 =	vld [tilespmem:s24+$0x3900]  }
0xb1: {  	v18 =	vld [tilespmem:s24+$0x3910]  }
0xb2: {  	v21 =	vld [tilespmem:s24+$0x3920]  }
0xb3: {  	v23 =	vld [tilespmem:s24+$0x3930]  }
0xb4: {  	v31 =	vld [tilespmem:s24+$0x39A0]  }
0xb5: {  	v32 =	vld [tilespmem:s24+$0x39B0]  }
0xb6: {  	v15 =	vld [tilespmem:s24+$0x3A40]  }
0xb7: {  	v25 =	vadd.f32 v17, v25;
	v26 =	vadd.f32 v18, v26;
	v17 =	vld [tilespmem:s24+$0x3A50]  }
.Ltmp1:
0xb8: {  	v21 =	vadd.f32 v21, v28;
	v23 =	vadd.f32 v23, v29;
	v18 =	vld [tilespmem:s24+$0x39C0];
	(pc) =	sbr.rel @p0 .LBB2_5-.Ltmp1, $4  }
0xb9: {  	v25 =	vadd.f32 v19, v25;
	v26 =	vadd.f32 v20, v26;
	v19 =	vld [tilespmem:s24+$0x39D0]  }
0xba: {  	v28 =	vadd.f32 v31, v21;
	v20 =	vld [tilespmem:s24+$0x3940];
	v29 =	vadd.f32 v32, v23  }
0xbb: {  	v23 =	vadd.f32 v22, v25;
	v24 =	vadd.f32 v24, v26;
	v21 =	vld [tilespmem:s24+$0x3950]  }
0xbc: {  	s25 =	sadd.s32 $0xA00, s25;
	v25 =	vadd.f32 v27, v28;
	v22 =	vld [tilespmem:s24+$0x3960];
	v26 =	vadd.f32 v30, v29  }
0xbd: {  	v10 =	vadd.f32 v10, v23;
	v13 =	vadd.f32 v13, v24  }
0xbe: {  	v27 =	vld [tilespmem:s24+$0x3970];
	v9 =	vadd.f32 v9, v25;
	v11 =	vadd.f32 v11, v26  }
0xbf: {  	v23 =	vld [tilespmem:s24+$0x39E0];
	v4 =	vadd.f32 v4, v10;
	v5 =	vadd.f32 v5, v13  }
0xc0: {  	v24 =	vld [tilespmem:s24+$0x39F0];
	v8 =	vadd.f32 v20, v8;
	v6 =	vadd.f32 v6, v9  }
0xc1: {  	v10 =	vld [tilespmem:s24+$0x3A60];
	v7 =	vadd.f32 v7, v11;
	v9 =	vadd.f32 v21, v16  }
0xc2: {  	v11 =	vld [tilespmem:s24+$0x3A70];
	v13 =	vadd.f32 v22, v14;
	v8 =	vadd.f32 v18, v8  }
0xc3: {  	v14 =	vld [tilespmem:s24+$0x3AE0];
	v12 =	vadd.f32 v27, v12;
	v9 =	vadd.f32 v19, v9  }
0xc4: {  	v16 =	vld [tilespmem:s24+$0x3AF0];
	v13 =	vadd.f32 v23, v13;
	v8 =	vadd.f32 v15, v8  }
0xc5: {  	v18 =	vld [tilespmem:s24+$0x3B60];
	v12 =	vadd.f32 v24, v12;
	v9 =	vadd.f32 v17, v9  }
0xc6: {  	v15 =	vld [tilespmem:s24+$0x3B70];
	[tilespmem:s23+$0xF080] =	vst v4;
	v10 =	vadd.f32 v10, v13;
	v3 =	vadd.f32 v3, v8  }
0xc7: {  	[tilespmem:s23+$0xF090] =	vst v5;
	v4 =	vadd.f32 v11, v12;
	v2 =	vadd.f32 v2, v9  }
0xc8: {  	[tilespmem:s23+$0xF0A0] =	vst v6;
	v5 =	vadd.f32 v14, v10;
	v0 =	vadd.f32 v0, v3  }
0xc9: {  	[tilespmem:s23+$0xF0B0] =	vst v7;
	v3 =	vadd.f32 v16, v4;
	v1 =	vadd.f32 v1, v2  }
0xca: {  	v2 =	vadd.f32 v18, v5;
	[tilespmem:s23+$0xF0C0] =	vst v0  }
0xcb: {  	v0 =	vadd.f32 v15, v3;
	[tilespmem:s23+$0xF0D0] =	vst v1  }
0xcc: {  	[tilespmem:s23+$0xF0E0] =	vst v2  }
0xcd: {  	p0 =	seq.s32 s21, $0xF;
	[tilespmem:s23+$0xF0F0] =	vst v0  }
0xce: {  	s24 =	sshll.u32 @!p0 s21, $0x9;
	_ =	swait.ge [sflag:s16], $0x3200  }
0xcf: {  	s26 =	simm.s32 @!p0 $0x64;
	s24 =	sand.u32 @!p0 $0x3FFFFE00, s24;
	[sflag:s16] =	ssyncset.done $0x0  }
0xd0: {  	s28 =	simm.s32 @!p0 $0x2000;
	s25 =	sadd.s32 @!p0 $0x200, s24;
	[sflag:s16] =	ssyncadd.s32 $0xFFFFCE00  }
0xd1: {  	[tilespmem:s28], [sflag:$0x1] =	stream.indirect.gather @!p0 [hbm4b:s2+s26], $0x80, s25, s26, $0xb8;
	[tilespmem:$0x13000] =	vst v63  }
0xd2: {  	s25 =	simm.s32 $0x0  }
0xd3: {  	v4 =	vld [tilespmem:s25+$0x5600]  }
0xd4: {  	v5 =	vld [tilespmem:s25+$0x5610]  }
0xd5: {  	v6 =	vld [tilespmem:s25+$0x5620]  }
0xd6: {  	v7 =	vld [tilespmem:s25+$0x5630]  }
0xd7: {  	v0 =	vld [tilespmem:s25+$0x5640]  }
0xd8: {  	v1 =	vld [tilespmem:s25+$0x5650]  }
0xd9: {  	v10 =	vld [tilespmem:s25+$0x5580]  }
0xda: {  	v13 =	vld [tilespmem:s25+$0x5590]  }
0xdb: {  	v9 =	vld [tilespmem:s25+$0x55A0]  }
0xdc: {  	v11 =	vld [tilespmem:s25+$0x55B0]  }
0xdd: {  	v3 =	vld [tilespmem:s25+$0x55C0]  }
0xde: {  	v2 =	vld [tilespmem:s25+$0x55D0]  }
0xdf: {  	v12 =	vld [tilespmem:s25+$0x5500]  }
0xe0: {  	v14 =	vld [tilespmem:s25+$0x5510]  }
0xe1: {  	v16 =	vld [tilespmem:s25+$0x5520]  }
0xe2: {  	v19 =	vld [tilespmem:s25+$0x5480]  }
0xe3: {  	v20 =	vld [tilespmem:s25+$0x5490]  }
0xe4: {  	v17 =	vld [tilespmem:s25+$0x5400]  }
0xe5: {  	v18 =	vld [tilespmem:s25+$0x5410]  }
0xe6: {  	v21 =	vld [tilespmem:s25+$0x5420]  }
0xe7: {  	v22 =	vld [tilespmem:s25+$0x5430]  }
0xe8: {  	v23 =	vld [tilespmem:s25+$0x54A0]  }
0xe9: {  	v24 =	vld [tilespmem:s25+$0x54B0]  }
0xea: {  	v8 =	vimm.f32 $0.0e+00;
	v26 =	vld [tilespmem:s25+$0x5530]  }
0xeb: {  	v15 =	vld [tilespmem:s25+$0x5540];
	v25 =	vadd.f32 v17, v8;
	v27 =	vadd.f32 v18, v8  }
0xec: {  	v17 =	vld [tilespmem:s25+$0x5550];
	v21 =	vadd.f32 v21, v8;
	v22 =	vadd.f32 v22, v8  }
0xed: {  	v18 =	vld [tilespmem:s25+$0x54C0];
	v25 =	vadd.f32 v19, v25;
	v27 =	vadd.f32 v20, v27  }
0xee: {  	v19 =	vld [tilespmem:s25+$0x54D0];
	v28 =	vadd.f32 v23, v21;
	v22 =	vadd.f32 v24, v22  }
0xef: {  	v20 =	vld [tilespmem:s25+$0x5440];
	v23 =	vadd.f32 v12, v25;
	v24 =	vadd.f32 v14, v27  }
0xf0: {  	v21 =	vld [tilespmem:s25+$0x5450];
	v25 =	vadd.f32 v16, v28;
	v26 =	vadd.f32 v26, v22  }
0xf1: {  	s26 =	simm.s32 $0xA00;
	v22 =	vld [tilespmem:s25+$0x5460];
	v16 =	vimm.f32 $0.0e+00;
	v14 =	vimm.f32 $0.0e+00;
	v12 =	vimm.f32 $0.0e+00  }
.LBB2_7:
0xf2: {  	p1 =	sne.s32 s26, $0x5A00;
	v27 =	vld [tilespmem:s25+$0x5470];
	v10 =	vadd.f32 v10, v23;
	v13 =	vadd.f32 v13, v24  }
0xf3: {  	v23 =	vld [tilespmem:s25+$0x54E0];
	v9 =	vadd.f32 v9, v25;
	v11 =	vadd.f32 v11, v26  }
0xf4: {  	v24 =	vld [tilespmem:s25+$0x54F0];
	v25 =	vadd.f32 v4, v10;
	v26 =	vadd.f32 v5, v13  }
0xf5: {  	v5 =	vld [tilespmem:s25+$0x5560];
	v28 =	vadd.f32 v6, v9;
	v29 =	vadd.f32 v7, v11  }
0xf6: {  	v4 =	vadd.f32 v20, v8;
	v6 =	vadd.f32 v21, v16;
	v7 =	vld [tilespmem:s25+$0x5570]  }
0xf7: {  	v8 =	vadd.f32 v22, v14;
	v9 =	vadd.f32 v27, v12;
	v10 =	vld [tilespmem:s25+$0x55E0]  }
0xf8: {  	v4 =	vadd.f32 v18, v4;
	v6 =	vadd.f32 v19, v6;
	v11 =	vld [tilespmem:s25+$0x55F0]  }
0xf9: {  	v8 =	vadd.f32 v23, v8;
	v9 =	vadd.f32 v24, v9;
	v12 =	vld [tilespmem:s25+$0x5660]  }
0xfa: {  	v13 =	vadd.f32 v15, v4;
	v6 =	vadd.f32 v17, v6;
	v15 =	vld [tilespmem:s25+$0x5670];
	s25 =	sshra.s32 s26, $0x2  }
0xfb: {  	v8 =	vadd.f32 v5, v8;
	v4 =	vld [tilespmem:s25+$0x5600];
	v7 =	vadd.f32 v7, v9  }
0xfc: {  	v3 =	vadd.f32 v3, v13;
	v2 =	vadd.f32 v2, v6;
	v5 =	vld [tilespmem:s25+$0x5610]  }
0xfd: {  	v9 =	vadd.f32 v10, v8;
	v6 =	vld [tilespmem:s25+$0x5620];
	v10 =	vadd.f32 v11, v7  }
0xfe: {  	v8 =	vadd.f32 v0, v3;
	v16 =	vadd.f32 v1, v2;
	v7 =	vld [tilespmem:s25+$0x5630]  }
0xff: {  	v14 =	vadd.f32 v12, v9;
	v0 =	vld [tilespmem:s25+$0x5640];
	v12 =	vadd.f32 v15, v10  }
0x100: {  	v1 =	vld [tilespmem:s25+$0x5650]  }
0x101: {  	v10 =	vld [tilespmem:s25+$0x5580]  }
0x102: {  	v13 =	vld [tilespmem:s25+$0x5590]  }
0x103: {  	v9 =	vld [tilespmem:s25+$0x55A0]  }
0x104: {  	v11 =	vld [tilespmem:s25+$0x55B0]  }
0x105: {  	v3 =	vld [tilespmem:s25+$0x55C0]  }
0x106: {  	v2 =	vld [tilespmem:s25+$0x55D0]  }
0x107: {  	v22 =	vld [tilespmem:s25+$0x5500]  }
0x108: {  	v24 =	vld [tilespmem:s25+$0x5510]  }
0x109: {  	v27 =	vld [tilespmem:s25+$0x5520]  }
0x10a: {  	v30 =	vld [tilespmem:s25+$0x5530]  }
0x10b: {  	v19 =	vld [tilespmem:s25+$0x5480]  }
0x10c: {  	v20 =	vld [tilespmem:s25+$0x5490]  }
0x10d: {  	v17 =	vld [tilespmem:s25+$0x5400]  }
0x10e: {  	v18 =	vld [tilespmem:s25+$0x5410]  }
0x10f: {  	v21 =	vld [tilespmem:s25+$0x5420]  }
0x110: {  	v23 =	vld [tilespmem:s25+$0x5430]  }
0x111: {  	v31 =	vld [tilespmem:s25+$0x54A0]  }
0x112: {  	v32 =	vld [tilespmem:s25+$0x54B0]  }
0x113: {  	v15 =	vld [tilespmem:s25+$0x5540]  }
0x114: {  	v25 =	vadd.f32 v17, v25;
	v26 =	vadd.f32 v18, v26;
	v17 =	vld [tilespmem:s25+$0x5550]  }
.Ltmp2:
0x115: {  	v21 =	vadd.f32 v21, v28;
	v23 =	vadd.f32 v23, v29;
	v18 =	vld [tilespmem:s25+$0x54C0];
	(pc) =	sbr.rel @p1 .LBB2_7-.Ltmp2, $4  }
0x116: {  	v25 =	vadd.f32 v19, v25;
	v26 =	vadd.f32 v20, v26;
	v19 =	vld [tilespmem:s25+$0x54D0]  }
0x117: {  	v28 =	vadd.f32 v31, v21;
	v20 =	vld [tilespmem:s25+$0x5440];
	v29 =	vadd.f32 v32, v23  }
0x118: {  	v23 =	vadd.f32 v22, v25;
	v24 =	vadd.f32 v24, v26;
	v21 =	vld [tilespmem:s25+$0x5450]  }
0x119: {  	s26 =	sadd.s32 $0xA00, s26;
	v25 =	vadd.f32 v27, v28;
	v22 =	vld [tilespmem:s25+$0x5460];
	v26 =	vadd.f32 v30, v29  }
0x11a: {  	v10 =	vadd.f32 v10, v23;
	v13 =	vadd.f32 v13, v24  }
0x11b: {  	v27 =	vld [tilespmem:s25+$0x5470];
	v9 =	vadd.f32 v9, v25;
	v11 =	vadd.f32 v11, v26  }
0x11c: {  	v23 =	vld [tilespmem:s25+$0x54E0];
	v4 =	vadd.f32 v4, v10;
	v5 =	vadd.f32 v5, v13  }
0x11d: {  	v24 =	vld [tilespmem:s25+$0x54F0];
	v8 =	vadd.f32 v20, v8;
	v6 =	vadd.f32 v6, v9  }
0x11e: {  	v10 =	vld [tilespmem:s25+$0x5560];
	v7 =	vadd.f32 v7, v11;
	v9 =	vadd.f32 v21, v16  }
0x11f: {  	v11 =	vld [tilespmem:s25+$0x5570];
	v13 =	vadd.f32 v22, v14;
	v8 =	vadd.f32 v18, v8  }
0x120: {  	v14 =	vld [tilespmem:s25+$0x55E0];
	v12 =	vadd.f32 v27, v12;
	v9 =	vadd.f32 v19, v9  }
0x121: {  	v16 =	vld [tilespmem:s25+$0x55F0];
	v13 =	vadd.f32 v23, v13;
	v8 =	vadd.f32 v15, v8  }
0x122: {  	v18 =	vld [tilespmem:s25+$0x5660];
	v12 =	vadd.f32 v24, v12;
	v9 =	vadd.f32 v17, v9  }
0x123: {  	v15 =	vld [tilespmem:s25+$0x5670];
	[tilespmem:s23+$0xF100] =	vst v4;
	v10 =	vadd.f32 v10, v13;
	v3 =	vadd.f32 v3, v8  }
0x124: {  	[tilespmem:s23+$0xF110] =	vst v5;
	v4 =	vadd.f32 v11, v12;
	v2 =	vadd.f32 v2, v9  }
0x125: {  	[tilespmem:s23+$0xF120] =	vst v6;
	v5 =	vadd.f32 v14, v10;
	v0 =	vadd.f32 v0, v3  }
0x126: {  	[tilespmem:s23+$0xF130] =	vst v7;
	v3 =	vadd.f32 v16, v4;
	v1 =	vadd.f32 v1, v2  }
0x127: {  	v2 =	vadd.f32 v18, v5;
	[tilespmem:s23+$0xF140] =	vst v0  }
0x128: {  	v0 =	vadd.f32 v15, v3;
	[tilespmem:s23+$0xF150] =	vst v1  }
0x129: {  	[tilespmem:s23+$0xF160] =	vst v2  }
0x12a: {  	s25 =	simm.s32 $0x0;
	[tilespmem:s23+$0xF170] =	vst v0  }
0x12b: {  	v4 =	vld [tilespmem:s25+$0x6F00]  }
0x12c: {  	v5 =	vld [tilespmem:s25+$0x6F10]  }
0x12d: {  	v6 =	vld [tilespmem:s25+$0x6F20]  }
0x12e: {  	v7 =	vld [tilespmem:s25+$0x6F30]  }
0x12f: {  	v0 =	vld [tilespmem:s25+$0x6F40]  }
0x130: {  	v1 =	vld [tilespmem:s25+$0x6F50]  }
0x131: {  	v10 =	vld [tilespmem:s25+$0x6E80]  }
0x132: {  	v13 =	vld [tilespmem:s25+$0x6E90]  }
0x133: {  	v9 =	vld [tilespmem:s25+$0x6EA0]  }
0x134: {  	v11 =	vld [tilespmem:s25+$0x6EB0]  }
0x135: {  	v3 =	vld [tilespmem:s25+$0x6EC0]  }
0x136: {  	v2 =	vld [tilespmem:s25+$0x6ED0]  }
0x137: {  	v12 =	vld [tilespmem:s25+$0x6E00]  }
0x138: {  	v14 =	vld [tilespmem:s25+$0x6E10]  }
0x139: {  	v16 =	vld [tilespmem:s25+$0x6E20]  }
0x13a: {  	v19 =	vld [tilespmem:s25+$0x6D80]  }
0x13b: {  	v20 =	vld [tilespmem:s25+$0x6D90]  }
0x13c: {  	v17 =	vld [tilespmem:s25+$0x6D00]  }
0x13d: {  	v18 =	vld [tilespmem:s25+$0x6D10]  }
0x13e: {  	v21 =	vld [tilespmem:s25+$0x6D20]  }
0x13f: {  	v22 =	vld [tilespmem:s25+$0x6D30]  }
0x140: {  	v23 =	vld [tilespmem:s25+$0x6DA0]  }
0x141: {  	v24 =	vld [tilespmem:s25+$0x6DB0]  }
0x142: {  	v8 =	vimm.f32 $0.0e+00;
	v26 =	vld [tilespmem:s25+$0x6E30]  }
0x143: {  	v15 =	vld [tilespmem:s25+$0x6E40];
	v25 =	vadd.f32 v17, v8;
	v27 =	vadd.f32 v18, v8  }
0x144: {  	v17 =	vld [tilespmem:s25+$0x6E50];
	v21 =	vadd.f32 v21, v8;
	v22 =	vadd.f32 v22, v8  }
0x145: {  	v18 =	vld [tilespmem:s25+$0x6DC0];
	v25 =	vadd.f32 v19, v25;
	v27 =	vadd.f32 v20, v27  }
0x146: {  	v19 =	vld [tilespmem:s25+$0x6DD0];
	v28 =	vadd.f32 v23, v21;
	v22 =	vadd.f32 v24, v22  }
0x147: {  	v20 =	vld [tilespmem:s25+$0x6D40];
	v23 =	vadd.f32 v12, v25;
	v24 =	vadd.f32 v14, v27  }
0x148: {  	v21 =	vld [tilespmem:s25+$0x6D50];
	v25 =	vadd.f32 v16, v28;
	v26 =	vadd.f32 v26, v22  }
0x149: {  	s26 =	simm.s32 $0xA00;
	v22 =	vld [tilespmem:s25+$0x6D60];
	v16 =	vimm.f32 $0.0e+00;
	v14 =	vimm.f32 $0.0e+00;
	v12 =	vimm.f32 $0.0e+00  }
.LBB2_9:
0x14a: {  	p1 =	sne.s32 s26, $0x5A00;
	v27 =	vld [tilespmem:s25+$0x6D70];
	v10 =	vadd.f32 v10, v23;
	v13 =	vadd.f32 v13, v24  }
0x14b: {  	v23 =	vld [tilespmem:s25+$0x6DE0];
	v9 =	vadd.f32 v9, v25;
	v11 =	vadd.f32 v11, v26  }
0x14c: {  	v24 =	vld [tilespmem:s25+$0x6DF0];
	v25 =	vadd.f32 v4, v10;
	v26 =	vadd.f32 v5, v13  }
0x14d: {  	v5 =	vld [tilespmem:s25+$0x6E60];
	v28 =	vadd.f32 v6, v9;
	v29 =	vadd.f32 v7, v11  }
0x14e: {  	v4 =	vadd.f32 v20, v8;
	v6 =	vadd.f32 v21, v16;
	v7 =	vld [tilespmem:s25+$0x6E70]  }
0x14f: {  	v8 =	vadd.f32 v22, v14;
	v9 =	vadd.f32 v27, v12;
	v10 =	vld [tilespmem:s25+$0x6EE0]  }
0x150: {  	v4 =	vadd.f32 v18, v4;
	v6 =	vadd.f32 v19, v6;
	v11 =	vld [tilespmem:s25+$0x6EF0]  }
0x151: {  	v8 =	vadd.f32 v23, v8;
	v9 =	vadd.f32 v24, v9;
	v12 =	vld [tilespmem:s25+$0x6F60]  }
0x152: {  	v13 =	vadd.f32 v15, v4;
	v6 =	vadd.f32 v17, v6;
	v15 =	vld [tilespmem:s25+$0x6F70];
	s25 =	sshra.s32 s26, $0x2  }
0x153: {  	v8 =	vadd.f32 v5, v8;
	v4 =	vld [tilespmem:s25+$0x6F00];
	v7 =	vadd.f32 v7, v9  }
0x154: {  	v3 =	vadd.f32 v3, v13;
	v2 =	vadd.f32 v2, v6;
	v5 =	vld [tilespmem:s25+$0x6F10]  }
0x155: {  	v9 =	vadd.f32 v10, v8;
	v6 =	vld [tilespmem:s25+$0x6F20];
	v10 =	vadd.f32 v11, v7  }
0x156: {  	v8 =	vadd.f32 v0, v3;
	v16 =	vadd.f32 v1, v2;
	v7 =	vld [tilespmem:s25+$0x6F30]  }
0x157: {  	v14 =	vadd.f32 v12, v9;
	v0 =	vld [tilespmem:s25+$0x6F40];
	v12 =	vadd.f32 v15, v10  }
0x158: {  	v1 =	vld [tilespmem:s25+$0x6F50]  }
0x159: {  	v10 =	vld [tilespmem:s25+$0x6E80]  }
0x15a: {  	v13 =	vld [tilespmem:s25+$0x6E90]  }
0x15b: {  	v9 =	vld [tilespmem:s25+$0x6EA0]  }
0x15c: {  	v11 =	vld [tilespmem:s25+$0x6EB0]  }
0x15d: {  	v3 =	vld [tilespmem:s25+$0x6EC0]  }
0x15e: {  	v2 =	vld [tilespmem:s25+$0x6ED0]  }
0x15f: {  	v22 =	vld [tilespmem:s25+$0x6E00]  }
0x160: {  	v24 =	vld [tilespmem:s25+$0x6E10]  }
0x161: {  	v27 =	vld [tilespmem:s25+$0x6E20]  }
0x162: {  	v30 =	vld [tilespmem:s25+$0x6E30]  }
0x163: {  	v19 =	vld [tilespmem:s25+$0x6D80]  }
0x164: {  	v20 =	vld [tilespmem:s25+$0x6D90]  }
0x165: {  	v17 =	vld [tilespmem:s25+$0x6D00]  }
0x166: {  	v18 =	vld [tilespmem:s25+$0x6D10]  }
0x167: {  	v21 =	vld [tilespmem:s25+$0x6D20]  }
0x168: {  	v23 =	vld [tilespmem:s25+$0x6D30]  }
0x169: {  	v31 =	vld [tilespmem:s25+$0x6DA0]  }
0x16a: {  	v32 =	vld [tilespmem:s25+$0x6DB0]  }
0x16b: {  	v15 =	vld [tilespmem:s25+$0x6E40]  }
0x16c: {  	v25 =	vadd.f32 v17, v25;
	v26 =	vadd.f32 v18, v26;
	v17 =	vld [tilespmem:s25+$0x6E50]  }
.Ltmp3:
0x16d: {  	v21 =	vadd.f32 v21, v28;
	v23 =	vadd.f32 v23, v29;
	v18 =	vld [tilespmem:s25+$0x6DC0];
	(pc) =	sbr.rel @p1 .LBB2_9-.Ltmp3, $4  }
0x16e: {  	v25 =	vadd.f32 v19, v25;
	v26 =	vadd.f32 v20, v26;
	v19 =	vld [tilespmem:s25+$0x6DD0]  }
0x16f: {  	v28 =	vadd.f32 v31, v21;
	v20 =	vld [tilespmem:s25+$0x6D40];
	v29 =	vadd.f32 v32, v23  }
0x170: {  	v23 =	vadd.f32 v22, v25;
	v24 =	vadd.f32 v24, v26;
	v21 =	vld [tilespmem:s25+$0x6D50]  }
0x171: {  	s26 =	sadd.s32 $0xA00, s26;
	v25 =	vadd.f32 v27, v28;
	v22 =	vld [tilespmem:s25+$0x6D60];
	v26 =	vadd.f32 v30, v29  }
0x172: {  	v10 =	vadd.f32 v10, v23;
	v13 =	vadd.f32 v13, v24  }
0x173: {  	v27 =	vld [tilespmem:s25+$0x6D70];
	v9 =	vadd.f32 v9, v25;
	v11 =	vadd.f32 v11, v26  }
0x174: {  	v23 =	vld [tilespmem:s25+$0x6DE0];
	v4 =	vadd.f32 v4, v10;
	v5 =	vadd.f32 v5, v13  }
0x175: {  	v24 =	vld [tilespmem:s25+$0x6DF0];
	v8 =	vadd.f32 v20, v8;
	v6 =	vadd.f32 v6, v9  }
0x176: {  	v10 =	vld [tilespmem:s25+$0x6E60];
	v7 =	vadd.f32 v7, v11;
	v9 =	vadd.f32 v21, v16  }
0x177: {  	v11 =	vld [tilespmem:s25+$0x6E70];
	v13 =	vadd.f32 v22, v14;
	v8 =	vadd.f32 v18, v8  }
0x178: {  	v14 =	vld [tilespmem:s25+$0x6EE0];
	v12 =	vadd.f32 v27, v12;
	v9 =	vadd.f32 v19, v9  }
0x179: {  	v16 =	vld [tilespmem:s25+$0x6EF0];
	v13 =	vadd.f32 v23, v13;
	v8 =	vadd.f32 v15, v8  }
0x17a: {  	v18 =	vld [tilespmem:s25+$0x6F60];
	v12 =	vadd.f32 v24, v12;
	v9 =	vadd.f32 v17, v9  }
0x17b: {  	v15 =	vld [tilespmem:s25+$0x6F70];
	[tilespmem:s23+$0xF180] =	vst v4;
	v10 =	vadd.f32 v10, v13;
	v3 =	vadd.f32 v3, v8  }
0x17c: {  	[tilespmem:s23+$0xF190] =	vst v5;
	v4 =	vadd.f32 v11, v12;
	v2 =	vadd.f32 v2, v9  }
0x17d: {  	[tilespmem:s23+$0xF1A0] =	vst v6;
	v5 =	vadd.f32 v14, v10;
	v0 =	vadd.f32 v0, v3  }
0x17e: {  	[tilespmem:s23+$0xF1B0] =	vst v7;
	v3 =	vadd.f32 v16, v4;
	v1 =	vadd.f32 v1, v2  }
0x17f: {  	v2 =	vadd.f32 v18, v5;
	[tilespmem:s23+$0xF1C0] =	vst v0  }
0x180: {  	v0 =	vadd.f32 v15, v3;
	[tilespmem:s23+$0xF1D0] =	vst v1  }
0x181: {  	[tilespmem:s23+$0xF1E0] =	vst v2  }
0x182: {  	[tilespmem:s23+$0xF1F0] =	vst v0  }
0x183: {  	_ =	swait.ge [sflag:s17], $0x3200  }
0x184: {  	s26 =	simm.s32 @!p0 $0x64;
	[sflag:s17] =	ssyncset.done $0x0  }
0x185: {  	s28 =	simm.s32 @!p0 $0x5400;
	s25 =	sadd.s32 @!p0 $0x280, s24;
	[sflag:s17] =	ssyncadd.s32 $0xFFFFCE00  }
0x186: {  	[tilespmem:s28], [sflag:$0x2] =	stream.indirect.gather @!p0 [hbm4b:s2+s26], $0x80, s25, s26, $0xb8;
	[tilespmem:$0x13000] =	vst v63  }
0x187: {  	s25 =	simm.s32 $0x0  }
0x188: {  	v4 =	vld [tilespmem:s25+$0x8A00]  }
0x189: {  	v5 =	vld [tilespmem:s25+$0x8A10]  }
0x18a: {  	v6 =	vld [tilespmem:s25+$0x8A20]  }
0x18b: {  	v7 =	vld [tilespmem:s25+$0x8A30]  }
0x18c: {  	v0 =	vld [tilespmem:s25+$0x8A40]  }
0x18d: {  	v1 =	vld [tilespmem:s25+$0x8A50]  }
0x18e: {  	v10 =	vld [tilespmem:s25+$0x8980]  }
0x18f: {  	v13 =	vld [tilespmem:s25+$0x8990]  }
0x190: {  	v9 =	vld [tilespmem:s25+$0x89A0]  }
0x191: {  	v11 =	vld [tilespmem:s25+$0x89B0]  }
0x192: {  	v3 =	vld [tilespmem:s25+$0x89C0]  }
0x193: {  	v2 =	vld [tilespmem:s25+$0x89D0]  }
0x194: {  	v12 =	vld [tilespmem:s25+$0x8900]  }
0x195: {  	v14 =	vld [tilespmem:s25+$0x8910]  }
0x196: {  	v16 =	vld [tilespmem:s25+$0x8920]  }
0x197: {  	v19 =	vld [tilespmem:s25+$0x8880]  }
0x198: {  	v20 =	vld [tilespmem:s25+$0x8890]  }
0x199: {  	v17 =	vld [tilespmem:s25+$0x8800]  }
0x19a: {  	v18 =	vld [tilespmem:s25+$0x8810]  }
0x19b: {  	v21 =	vld [tilespmem:s25+$0x8820]  }
0x19c: {  	v22 =	vld [tilespmem:s25+$0x8830]  }
0x19d: {  	v23 =	vld [tilespmem:s25+$0x88A0]  }
0x19e: {  	v24 =	vld [tilespmem:s25+$0x88B0]  }
0x19f: {  	v8 =	vimm.f32 $0.0e+00;
	v26 =	vld [tilespmem:s25+$0x8930]  }
0x1a0: {  	v15 =	vld [tilespmem:s25+$0x8940];
	v25 =	vadd.f32 v17, v8;
	v27 =	vadd.f32 v18, v8  }
0x1a1: {  	v17 =	vld [tilespmem:s25+$0x8950];
	v21 =	vadd.f32 v21, v8;
	v22 =	vadd.f32 v22, v8  }
0x1a2: {  	v18 =	vld [tilespmem:s25+$0x88C0];
	v25 =	vadd.f32 v19, v25;
	v27 =	vadd.f32 v20, v27  }
0x1a3: {  	v19 =	vld [tilespmem:s25+$0x88D0];
	v28 =	vadd.f32 v23, v21;
	v22 =	vadd.f32 v24, v22  }
0x1a4: {  	v20 =	vld [tilespmem:s25+$0x8840];
	v23 =	vadd.f32 v12, v25;
	v24 =	vadd.f32 v14, v27  }
0x1a5: {  	v21 =	vld [tilespmem:s25+$0x8850];
	v25 =	vadd.f32 v16, v28;
	v26 =	vadd.f32 v26, v22  }
0x1a6: {  	s26 =	simm.s32 $0xA00;
	v22 =	vld [tilespmem:s25+$0x8860];
	v16 =	vimm.f32 $0.0e+00;
	v14 =	vimm.f32 $0.0e+00;
	v12 =	vimm.f32 $0.0e+00  }
.LBB2_11:
0x1a7: {  	p1 =	sne.s32 s26, $0x5A00;
	v27 =	vld [tilespmem:s25+$0x8870];
	v10 =	vadd.f32 v10, v23;
	v13 =	vadd.f32 v13, v24  }
0x1a8: {  	v23 =	vld [tilespmem:s25+$0x88E0];
	v9 =	vadd.f32 v9, v25;
	v11 =	vadd.f32 v11, v26  }
0x1a9: {  	v24 =	vld [tilespmem:s25+$0x88F0];
	v25 =	vadd.f32 v4, v10;
	v26 =	vadd.f32 v5, v13  }
0x1aa: {  	v5 =	vld [tilespmem:s25+$0x8960];
	v28 =	vadd.f32 v6, v9;
	v29 =	vadd.f32 v7, v11  }
0x1ab: {  	v4 =	vadd.f32 v20, v8;
	v6 =	vadd.f32 v21, v16;
	v7 =	vld [tilespmem:s25+$0x8970]  }
0x1ac: {  	v8 =	vadd.f32 v22, v14;
	v9 =	vadd.f32 v27, v12;
	v10 =	vld [tilespmem:s25+$0x89E0]  }
0x1ad: {  	v4 =	vadd.f32 v18, v4;
	v6 =	vadd.f32 v19, v6;
	v11 =	vld [tilespmem:s25+$0x89F0]  }
0x1ae: {  	v8 =	vadd.f32 v23, v8;
	v9 =	vadd.f32 v24, v9;
	v12 =	vld [tilespmem:s25+$0x8A60]  }
0x1af: {  	v13 =	vadd.f32 v15, v4;
	v6 =	vadd.f32 v17, v6;
	v15 =	vld [tilespmem:s25+$0x8A70];
	s25 =	sshra.s32 s26, $0x2  }
0x1b0: {  	v8 =	vadd.f32 v5, v8;
	v4 =	vld [tilespmem:s25+$0x8A00];
	v7 =	vadd.f32 v7, v9  }
0x1b1: {  	v3 =	vadd.f32 v3, v13;
	v2 =	vadd.f32 v2, v6;
	v5 =	vld [tilespmem:s25+$0x8A10]  }
0x1b2: {  	v9 =	vadd.f32 v10, v8;
	v6 =	vld [tilespmem:s25+$0x8A20];
	v10 =	vadd.f32 v11, v7  }
0x1b3: {  	v8 =	vadd.f32 v0, v3;
	v16 =	vadd.f32 v1, v2;
	v7 =	vld [tilespmem:s25+$0x8A30]  }
0x1b4: {  	v14 =	vadd.f32 v12, v9;
	v0 =	vld [tilespmem:s25+$0x8A40];
	v12 =	vadd.f32 v15, v10  }
0x1b5: {  	v1 =	vld [tilespmem:s25+$0x8A50]  }
0x1b6: {  	v10 =	vld [tilespmem:s25+$0x8980]  }
0x1b7: {  	v13 =	vld [tilespmem:s25+$0x8990]  }
0x1b8: {  	v9 =	vld [tilespmem:s25+$0x89A0]  }
0x1b9: {  	v11 =	vld [tilespmem:s25+$0x89B0]  }
0x1ba: {  	v3 =	vld [tilespmem:s25+$0x89C0]  }
0x1bb: {  	v2 =	vld [tilespmem:s25+$0x89D0]  }
0x1bc: {  	v22 =	vld [tilespmem:s25+$0x8900]  }
0x1bd: {  	v24 =	vld [tilespmem:s25+$0x8910]  }
0x1be: {  	v27 =	vld [tilespmem:s25+$0x8920]  }
0x1bf: {  	v30 =	vld [tilespmem:s25+$0x8930]  }
0x1c0: {  	v19 =	vld [tilespmem:s25+$0x8880]  }
0x1c1: {  	v20 =	vld [tilespmem:s25+$0x8890]  }
0x1c2: {  	v17 =	vld [tilespmem:s25+$0x8800]  }
0x1c3: {  	v18 =	vld [tilespmem:s25+$0x8810]  }
0x1c4: {  	v21 =	vld [tilespmem:s25+$0x8820]  }
0x1c5: {  	v23 =	vld [tilespmem:s25+$0x8830]  }
0x1c6: {  	v31 =	vld [tilespmem:s25+$0x88A0]  }
0x1c7: {  	v32 =	vld [tilespmem:s25+$0x88B0]  }
0x1c8: {  	v15 =	vld [tilespmem:s25+$0x8940]  }
0x1c9: {  	v25 =	vadd.f32 v17, v25;
	v26 =	vadd.f32 v18, v26;
	v17 =	vld [tilespmem:s25+$0x8950]  }
.Ltmp4:
0x1ca: {  	v21 =	vadd.f32 v21, v28;
	v23 =	vadd.f32 v23, v29;
	v18 =	vld [tilespmem:s25+$0x88C0];
	(pc) =	sbr.rel @p1 .LBB2_11-.Ltmp4, $4  }
0x1cb: {  	v25 =	vadd.f32 v19, v25;
	v26 =	vadd.f32 v20, v26;
	v19 =	vld [tilespmem:s25+$0x88D0]  }
0x1cc: {  	v28 =	vadd.f32 v31, v21;
	v20 =	vld [tilespmem:s25+$0x8840];
	v29 =	vadd.f32 v32, v23  }
0x1cd: {  	v23 =	vadd.f32 v22, v25;
	v24 =	vadd.f32 v24, v26;
	v21 =	vld [tilespmem:s25+$0x8850]  }
0x1ce: {  	s26 =	sadd.s32 $0xA00, s26;
	v25 =	vadd.f32 v27, v28;
	v22 =	vld [tilespmem:s25+$0x8860];
	v26 =	vadd.f32 v30, v29  }
0x1cf: {  	v10 =	vadd.f32 v10, v23;
	v13 =	vadd.f32 v13, v24  }
0x1d0: {  	v27 =	vld [tilespmem:s25+$0x8870];
	v9 =	vadd.f32 v9, v25;
	v11 =	vadd.f32 v11, v26  }
0x1d1: {  	v23 =	vld [tilespmem:s25+$0x88E0];
	v4 =	vadd.f32 v4, v10;
	v5 =	vadd.f32 v5, v13  }
0x1d2: {  	v24 =	vld [tilespmem:s25+$0x88F0];
	v8 =	vadd.f32 v20, v8;
	v6 =	vadd.f32 v6, v9  }
0x1d3: {  	v10 =	vld [tilespmem:s25+$0x8960];
	v7 =	vadd.f32 v7, v11;
	v9 =	vadd.f32 v21, v16  }
0x1d4: {  	v11 =	vld [tilespmem:s25+$0x8970];
	v13 =	vadd.f32 v22, v14;
	v8 =	vadd.f32 v18, v8  }
0x1d5: {  	v14 =	vld [tilespmem:s25+$0x89E0];
	v12 =	vadd.f32 v27, v12;
	v9 =	vadd.f32 v19, v9  }
0x1d6: {  	v16 =	vld [tilespmem:s25+$0x89F0];
	v13 =	vadd.f32 v23, v13;
	v8 =	vadd.f32 v15, v8  }
0x1d7: {  	v18 =	vld [tilespmem:s25+$0x8A60];
	v12 =	vadd.f32 v24, v12;
	v9 =	vadd.f32 v17, v9  }
0x1d8: {  	v15 =	vld [tilespmem:s25+$0x8A70];
	[tilespmem:s23+$0xF200] =	vst v4;
	v10 =	vadd.f32 v10, v13;
	v3 =	vadd.f32 v3, v8  }
0x1d9: {  	[tilespmem:s23+$0xF210] =	vst v5;
	v4 =	vadd.f32 v11, v12;
	v2 =	vadd.f32 v2, v9  }
0x1da: {  	[tilespmem:s23+$0xF220] =	vst v6;
	v5 =	vadd.f32 v14, v10;
	v0 =	vadd.f32 v0, v3  }
0x1db: {  	[tilespmem:s23+$0xF230] =	vst v7;
	v3 =	vadd.f32 v16, v4;
	v1 =	vadd.f32 v1, v2  }
0x1dc: {  	v2 =	vadd.f32 v18, v5;
	[tilespmem:s23+$0xF240] =	vst v0  }
0x1dd: {  	v0 =	vadd.f32 v15, v3;
	[tilespmem:s23+$0xF250] =	vst v1  }
0x1de: {  	[tilespmem:s23+$0xF260] =	vst v2  }
0x1df: {  	s25 =	simm.s32 $0x0;
	[tilespmem:s23+$0xF270] =	vst v0  }
0x1e0: {  	v4 =	vld [tilespmem:s25+$0xA300]  }
0x1e1: {  	v5 =	vld [tilespmem:s25+$0xA310]  }
0x1e2: {  	v6 =	vld [tilespmem:s25+$0xA320]  }
0x1e3: {  	v7 =	vld [tilespmem:s25+$0xA330]  }
0x1e4: {  	v0 =	vld [tilespmem:s25+$0xA340]  }
0x1e5: {  	v1 =	vld [tilespmem:s25+$0xA350]  }
0x1e6: {  	v10 =	vld [tilespmem:s25+$0xA280]  }
0x1e7: {  	v13 =	vld [tilespmem:s25+$0xA290]  }
0x1e8: {  	v9 =	vld [tilespmem:s25+$0xA2A0]  }
0x1e9: {  	v11 =	vld [tilespmem:s25+$0xA2B0]  }
0x1ea: {  	v3 =	vld [tilespmem:s25+$0xA2C0]  }
0x1eb: {  	v2 =	vld [tilespmem:s25+$0xA2D0]  }
0x1ec: {  	v12 =	vld [tilespmem:s25+$0xA200]  }
0x1ed: {  	v14 =	vld [tilespmem:s25+$0xA210]  }
0x1ee: {  	v16 =	vld [tilespmem:s25+$0xA220]  }
0x1ef: {  	v19 =	vld [tilespmem:s25+$0xA180]  }
0x1f0: {  	v20 =	vld [tilespmem:s25+$0xA190]  }
0x1f1: {  	v17 =	vld [tilespmem:s25+$0xA100]  }
0x1f2: {  	v18 =	vld [tilespmem:s25+$0xA110]  }
0x1f3: {  	v21 =	vld [tilespmem:s25+$0xA120]  }
0x1f4: {  	v22 =	vld [tilespmem:s25+$0xA130]  }
0x1f5: {  	v23 =	vld [tilespmem:s25+$0xA1A0]  }
0x1f6: {  	v24 =	vld [tilespmem:s25+$0xA1B0]  }
0x1f7: {  	v8 =	vimm.f32 $0.0e+00;
	v26 =	vld [tilespmem:s25+$0xA230]  }
0x1f8: {  	v15 =	vld [tilespmem:s25+$0xA240];
	v25 =	vadd.f32 v17, v8;
	v27 =	vadd.f32 v18, v8  }
0x1f9: {  	v17 =	vld [tilespmem:s25+$0xA250];
	v21 =	vadd.f32 v21, v8;
	v22 =	vadd.f32 v22, v8  }
0x1fa: {  	v18 =	vld [tilespmem:s25+$0xA1C0];
	v25 =	vadd.f32 v19, v25;
	v27 =	vadd.f32 v20, v27  }
0x1fb: {  	v19 =	vld [tilespmem:s25+$0xA1D0];
	v28 =	vadd.f32 v23, v21;
	v22 =	vadd.f32 v24, v22  }
0x1fc: {  	v20 =	vld [tilespmem:s25+$0xA140];
	v23 =	vadd.f32 v12, v25;
	v24 =	vadd.f32 v14, v27  }
0x1fd: {  	v21 =	vld [tilespmem:s25+$0xA150];
	v25 =	vadd.f32 v16, v28;
	v26 =	vadd.f32 v26, v22  }
0x1fe: {  	s26 =	simm.s32 $0xA00;
	v22 =	vld [tilespmem:s25+$0xA160];
	v16 =	vimm.f32 $0.0e+00;
	v14 =	vimm.f32 $0.0e+00;
	v12 =	vimm.f32 $0.0e+00  }
.LBB2_13:
0x1ff: {  	p1 =	sne.s32 s26, $0x5A00;
	v27 =	vld [tilespmem:s25+$0xA170];
	v10 =	vadd.f32 v10, v23;
	v13 =	vadd.f32 v13, v24  }
0x200: {  	v23 =	vld [tilespmem:s25+$0xA1E0];
	v9 =	vadd.f32 v9, v25;
	v11 =	vadd.f32 v11, v26  }
0x201: {  	v24 =	vld [tilespmem:s25+$0xA1F0];
	v25 =	vadd.f32 v4, v10;
	v26 =	vadd.f32 v5, v13  }
0x202: {  	v5 =	vld [tilespmem:s25+$0xA260];
	v28 =	vadd.f32 v6, v9;
	v29 =	vadd.f32 v7, v11  }
0x203: {  	v4 =	vadd.f32 v20, v8;
	v6 =	vadd.f32 v21, v16;
	v7 =	vld [tilespmem:s25+$0xA270]  }
0x204: {  	v8 =	vadd.f32 v22, v14;
	v9 =	vadd.f32 v27, v12;
	v10 =	vld [tilespmem:s25+$0xA2E0]  }
0x205: {  	v4 =	vadd.f32 v18, v4;
	v6 =	vadd.f32 v19, v6;
	v11 =	vld [tilespmem:s25+$0xA2F0]  }
0x206: {  	v8 =	vadd.f32 v23, v8;
	v9 =	vadd.f32 v24, v9;
	v12 =	vld [tilespmem:s25+$0xA360]  }
0x207: {  	v13 =	vadd.f32 v15, v4;
	v6 =	vadd.f32 v17, v6;
	v15 =	vld [tilespmem:s25+$0xA370];
	s25 =	sshra.s32 s26, $0x2  }
0x208: {  	v8 =	vadd.f32 v5, v8;
	v4 =	vld [tilespmem:s25+$0xA300];
	v7 =	vadd.f32 v7, v9  }
0x209: {  	v3 =	vadd.f32 v3, v13;
	v2 =	vadd.f32 v2, v6;
	v5 =	vld [tilespmem:s25+$0xA310]  }
0x20a: {  	v9 =	vadd.f32 v10, v8;
	v6 =	vld [tilespmem:s25+$0xA320];
	v10 =	vadd.f32 v11, v7  }
0x20b: {  	v8 =	vadd.f32 v0, v3;
	v16 =	vadd.f32 v1, v2;
	v7 =	vld [tilespmem:s25+$0xA330]  }
0x20c: {  	v14 =	vadd.f32 v12, v9;
	v0 =	vld [tilespmem:s25+$0xA340];
	v12 =	vadd.f32 v15, v10  }
0x20d: {  	v1 =	vld [tilespmem:s25+$0xA350]  }
0x20e: {  	v10 =	vld [tilespmem:s25+$0xA280]  }
0x20f: {  	v13 =	vld [tilespmem:s25+$0xA290]  }
0x210: {  	v9 =	vld [tilespmem:s25+$0xA2A0]  }
0x211: {  	v11 =	vld [tilespmem:s25+$0xA2B0]  }
0x212: {  	v3 =	vld [tilespmem:s25+$0xA2C0]  }
0x213: {  	v2 =	vld [tilespmem:s25+$0xA2D0]  }
0x214: {  	v22 =	vld [tilespmem:s25+$0xA200]  }
0x215: {  	v24 =	vld [tilespmem:s25+$0xA210]  }
0x216: {  	v27 =	vld [tilespmem:s25+$0xA220]  }
0x217: {  	v30 =	vld [tilespmem:s25+$0xA230]  }
0x218: {  	v19 =	vld [tilespmem:s25+$0xA180]  }
0x219: {  	v20 =	vld [tilespmem:s25+$0xA190]  }
0x21a: {  	v17 =	vld [tilespmem:s25+$0xA100]  }
0x21b: {  	v18 =	vld [tilespmem:s25+$0xA110]  }
0x21c: {  	v21 =	vld [tilespmem:s25+$0xA120]  }
0x21d: {  	v23 =	vld [tilespmem:s25+$0xA130]  }
0x21e: {  	v31 =	vld [tilespmem:s25+$0xA1A0]  }
0x21f: {  	v32 =	vld [tilespmem:s25+$0xA1B0]  }
0x220: {  	v15 =	vld [tilespmem:s25+$0xA240]  }
0x221: {  	v25 =	vadd.f32 v17, v25;
	v26 =	vadd.f32 v18, v26;
	v17 =	vld [tilespmem:s25+$0xA250]  }
.Ltmp5:
0x222: {  	v21 =	vadd.f32 v21, v28;
	v23 =	vadd.f32 v23, v29;
	v18 =	vld [tilespmem:s25+$0xA1C0];
	(pc) =	sbr.rel @p1 .LBB2_13-.Ltmp5, $4  }
0x223: {  	v25 =	vadd.f32 v19, v25;
	v26 =	vadd.f32 v20, v26;
	v19 =	vld [tilespmem:s25+$0xA1D0]  }
0x224: {  	v28 =	vadd.f32 v31, v21;
	v20 =	vld [tilespmem:s25+$0xA140];
	v29 =	vadd.f32 v32, v23  }
0x225: {  	v23 =	vadd.f32 v22, v25;
	v24 =	vadd.f32 v24, v26;
	v21 =	vld [tilespmem:s25+$0xA150]  }
0x226: {  	s26 =	sadd.s32 $0xA00, s26;
	v25 =	vadd.f32 v27, v28;
	v22 =	vld [tilespmem:s25+$0xA160];
	v26 =	vadd.f32 v30, v29  }
0x227: {  	v10 =	vadd.f32 v10, v23;
	v13 =	vadd.f32 v13, v24  }
0x228: {  	v27 =	vld [tilespmem:s25+$0xA170];
	v9 =	vadd.f32 v9, v25;
	v11 =	vadd.f32 v11, v26  }
0x229: {  	v23 =	vld [tilespmem:s25+$0xA1E0];
	v4 =	vadd.f32 v4, v10;
	v5 =	vadd.f32 v5, v13  }
0x22a: {  	v24 =	vld [tilespmem:s25+$0xA1F0];
	v8 =	vadd.f32 v20, v8;
	v6 =	vadd.f32 v6, v9  }
0x22b: {  	v10 =	vld [tilespmem:s25+$0xA260];
	v7 =	vadd.f32 v7, v11;
	v9 =	vadd.f32 v21, v16  }
0x22c: {  	v11 =	vld [tilespmem:s25+$0xA270];
	v13 =	vadd.f32 v22, v14;
	v8 =	vadd.f32 v18, v8  }
0x22d: {  	v14 =	vld [tilespmem:s25+$0xA2E0];
	v12 =	vadd.f32 v27, v12;
	v9 =	vadd.f32 v19, v9  }
0x22e: {  	v16 =	vld [tilespmem:s25+$0xA2F0];
	v13 =	vadd.f32 v23, v13;
	v8 =	vadd.f32 v15, v8  }
0x22f: {  	v18 =	vld [tilespmem:s25+$0xA360];
	v12 =	vadd.f32 v24, v12;
	v9 =	vadd.f32 v17, v9  }
0x230: {  	v15 =	vld [tilespmem:s25+$0xA370];
	[tilespmem:s23+$0xF280] =	vst v4;
	v10 =	vadd.f32 v10, v13;
	v3 =	vadd.f32 v3, v8  }
0x231: {  	[tilespmem:s23+$0xF290] =	vst v5;
	v4 =	vadd.f32 v11, v12;
	v2 =	vadd.f32 v2, v9  }
0x232: {  	[tilespmem:s23+$0xF2A0] =	vst v6;
	v5 =	vadd.f32 v14, v10;
	v0 =	vadd.f32 v0, v3  }
0x233: {  	[tilespmem:s23+$0xF2B0] =	vst v7;
	v3 =	vadd.f32 v16, v4;
	v1 =	vadd.f32 v1, v2  }
0x234: {  	v2 =	vadd.f32 v18, v5;
	[tilespmem:s23+$0xF2C0] =	vst v0  }
0x235: {  	v0 =	vadd.f32 v15, v3;
	[tilespmem:s23+$0xF2D0] =	vst v1  }
0x236: {  	[tilespmem:s23+$0xF2E0] =	vst v2  }
0x237: {  	[tilespmem:s23+$0xF2F0] =	vst v0  }
0x238: {  	_ =	swait.ge [sflag:s18], $0x3200  }
0x239: {  	s25 =	simm.s32 @!p0 $0x8800;
	[sflag:s18] =	ssyncset.done $0x0  }
0x23a: {  	s23 =	sadd.s32 @!p0 $0x300, s24;
	s24 =	simm.s32 @!p0 $0x64;
	[sflag:s18] =	ssyncadd.s32 $0xFFFFCE00  }
0x23b: {  	[tilespmem:s25], [sflag:$0x3] =	stream.indirect.gather @!p0 [hbm4b:s2+s24], $0x80, s23, s24, $0xb8;
	[tilespmem:$0x13000] =	vst v63  }
0x23c: {  	s23 =	simm.s32 $0x0  }
0x23d: {  	v4 =	vld [tilespmem:s23+$0xBE00]  }
0x23e: {  	v5 =	vld [tilespmem:s23+$0xBE10]  }
0x23f: {  	v6 =	vld [tilespmem:s23+$0xBE20]  }
0x240: {  	v7 =	vld [tilespmem:s23+$0xBE30]  }
0x241: {  	v0 =	vld [tilespmem:s23+$0xBE40]  }
0x242: {  	v1 =	vld [tilespmem:s23+$0xBE50]  }
0x243: {  	v10 =	vld [tilespmem:s23+$0xBD80]  }
0x244: {  	v13 =	vld [tilespmem:s23+$0xBD90]  }
0x245: {  	v9 =	vld [tilespmem:s23+$0xBDA0]  }
0x246: {  	v11 =	vld [tilespmem:s23+$0xBDB0]  }
0x247: {  	v3 =	vld [tilespmem:s23+$0xBDC0]  }
0x248: {  	v2 =	vld [tilespmem:s23+$0xBDD0]  }
0x249: {  	v12 =	vld [tilespmem:s23+$0xBD00]  }
0x24a: {  	v14 =	vld [tilespmem:s23+$0xBD10]  }
0x24b: {  	v16 =	vld [tilespmem:s23+$0xBD20]  }
0x24c: {  	v19 =	vld [tilespmem:s23+$0xBC80]  }
0x24d: {  	v20 =	vld [tilespmem:s23+$0xBC90]  }
0x24e: {  	v17 =	vld [tilespmem:s23+$0xBC00]  }
0x24f: {  	v18 =	vld [tilespmem:s23+$0xBC10]  }
0x250: {  	v21 =	vld [tilespmem:s23+$0xBC20]  }
0x251: {  	v22 =	vld [tilespmem:s23+$0xBC30]  }
0x252: {  	v23 =	vld [tilespmem:s23+$0xBCA0]  }
0x253: {  	v24 =	vld [tilespmem:s23+$0xBCB0]  }
0x254: {  	v8 =	vimm.f32 $0.0e+00;
	v26 =	vld [tilespmem:s23+$0xBD30]  }
0x255: {  	v15 =	vld [tilespmem:s23+$0xBD40];
	v25 =	vadd.f32 v17, v8;
	v27 =	vadd.f32 v18, v8  }
0x256: {  	v17 =	vld [tilespmem:s23+$0xBD50];
	v21 =	vadd.f32 v21, v8;
	v22 =	vadd.f32 v22, v8  }
0x257: {  	v18 =	vld [tilespmem:s23+$0xBCC0];
	v25 =	vadd.f32 v19, v25;
	v27 =	vadd.f32 v20, v27  }
0x258: {  	v19 =	vld [tilespmem:s23+$0xBCD0];
	v28 =	vadd.f32 v23, v21;
	v22 =	vadd.f32 v24, v22  }
0x259: {  	v20 =	vld [tilespmem:s23+$0xBC40];
	v23 =	vadd.f32 v12, v25;
	v24 =	vadd.f32 v14, v27  }
0x25a: {  	v21 =	vld [tilespmem:s23+$0xBC50];
	v25 =	vadd.f32 v16, v28;
	v26 =	vadd.f32 v26, v22  }
0x25b: {  	s24 =	simm.s32 $0xA00;
	v22 =	vld [tilespmem:s23+$0xBC60];
	v16 =	vimm.f32 $0.0e+00;
	v14 =	vimm.f32 $0.0e+00;
	v12 =	vimm.f32 $0.0e+00  }
.LBB2_15:
0x25c: {  	p0 =	sne.s32 s24, $0x5A00;
	v27 =	vld [tilespmem:s23+$0xBC70];
	v10 =	vadd.f32 v10, v23;
	v13 =	vadd.f32 v13, v24  }
0x25d: {  	v23 =	vld [tilespmem:s23+$0xBCE0];
	v9 =	vadd.f32 v9, v25;
	v11 =	vadd.f32 v11, v26  }
0x25e: {  	v24 =	vld [tilespmem:s23+$0xBCF0];
	v25 =	vadd.f32 v4, v10;
	v26 =	vadd.f32 v5, v13  }
0x25f: {  	v5 =	vld [tilespmem:s23+$0xBD60];
	v28 =	vadd.f32 v6, v9;
	v29 =	vadd.f32 v7, v11  }
0x260: {  	v4 =	vadd.f32 v20, v8;
	v6 =	vadd.f32 v21, v16;
	v7 =	vld [tilespmem:s23+$0xBD70]  }
0x261: {  	v8 =	vadd.f32 v22, v14;
	v9 =	vadd.f32 v27, v12;
	v10 =	vld [tilespmem:s23+$0xBDE0]  }
0x262: {  	v4 =	vadd.f32 v18, v4;
	v6 =	vadd.f32 v19, v6;
	v11 =	vld [tilespmem:s23+$0xBDF0]  }
0x263: {  	v8 =	vadd.f32 v23, v8;
	v9 =	vadd.f32 v24, v9;
	v12 =	vld [tilespmem:s23+$0xBE60]  }
0x264: {  	v13 =	vadd.f32 v15, v4;
	v6 =	vadd.f32 v17, v6;
	v15 =	vld [tilespmem:s23+$0xBE70];
	s23 =	sshra.s32 s24, $0x2  }
0x265: {  	v8 =	vadd.f32 v5, v8;
	v4 =	vld [tilespmem:s23+$0xBE00];
	v7 =	vadd.f32 v7, v9  }
0x266: {  	v3 =	vadd.f32 v3, v13;
	v2 =	vadd.f32 v2, v6;
	v5 =	vld [tilespmem:s23+$0xBE10]  }
0x267: {  	v9 =	vadd.f32 v10, v8;
	v6 =	vld [tilespmem:s23+$0xBE20];
	v10 =	vadd.f32 v11, v7  }
0x268: {  	v8 =	vadd.f32 v0, v3;
	v16 =	vadd.f32 v1, v2;
	v7 =	vld [tilespmem:s23+$0xBE30]  }
0x269: {  	v14 =	vadd.f32 v12, v9;
	v0 =	vld [tilespmem:s23+$0xBE40];
	v12 =	vadd.f32 v15, v10  }
0x26a: {  	v1 =	vld [tilespmem:s23+$0xBE50]  }
0x26b: {  	v10 =	vld [tilespmem:s23+$0xBD80]  }
0x26c: {  	v13 =	vld [tilespmem:s23+$0xBD90]  }
0x26d: {  	v9 =	vld [tilespmem:s23+$0xBDA0]  }
0x26e: {  	v11 =	vld [tilespmem:s23+$0xBDB0]  }
0x26f: {  	v3 =	vld [tilespmem:s23+$0xBDC0]  }
0x270: {  	v2 =	vld [tilespmem:s23+$0xBDD0]  }
0x271: {  	v22 =	vld [tilespmem:s23+$0xBD00]  }
0x272: {  	v24 =	vld [tilespmem:s23+$0xBD10]  }
0x273: {  	v27 =	vld [tilespmem:s23+$0xBD20]  }
0x274: {  	v30 =	vld [tilespmem:s23+$0xBD30]  }
0x275: {  	v19 =	vld [tilespmem:s23+$0xBC80]  }
0x276: {  	v20 =	vld [tilespmem:s23+$0xBC90]  }
0x277: {  	v17 =	vld [tilespmem:s23+$0xBC00]  }
0x278: {  	v18 =	vld [tilespmem:s23+$0xBC10]  }
0x279: {  	v21 =	vld [tilespmem:s23+$0xBC20]  }
0x27a: {  	v23 =	vld [tilespmem:s23+$0xBC30]  }
0x27b: {  	v31 =	vld [tilespmem:s23+$0xBCA0]  }
0x27c: {  	v32 =	vld [tilespmem:s23+$0xBCB0]  }
0x27d: {  	v15 =	vld [tilespmem:s23+$0xBD40]  }
0x27e: {  	v25 =	vadd.f32 v17, v25;
	v26 =	vadd.f32 v18, v26;
	v17 =	vld [tilespmem:s23+$0xBD50]  }
.Ltmp6:
0x27f: {  	v21 =	vadd.f32 v21, v28;
	v23 =	vadd.f32 v23, v29;
	v18 =	vld [tilespmem:s23+$0xBCC0];
	(pc) =	sbr.rel @p0 .LBB2_15-.Ltmp6, $4  }
0x280: {  	v25 =	vadd.f32 v19, v25;
	v26 =	vadd.f32 v20, v26;
	v19 =	vld [tilespmem:s23+$0xBCD0]  }
0x281: {  	v28 =	vadd.f32 v31, v21;
	v20 =	vld [tilespmem:s23+$0xBC40];
	v29 =	vadd.f32 v32, v23  }
0x282: {  	v23 =	vadd.f32 v22, v25;
	v24 =	vadd.f32 v24, v26;
	v21 =	vld [tilespmem:s23+$0xBC50]  }
0x283: {  	s24 =	sadd.s32 $0xA00, s24;
	v25 =	vadd.f32 v27, v28;
	v22 =	vld [tilespmem:s23+$0xBC60];
	v26 =	vadd.f32 v30, v29  }
0x284: {  	v10 =	vadd.f32 v10, v23;
	v13 =	vadd.f32 v13, v24  }
0x285: {  	v27 =	vld [tilespmem:s23+$0xBC70];
	v9 =	vadd.f32 v9, v25;
	v11 =	vadd.f32 v11, v26  }
0x286: {  	v23 =	vld [tilespmem:s23+$0xBCE0];
	v4 =	vadd.f32 v4, v10;
	v5 =	vadd.f32 v5, v13  }
0x287: {  	v24 =	vld [tilespmem:s23+$0xBCF0];
	v8 =	vadd.f32 v20, v8;
	v6 =	vadd.f32 v6, v9  }
0x288: {  	v10 =	vld [tilespmem:s23+$0xBD60];
	v7 =	vadd.f32 v7, v11;
	v9 =	vadd.f32 v21, v16  }
0x289: {  	v11 =	vld [tilespmem:s23+$0xBD70];
	v13 =	vadd.f32 v22, v14;
	v8 =	vadd.f32 v18, v8  }
0x28a: {  	v14 =	vld [tilespmem:s23+$0xBDE0];
	v12 =	vadd.f32 v27, v12;
	v9 =	vadd.f32 v19, v9  }
0x28b: {  	s22 =	sshll.u32 s22, $0x8;
	v16 =	vld [tilespmem:s23+$0xBDF0];
	v13 =	vadd.f32 v23, v13;
	v8 =	vadd.f32 v15, v8  }
0x28c: {  	s22 =	sand.u32 $0x3FFFFF00, s22;
	v18 =	vld [tilespmem:s23+$0xBE60];
	v12 =	vadd.f32 v24, v12;
	v9 =	vadd.f32 v17, v9  }
0x28d: {  	v15 =	vld [tilespmem:s23+$0xBE70];
	[tilespmem:s22+$0xF000] =	vst v4;
	v10 =	vadd.f32 v10, v13;
	v3 =	vadd.f32 v3, v8  }
0x28e: {  	[tilespmem:s22+$0xF010] =	vst v5;
	v4 =	vadd.f32 v11, v12;
	v2 =	vadd.f32 v2, v9  }
0x28f: {  	[tilespmem:s22+$0xF020] =	vst v6;
	v5 =	vadd.f32 v14, v10;
	v0 =	vadd.f32 v0, v3  }
0x290: {  	[tilespmem:s22+$0xF030] =	vst v7;
	v3 =	vadd.f32 v16, v4;
	v1 =	vadd.f32 v1, v2  }
0x291: {  	v2 =	vadd.f32 v18, v5;
	[tilespmem:s22+$0xF040] =	vst v0  }
0x292: {  	v0 =	vadd.f32 v15, v3;
	[tilespmem:s22+$0xF050] =	vst v1  }
0x293: {  	[tilespmem:s22+$0xF060] =	vst v2  }
0x294: {  	s23 =	simm.s32 $0x0;
	[tilespmem:s22+$0xF070] =	vst v0  }
0x295: {  	v4 =	vld [tilespmem:s23+$0xD700]  }
0x296: {  	v5 =	vld [tilespmem:s23+$0xD710]  }
0x297: {  	v6 =	vld [tilespmem:s23+$0xD720]  }
0x298: {  	v7 =	vld [tilespmem:s23+$0xD730]  }
0x299: {  	v0 =	vld [tilespmem:s23+$0xD740]  }
0x29a: {  	v1 =	vld [tilespmem:s23+$0xD750]  }
0x29b: {  	v10 =	vld [tilespmem:s23+$0xD680]  }
0x29c: {  	v13 =	vld [tilespmem:s23+$0xD690]  }
0x29d: {  	v9 =	vld [tilespmem:s23+$0xD6A0]  }
0x29e: {  	v11 =	vld [tilespmem:s23+$0xD6B0]  }
0x29f: {  	v3 =	vld [tilespmem:s23+$0xD6C0]  }
0x2a0: {  	v2 =	vld [tilespmem:s23+$0xD6D0]  }
0x2a1: {  	v12 =	vld [tilespmem:s23+$0xD600]  }
0x2a2: {  	v14 =	vld [tilespmem:s23+$0xD610]  }
0x2a3: {  	v16 =	vld [tilespmem:s23+$0xD620]  }
0x2a4: {  	v19 =	vld [tilespmem:s23+$0xD580]  }
0x2a5: {  	v20 =	vld [tilespmem:s23+$0xD590]  }
0x2a6: {  	v17 =	vld [tilespmem:s23+$0xD500]  }
0x2a7: {  	v18 =	vld [tilespmem:s23+$0xD510]  }
0x2a8: {  	v21 =	vld [tilespmem:s23+$0xD520]  }
0x2a9: {  	v22 =	vld [tilespmem:s23+$0xD530]  }
0x2aa: {  	v23 =	vld [tilespmem:s23+$0xD5A0]  }
0x2ab: {  	v24 =	vld [tilespmem:s23+$0xD5B0]  }
0x2ac: {  	v8 =	vimm.f32 $0.0e+00;
	v26 =	vld [tilespmem:s23+$0xD630]  }
0x2ad: {  	v15 =	vld [tilespmem:s23+$0xD640];
	v25 =	vadd.f32 v17, v8;
	v27 =	vadd.f32 v18, v8  }
0x2ae: {  	v17 =	vld [tilespmem:s23+$0xD650];
	v21 =	vadd.f32 v21, v8;
	v22 =	vadd.f32 v22, v8  }
0x2af: {  	v18 =	vld [tilespmem:s23+$0xD5C0];
	v25 =	vadd.f32 v19, v25;
	v27 =	vadd.f32 v20, v27  }
0x2b0: {  	v19 =	vld [tilespmem:s23+$0xD5D0];
	v28 =	vadd.f32 v23, v21;
	v22 =	vadd.f32 v24, v22  }
0x2b1: {  	v20 =	vld [tilespmem:s23+$0xD540];
	v23 =	vadd.f32 v12, v25;
	v24 =	vadd.f32 v14, v27  }
0x2b2: {  	v21 =	vld [tilespmem:s23+$0xD550];
	v25 =	vadd.f32 v16, v28;
	v26 =	vadd.f32 v26, v22  }
0x2b3: {  	s24 =	simm.s32 $0xA00;
	v22 =	vld [tilespmem:s23+$0xD560];
	v16 =	vimm.f32 $0.0e+00;
	v14 =	vimm.f32 $0.0e+00;
	v12 =	vimm.f32 $0.0e+00  }
.LBB2_17:
0x2b4: {  	p0 =	sne.s32 s24, $0x5A00;
	v27 =	vld [tilespmem:s23+$0xD570];
	v10 =	vadd.f32 v10, v23;
	v13 =	vadd.f32 v13, v24  }
0x2b5: {  	v23 =	vld [tilespmem:s23+$0xD5E0];
	v9 =	vadd.f32 v9, v25;
	v11 =	vadd.f32 v11, v26  }
0x2b6: {  	v24 =	vld [tilespmem:s23+$0xD5F0];
	v25 =	vadd.f32 v4, v10;
	v26 =	vadd.f32 v5, v13  }
0x2b7: {  	v5 =	vld [tilespmem:s23+$0xD660];
	v28 =	vadd.f32 v6, v9;
	v29 =	vadd.f32 v7, v11  }
0x2b8: {  	v4 =	vadd.f32 v20, v8;
	v6 =	vadd.f32 v21, v16;
	v7 =	vld [tilespmem:s23+$0xD670]  }
0x2b9: {  	v8 =	vadd.f32 v22, v14;
	v9 =	vadd.f32 v27, v12;
	v10 =	vld [tilespmem:s23+$0xD6E0]  }
0x2ba: {  	v4 =	vadd.f32 v18, v4;
	v6 =	vadd.f32 v19, v6;
	v11 =	vld [tilespmem:s23+$0xD6F0]  }
0x2bb: {  	v8 =	vadd.f32 v23, v8;
	v9 =	vadd.f32 v24, v9;
	v12 =	vld [tilespmem:s23+$0xD760]  }
0x2bc: {  	v13 =	vadd.f32 v15, v4;
	v6 =	vadd.f32 v17, v6;
	v15 =	vld [tilespmem:s23+$0xD770];
	s23 =	sshra.s32 s24, $0x2  }
0x2bd: {  	v8 =	vadd.f32 v5, v8;
	v4 =	vld [tilespmem:s23+$0xD700];
	v7 =	vadd.f32 v7, v9  }
0x2be: {  	v3 =	vadd.f32 v3, v13;
	v2 =	vadd.f32 v2, v6;
	v5 =	vld [tilespmem:s23+$0xD710]  }
0x2bf: {  	v9 =	vadd.f32 v10, v8;
	v6 =	vld [tilespmem:s23+$0xD720];
	v10 =	vadd.f32 v11, v7  }
0x2c0: {  	v8 =	vadd.f32 v0, v3;
	v16 =	vadd.f32 v1, v2;
	v7 =	vld [tilespmem:s23+$0xD730]  }
0x2c1: {  	v14 =	vadd.f32 v12, v9;
	v0 =	vld [tilespmem:s23+$0xD740];
	v12 =	vadd.f32 v15, v10  }
0x2c2: {  	v1 =	vld [tilespmem:s23+$0xD750]  }
0x2c3: {  	v10 =	vld [tilespmem:s23+$0xD680]  }
0x2c4: {  	v13 =	vld [tilespmem:s23+$0xD690]  }
0x2c5: {  	v9 =	vld [tilespmem:s23+$0xD6A0]  }
0x2c6: {  	v11 =	vld [tilespmem:s23+$0xD6B0]  }
0x2c7: {  	v3 =	vld [tilespmem:s23+$0xD6C0]  }
0x2c8: {  	v2 =	vld [tilespmem:s23+$0xD6D0]  }
0x2c9: {  	v22 =	vld [tilespmem:s23+$0xD600]  }
0x2ca: {  	v24 =	vld [tilespmem:s23+$0xD610]  }
0x2cb: {  	v27 =	vld [tilespmem:s23+$0xD620]  }
0x2cc: {  	v30 =	vld [tilespmem:s23+$0xD630]  }
0x2cd: {  	v19 =	vld [tilespmem:s23+$0xD580]  }
0x2ce: {  	v20 =	vld [tilespmem:s23+$0xD590]  }
0x2cf: {  	v17 =	vld [tilespmem:s23+$0xD500]  }
0x2d0: {  	v18 =	vld [tilespmem:s23+$0xD510]  }
0x2d1: {  	v21 =	vld [tilespmem:s23+$0xD520]  }
0x2d2: {  	v23 =	vld [tilespmem:s23+$0xD530]  }
0x2d3: {  	v31 =	vld [tilespmem:s23+$0xD5A0]  }
0x2d4: {  	v32 =	vld [tilespmem:s23+$0xD5B0]  }
0x2d5: {  	v15 =	vld [tilespmem:s23+$0xD640]  }
0x2d6: {  	v25 =	vadd.f32 v17, v25;
	v26 =	vadd.f32 v18, v26;
	v17 =	vld [tilespmem:s23+$0xD650]  }
.Ltmp7:
0x2d7: {  	v21 =	vadd.f32 v21, v28;
	v23 =	vadd.f32 v23, v29;
	v18 =	vld [tilespmem:s23+$0xD5C0];
	(pc) =	sbr.rel @p0 .LBB2_17-.Ltmp7, $4  }
0x2d8: {  	v25 =	vadd.f32 v19, v25;
	v26 =	vadd.f32 v20, v26;
	v19 =	vld [tilespmem:s23+$0xD5D0]  }
0x2d9: {  	v28 =	vadd.f32 v31, v21;
	v20 =	vld [tilespmem:s23+$0xD540];
	v29 =	vadd.f32 v32, v23  }
0x2da: {  	v23 =	vadd.f32 v22, v25;
	v24 =	vadd.f32 v24, v26;
	v21 =	vld [tilespmem:s23+$0xD550]  }
0x2db: {  	s24 =	sadd.s32 $0xA00, s24;
	v25 =	vadd.f32 v27, v28;
	v22 =	vld [tilespmem:s23+$0xD560];
	v26 =	vadd.f32 v30, v29  }
0x2dc: {  	v10 =	vadd.f32 v10, v23;
	v13 =	vadd.f32 v13, v24  }
0x2dd: {  	v27 =	vld [tilespmem:s23+$0xD570];
	v9 =	vadd.f32 v9, v25;
	v11 =	vadd.f32 v11, v26  }
0x2de: {  	v49 =	vld [tilespmem:s23+$0xD5E0];
	v4 =	vadd.f32 v4, v10;
	v5 =	vadd.f32 v5, v13  }
0x2df: {  	v50 =	vld [tilespmem:s23+$0xD5F0];
	v8 =	vadd.f32 v20, v8;
	v6 =	vadd.f32 v6, v9  }
0x2e0: {  	v51 =	vld [tilespmem:s23+$0xD660];
	v7 =	vadd.f32 v7, v11;
	v52 =	vadd.f32 v21, v16  }
0x2e1: {  	v53 =	vld [tilespmem:s23+$0xD670];
	v54 =	vadd.f32 v22, v14;
	v8 =	vadd.f32 v18, v8  }
0x2e2: {  	v55 =	vld [tilespmem:s23+$0xD6E0];
	v12 =	vadd.f32 v27, v12;
	v9 =	vadd.f32 v19, v52  }
0x2e3: {  	v56 =	vld [tilespmem:s23+$0xD6F0];
	v13 =	vadd.f32 v49, v54;
	v8 =	vadd.f32 v15, v8  }
0x2e4: {  	v57 =	vld [tilespmem:s23+$0xD760];
	v12 =	vadd.f32 v50, v12;
	v9 =	vadd.f32 v17, v9  }
0x2e5: {  	v58 =	vld [tilespmem:s23+$0xD770];
	[tilespmem:s22+$0xF080] =	vst v4;
	v10 =	vadd.f32 v51, v13;
	v3 =	vadd.f32 v3, v8  }
0x2e6: {  	s21 =	sadd.s32 $0x1, s21;
	[tilespmem:s22+$0xF090] =	vst v5;
	v59 =	vadd.f32 v53, v12;
	v2 =	vadd.f32 v2, v9  }
0x2e7: {  	p0 =	sne.s32 s21, $0x10;
	[tilespmem:s22+$0xF0A0] =	vst v6;
	v60 =	vadd.f32 v55, v10;
	v0 =	vadd.f32 v0, v3  }
.Ltmp8:
0x2e8: {  	[tilespmem:s22+$0xF0B0] =	vst v7;
	v61 =	vadd.f32 v56, v59;
	v1 =	vadd.f32 v1, v2;
	(pc) =	sbr.rel @p0 .LBB2_2-.Ltmp8, $4  }
0x2e9: {  	v62 =	vadd.f32 v57, v60;
	[tilespmem:s22+$0xF0C0] =	vst v0  }
0x2ea: {  	v63 =	vadd.f32 v58, v61;
	[tilespmem:s22+$0xF0D0] =	vst v1  }
0x2eb: {  	[tilespmem:s22+$0xF0E0] =	vst v62  }
0x2ec: {  	[tilespmem:s22+$0xF0F0] =	vst v63  }
0x2ed: {  	s20 =	sadd.s32 $0x1, s20  }
0x2ee: {  	p0 =	sne.s32 s20, s6  }
.Ltmp9:
0x2ef: {  	_ = 	snop;
	(pc) =	sbr.rel @p0 .LBB2_1-.Ltmp9, $4  }
0x2f0: {  	[hbm4b:s5+s3] =	stream.linear.scatter [tilespmem:s19], [sflag:$0x5], $0x4000, $0x38;
	[tilespmem:$0x13000] =	vst v63  }
0x2f1: {  	_ =	swait.ge [sflag:s7], $0x4000  }
0x2f2: {  	[sflag:s7] =	ssyncset.done $0x0  }
0x2f3: {  	[sflag:s7] =	ssyncadd.s32 $0xFFFFC000  }
0x2f4: {  	_ =	sfence.sel $0x180000  }
0x2f5: {  	[bflag:$0x0] =	sbarrier.arrive $0xFFFF  }
0x2f6: {  	p0 =	sne.s32 s1, $0x0;
	_ =	strace $0x90000047  }
0x2f7: {  	s0 =	sadd.s32 @!p0 $0x100000, s0;
	[bflag:$0x2] =	sbarrier.arrive $0xFFFF  }
0x2f8: {  	[sflag:s0] =	ssyncadd.tile.s32 @!p0 $0x1;
	_ =	shalt  }
.Lfunc_end2:
_tile_overlayer_lowered:
.L_overlay_start_2:
0x2f9: {  	(tag) =	ssettag $0x2  }
0x2fa: {  	s0 =	rddreg [dreg:$0x0];
	s2 =	stileid.u32  }
0x2fb: {  	s1 =	rddreg [dreg:$0x1];
	p0 =	sne.s32 s2, $0x0  }
0x2fc: {  	s3 =	rddreg [dreg:$0x2];
	[bflag:$0x3] =	sbarrier.arrive $0xFFFF;
	s2 =	simm.s32 @!p0 $0x1C05  }
0x2fd: {  	[timem:s3], [sflag:s2] =	dma.local @!p0 [hbm:s0], s1  }
0x2fe: {  	s0 =	simm.s32 @!p0 $0x5  }
0x2ff: {  	_ =	swait.ge @!p0 [sflag:s0], s1  }
0x300: {  	s1 =	ssub.s32 @!p0 $0x0, s1;
	[sflag:s0] =	ssyncset.done @!p0 $0x0  }
0x301: {  	[sflag:s0] =	ssyncadd.s32 @!p0 s1  }
0x302: {  	[bflag:$0x3] =	sbarrier.arrive $0xFFFF  }
0x303: {  	_ =	shalt  }

</sc_bundles>
